<compile_context>
chip_gen: v7x
topology: tpu7x:2x2x1
jax: 0.10.2.dev20260603
libtpu: 0.0.44.dev20260713+nightly
codegen_flags: <defaults>
</compile_context>

<pallas_src>
import jax
import jax.numpy as jnp
from jax.experimental import pallas as pl
from jax.experimental.pallas import tpu as pltpu
from jax.experimental.pallas import tpu_sc as plsc


_EPS = 1e-5
_SELU_ALPHA = 1.6732632423543772
_SELU_SCALE = 1.0507009873554805


def _selu(v):
    return _SELU_SCALE * jnp.where(v > 0, v, _SELU_ALPHA * (jnp.exp(v) - 1.0))



def _topk_kernel(p_ref, q_ref, idx_ref, *, n, k):
    b = pl.program_id(0)
    p = p_ref[0]
    q = q_ref[0]
    tm = q.shape[0]
    sp = jnp.sum(p * p, axis=0, keepdims=True)
    sq = jnp.sum(q * q, axis=1, keepdims=True)
    qb = q.astype(jnp.bfloat16)
    pb = p.astype(jnp.bfloat16)
    dot = jax.lax.dot_general(qb, pb, (((1,), (0,)), ((), ())),
                              preferred_element_type=jnp.float32)
    d = (sq + sp) - 2.0 * dot
    iota = jax.lax.broadcasted_iota(jnp.int32, d.shape, 1)
    iota_k = jax.lax.broadcasted_iota(jnp.int32, (tm, k), 1)
    base = b * n
    zk_i = jnp.zeros((tm, k), jnp.int32)

    def body(j, carry):
        dd, ia, am_prev = carry
        dd = jnp.where(iota == am_prev, jnp.float32(jnp.inf), dd)
        mv = jnp.min(dd, axis=1, keepdims=True)
        am = jnp.min(jnp.where(dd == mv, iota, jnp.int32(n)), axis=1,
                     keepdims=True)
        ia = jnp.where(iota_k == j, am + base, ia)
        return dd, ia, am

    _, ia, _ = jax.lax.fori_loop(
        0, k, body, (d, zk_i, jnp.full((tm, 1), -1, jnp.int32)))
    idx_ref[0] = ia


def _run_topk(p, q, tm, k):
    bb, _, n = p.shape
    m = q.shape[1]
    return pl.pallas_call(
        lambda pr, qr, ir: _topk_kernel(pr, qr, ir, n=n, k=k),
        grid=(bb, m // tm),
        in_specs=[
            pl.BlockSpec((1, 3, n), lambda b, i: (b, 0, 0)),
            pl.BlockSpec((1, tm, 3), lambda b, i: (b, i, 0)),
        ],
        out_specs=pl.BlockSpec((1, tm, k), lambda b, i: (b, i, 0)),
        out_shape=jax.ShapeDtypeStruct((bb, m, k), jnp.int32),
    )(p, q)



def _sc_gather(data, idx_flat, win):
    n_idx = idx_flat.shape[1]
    width = data.shape[1]
    mesh = plsc.VectorSubcoreMesh(core_axis_name="c", subcore_axis_name="s")

    @pl.kernel(out_type=jax.ShapeDtypeStruct((n_idx, width), data.dtype),
               mesh=mesh)
    def gk(x_hbm, i_hbm, o_hbm):
        def body(i_vmem, o_vmem):
            pltpu.sync_copy(x_hbm.at[i_vmem.at[0]], o_vmem)

        pltpu.emit_pipeline(
            body,
            grid=(n_idx // win,),
            in_specs=[pl.BlockSpec((1, win), index_map=lambda i: (0, i))],
            out_specs=[pl.BlockSpec((win, width), index_map=lambda i: (i, 0))],
            core_axis_name=("c", "s"),
            dimension_semantics=(pltpu.PARALLEL,),
        )(i_hbm, o_hbm)

    return gk(data, idx_flat)



def _moments_kernel(ps_ref, q_ref, g_ref, s_ref, *, k):
    i = pl.program_id(0)
    q16 = q_ref[...]
    cols = [ps_ref[:, j, 0:16] - q16 for j in range(k)]
    cat = jnp.concatenate(cols, axis=1)
    g = jax.lax.dot_general(cat, cat, (((0,), (0,)), ((), ())),
                            preferred_element_type=jnp.float32)
    s = jnp.sum(cat, axis=0, keepdims=True)
    srow = jnp.concatenate(
        [s, jnp.zeros((7, s.shape[1]), jnp.float32)], axis=0)

    @pl.when(i == 0)
    def _():
        g_ref[...] = g
        s_ref[...] = srow

    @pl.when(i > 0)
    def _():
        g_ref[...] += g
        s_ref[...] += srow


def _run_moments(ps3, q16, tmm, k):
    bm = ps3.shape[0]
    w = 16 * k
    return pl.pallas_call(
        lambda a, b, c, d: _moments_kernel(a, b, c, d, k=k),
        grid=(bm // tmm,),
        in_specs=[
            pl.BlockSpec((tmm, k, 128), lambda i: (i, 0, 0)),
            pl.BlockSpec((tmm, 16), lambda i: (i, 0)),
        ],
        out_specs=[
            pl.BlockSpec((w, w), lambda i: (0, 0)),
            pl.BlockSpec((8, w), lambda i: (0, 0)),
        ],
        out_shape=[
            jax.ShapeDtypeStruct((w, w), jnp.float32),
            jax.ShapeDtypeStruct((8, w), jnp.float32),
        ],
    )(ps3, q16)



def _mlp_kernel(ps_ref, q_ref, w1q_ref, b1_ref, w2t_ref, wt1p_ref,
                bt1_ref, wt2t_ref, h2_ref, t2_ref, st_ref, *, k, mid):
    i = pl.program_id(0)
    tm2 = ps_ref.shape[0]
    ph3 = ps_ref[:, :, 0:16] - q_ref[...][:, None, :]

    phf = ph3.reshape(tm2 * k, 16)
    h1f = jax.lax.dot_general(phf, w1q_ref[...], (((1,), (0,)), ((), ())),
                              preferred_element_type=jnp.float32)
    h1f = _selu(h1f + b1_ref[...])
    h2f = jax.lax.dot_general(h1f, w2t_ref[...], (((1,), (0,)), ((), ())),
                              preferred_element_type=jnp.float32)
    h2_ref[...] = h2f.reshape(tm2, k, mid)

    t1 = bt1_ref[...]
    for j in range(k):
        t1 = t1 + jax.lax.dot_general(
            ph3[:, j, :], wt1p_ref[j], (((1,), (0,)), ((), ())),
            preferred_element_type=jnp.float32)
    t1 = _selu(t1)
    t2 = jax.lax.dot_general(t1, wt2t_ref[...], (((1,), (0,)), ((), ())),
                             preferred_element_type=jnp.float32)
    t2_ref[...] = t2

    kk = t2.shape[1]
    pad = jnp.zeros((1, kk), jnp.float32)
    row = jnp.concatenate([
        jnp.sum(h2f, axis=0, keepdims=True),
        jnp.sum(h2f * h2f, axis=0, keepdims=True),
        jnp.sum(t2, axis=0, keepdims=True),
        jnp.sum(t2 * t2, axis=0, keepdims=True),
        pad, pad, pad, pad], axis=0)

    @pl.when(i == 0)
    def _():
        st_ref[...] = row

    @pl.when(i > 0)
    def _():
        st_ref[...] += row


def _run_mlps(ps3, q16, w1q, b1e, w2t, wt1p, bt1e, wt2t, tm2, k, mid):
    bm = ps3.shape[0]
    kk = wt2t.shape[1]
    return pl.pallas_call(
        lambda *a: _mlp_kernel(*a, k=k, mid=mid),
        grid=(bm // tm2,),
        in_specs=[
            pl.BlockSpec((tm2, k, 128), lambda i: (i, 0, 0)),
            pl.BlockSpec((tm2, 16), lambda i: (i, 0)),
            pl.BlockSpec((16, mid), lambda i: (0, 0)),
            pl.BlockSpec((1, mid), lambda i: (0, 0)),
            pl.BlockSpec((mid, mid), lambda i: (0, 0)),
            pl.BlockSpec((k, 16, kk), lambda i: (0, 0, 0)),
            pl.BlockSpec((1, kk), lambda i: (0, 0)),
            pl.BlockSpec((kk, kk), lambda i: (0, 0)),
        ],
        out_specs=[
            pl.BlockSpec((tm2, k, mid), lambda i: (i, 0, 0)),
            pl.BlockSpec((tm2, kk), lambda i: (i, 0)),
            pl.BlockSpec((8, kk), lambda i: (0, 0)),
        ],
        out_shape=[
            jax.ShapeDtypeStruct((bm, k, mid), jnp.float32),
            jax.ShapeDtypeStruct((bm, kk), jnp.float32),
            jax.ShapeDtypeStruct((8, kk), jnp.float32),
        ],
    )(ps3, q16, w1q, b1e, w2t, wt1p, bt1e, wt2t)



def _final_kernel(h2_ref, t2_ref, xs_ref, p2_ref, wt3t_ref, wfr_ref,
                  out_ref, st_ref, *, k, cout):
    b = pl.program_id(0)
    i = pl.program_id(1)
    a2 = p2_ref[0:1, :]
    c2 = p2_ref[1:2, :]
    at2 = p2_ref[2:3, :]
    ct2 = p2_ref[3:4, :]

    hh = _selu(h2_ref[...] * a2[None] + c2[None])
    tt = _selu(t2_ref[...] * at2 + ct2)
    t3 = jax.lax.dot_general(tt, wt3t_ref[...], (((1,), (0,)), ((), ())),
                             preferred_element_type=jnp.float32)
    xh = jnp.concatenate([hh, xs_ref[...]], axis=2)
    tm3 = xh.shape[0]

    acc = jnp.zeros((cout, tm3), jnp.float32)
    for kk_ in range(k):
        xm = t3[:, k * kk_:k * kk_ + 1] * xh[:, 0, :]
        for j in range(1, k):
            xm = xm + t3[:, k * kk_ + j:k * kk_ + j + 1] * xh[:, j, :]
        acc = acc + jax.lax.dot_general(
            wfr_ref[kk_], xm, (((0,), (1,)), ((), ())),
            preferred_element_type=jnp.float32)
    out_ref[0] = acc

    row = jnp.concatenate([
        jnp.sum(acc, axis=1, keepdims=True),
        jnp.sum(acc * acc, axis=1, keepdims=True),
        jnp.zeros((cout, 6), jnp.float32)], axis=1)

    first = jnp.logical_and(b == 0, i == 0)

    @pl.when(first)
    def _():
        st_ref[...] = row

    @pl.when(jnp.logical_not(first))
    def _():
        st_ref[...] += row


def _run_final(h2raw, t2raw, x_sel3, p2, wt3t, wfr, bb, m, tm3, k, cout):
    cin = x_sel3.shape[2]
    mid = h2raw.shape[2]
    kk = t2raw.shape[1]
    nt = m // tm3
    return pl.pallas_call(
        lambda *a: _final_kernel(*a, k=k, cout=cout),
        grid=(bb, nt),
        in_specs=[
            pl.BlockSpec((tm3, k, mid), lambda b, i: (b * nt + i, 0, 0)),
            pl.BlockSpec((tm3, kk), lambda b, i: (b * nt + i, 0)),
            pl.BlockSpec((tm3, k, cin), lambda b, i: (b * nt + i, 0, 0)),
            pl.BlockSpec((8, kk), lambda b, i: (0, 0)),
            pl.BlockSpec((kk, kk), lambda b, i: (0, 0)),
            pl.BlockSpec((k, mid + cin, cout), lambda b, i: (0, 0, 0)),
        ],
        out_specs=[
            pl.BlockSpec((1, cout, tm3), lambda b, i: (b, 0, i)),
            pl.BlockSpec((cout, 8), lambda b, i: (0, 0)),
        ],
        out_shape=[
            jax.ShapeDtypeStruct((bb, cout, m), jnp.float32),
            jax.ShapeDtypeStruct((cout, 8), jnp.float32),
        ],
    )(h2raw, t2raw, x_sel3, p2, wt3t, wfr)



def _bnout_kernel(o_ref, pf_ref, out_ref):
    af = pf_ref[:, 0:1]
    cf = pf_ref[:, 1:2]
    out_ref[0] = _selu(o_ref[0] * af + cf)


def _run_bnout(oraw, pf, tm4):
    bb, cout, m = oraw.shape
    return pl.pallas_call(
        _bnout_kernel,
        grid=(bb, m // tm4),
        in_specs=[
            pl.BlockSpec((1, cout, tm4), lambda b, i: (b, 0, i)),
            pl.BlockSpec((cout, 8), lambda b, i: (0, 0)),
        ],
        out_specs=pl.BlockSpec((1, cout, tm4), lambda b, i: (b, 0, i)),
        out_shape=jax.ShapeDtypeStruct((bb, cout, m), jnp.float32),
    )(oraw, pf)



def kernel(p, x, q, W1, g1, b1, W2, g2, b2, Wt1, gt1, bt1, Wt2, gt2, bt2,
           Wt3, Wf, gf, bf):
    bb, _, n = p.shape
    m = q.shape[1]
    cin = x.shape[1]
    cout, _, _, k = Wf.shape
    mid = W1.shape[0]
    kk = Wt1.shape[0]
    bm = bb * m
    bmk = bm * k

    tm = min(256, m)
    tmm = min(1024, bm)
    tm2 = min(512, bm)
    tm3 = min(512, m)
    tm4 = min(1024, m)

    idx = _run_topk(p, q, tm, k)
    idx_flat = idx.reshape(1, bmk)

    ptp = jnp.pad(jnp.transpose(p, (0, 2, 1)),
                  ((0, 0), (0, 0), (0, 125))).reshape(bb * n, 128)
    xt = jnp.transpose(x, (0, 2, 1)).reshape(bb * n, cin)
    p_sel = _sc_gather(ptp, idx_flat, 128)
    x_sel = _sc_gather(xt, idx_flat, 128)
    ps3 = p_sel.reshape(bm, k, 128)
    x_sel3 = x_sel.reshape(bm, k, cin)
    q16 = jnp.pad(q.reshape(bm, 3), ((0, 0), (0, 13)))

    g128, s128 = _run_moments(ps3, q16, tmm, k)
    s128 = s128[0]
    g4 = g128.reshape(k, 16, k, 16)[:, 0:3, :, 0:3]
    s2d = s128.reshape(k, 16)[:, 0:3]

    w1m = W1.reshape(mid, 3)
    mu3 = jnp.sum(s2d, axis=0) / bmk
    s3 = jnp.einsum('iaib->ab', g4) / bmk
    mean1 = w1m @ mu3
    e2 = jnp.sum((w1m @ s3) * w1m, axis=1)
    var1 = jnp.maximum(e2 - mean1 * mean1, 0.0)
    a1 = g1 / jnp.sqrt(var1 + _EPS)
    c1 = b1 - a1 * mean1
    w1q = jnp.pad((w1m.T * a1[None, :]), ((0, 13), (0, 0)))
    b1e = c1.reshape(1, mid)

    wt1sq = Wt1[:, :, 0, :]
    wt1km = jnp.transpose(wt1sq, (0, 2, 1)).reshape(kk, 3 * k)
    mu24 = (s2d / bm).reshape(3 * k)
    m24 = jnp.transpose(g4, (0, 1, 2, 3)).reshape(k, 3, k, 3)
    m24 = jnp.reshape(m24, (3 * k, 3 * k)) / bm
    meant1 = wt1km @ mu24
    e2t = jnp.sum((wt1km @ m24) * wt1km, axis=1)
    vart1 = jnp.maximum(e2t - meant1 * meant1, 0.0)
    at1 = gt1 / jnp.sqrt(vart1 + _EPS)
    ct1 = bt1 - at1 * meant1
    wt1p = jnp.pad(jnp.transpose(wt1sq, (2, 1, 0)) * at1[None, None, :],
                   ((0, 0), (0, 13), (0, 0)))
    bt1e = ct1.reshape(1, kk)

    w2t = W2[:, :, 0, 0].T
    wt2t = Wt2[:, :, 0, 0].T
    h2raw, t2raw, st2 = _run_mlps(ps3, q16, w1q, b1e, w2t, wt1p,
                                  bt1e, wt2t, tm2, k, mid)

    mean2 = st2[0] / bmk
    var2 = jnp.maximum(st2[1] / bmk - mean2 * mean2, 0.0)
    a2 = g2 / jnp.sqrt(var2 + _EPS)
    c2 = b2 - a2 * mean2
    meant2 = st2[2] / bm
    vart2 = jnp.maximum(st2[3] / bm - meant2 * meant2, 0.0)
    at2 = gt2 / jnp.sqrt(vart2 + _EPS)
    ct2 = bt2 - at2 * meant2
    p2 = jnp.stack([
        jnp.pad(a2, (0, kk - mid)), jnp.pad(c2, (0, kk - mid)),
        at2, ct2,
        jnp.zeros((kk,)), jnp.zeros((kk,)), jnp.zeros((kk,)),
        jnp.zeros((kk,))], axis=0)
    p2 = p2.astype(jnp.float32)

    wt3t = Wt3[:, :, 0, 0].T
    wfr = jnp.transpose(Wf[:, :, 0, :], (2, 1, 0))
    oraw, stf = _run_final(h2raw, t2raw, x_sel3, p2, wt3t, wfr,
                           bb, m, tm3, k, cout)

    meanf = stf[:, 0] / bm
    varf = jnp.maximum(stf[:, 1] / bm - meanf * meanf, 0.0)
    af = gf / jnp.sqrt(varf + _EPS)
    cf = bf - af * meanf
    pf = jnp.concatenate([af.reshape(cout, 1), cf.reshape(cout, 1),
                          jnp.zeros((cout, 6), jnp.float32)], axis=1)

    out = _run_bnout(oraw, pf, tm4)
    q_out = jnp.transpose(q, (0, 2, 1))
    return (q_out, out)

# --- scband reference (transcript-rebuilt; emitter-appended) ---
"""Pipeline reference for scband-xconv-3272765079553 (READ-ONLY COPY).

The authoritative reference and input builder live on the scoring server;
editing this copy changes nothing except your own understanding.
"""

import jax, jax.numpy as jnp
import numpy as np

B, N, M, K, CIN, COUT = 4, 8192, 1024, 8, 128, 256
MID = COUT // 4
DN = ('NCHW', 'OIHW', 'NCHW')


def conv2d(x, w):
    return jax.lax.conv_general_dilated(x, w, (1, 1), 'VALID', dimension_numbers=DN)


def bn(x, g, b):
    m = jnp.mean(x, axis=(0, 2, 3), keepdims=True)
    v = jnp.var(x, axis=(0, 2, 3), keepdims=True)
    return g.reshape(1, -1, 1, 1) * (x - m) / jnp.sqrt(v + 1e-5) + b.reshape(1, -1, 1, 1)


def setup_inputs(seed: int = 0):
    key = jax.random.key(seed)
    ks = jax.random.split(key, 16)
    inp = {}
    inp['p'] = jax.random.normal(ks[0], (B, 3, N), jnp.float32)
    inp['x'] = jax.random.normal(ks[1], (B, CIN, N), jnp.float32)
    inp['q'] = jax.random.normal(ks[2], (B, M, 3), jnp.float32)
    inp['W1'] = jax.random.normal(ks[3], (MID, 3, 1, 1), jnp.float32) * 0.1
    inp['g1'] = jnp.ones((MID,), jnp.float32)
    inp['b1'] = jnp.zeros((MID,), jnp.float32)
    inp['W2'] = jax.random.normal(ks[4], (MID, MID, 1, 1), jnp.float32) * 0.1
    inp['g2'] = jnp.ones((MID,), jnp.float32)
    inp['b2'] = jnp.zeros((MID,), jnp.float32)
    inp['Wt1'] = jax.random.normal(ks[5], (K * K, 3, 1, K), jnp.float32) * 0.1
    inp['gt1'] = jnp.ones((K * K,), jnp.float32)
    inp['bt1'] = jnp.zeros((K * K,), jnp.float32)
    inp['Wt2'] = jax.random.normal(ks[6], (K * K, K * K, 1, 1), jnp.float32) * 0.1
    inp['gt2'] = jnp.ones((K * K,), jnp.float32)
    inp['bt2'] = jnp.zeros((K * K,), jnp.float32)
    inp['Wt3'] = jax.random.normal(ks[7], (K * K, K * K, 1, 1), jnp.float32) * 0.1
    inp['Wf'] = jax.random.normal(ks[8], (COUT, CIN + MID, 1, K), jnp.float32) * 0.05
    inp['gf'] = jnp.ones((COUT,), jnp.float32)
    inp['bf'] = jnp.zeros((COUT,), jnp.float32)
    return inp


def reference(p, x, q, W1, g1, b1, W2, g2, b2, Wt1, gt1, bt1, Wt2, gt2, bt2, Wt3, Wf, gf, bf):
    selu = jax.nn.selu
    pt = jnp.transpose(p, (0, 2, 1))  # [B, N, 3]
    # exact kNN: squared distances q->p, take K smallest (dilation=1)
    d = (jnp.sum(q * q, -1)[:, :, None] + jnp.sum(pt * pt, -1)[:, None, :]
         - 2.0 * jnp.einsum('bmd,bnd->bmn', q, pt))  # [B, M, N]
    _, idx = jax.lax.top_k(-d, K)  # [B, M, K]
    gather = jax.vmap(lambda arr, ind: arr[ind])
    p_sel = gather(pt, idx)  # [B, M, K, 3]
    p_hat = p_sel - q[:, :, None, :]  # [B, M, K, 3]
    ph = jnp.transpose(p_hat, (0, 3, 1, 2))  # [B, 3, M, K]
    # mlp1
    h = selu(bn(conv2d(ph, W1), g1, b1))
    h = selu(bn(conv2d(h, W2), g2, b2))  # [B, MID, M, K]
    x_hat = jnp.transpose(h, (0, 2, 3, 1))  # [B, M, K, MID]
    xt = jnp.transpose(x, (0, 2, 1))  # [B, N, CIN]
    x_sel = gather(xt, idx)  # [B, M, K, CIN]
    x_hat = jnp.concatenate([x_hat, x_sel], axis=-1)  # [B, M, K, MID+CIN]
    # mlp2 -> X-transform T
    T = selu(bn(conv2d(ph, Wt1), gt1, bt1))  # [B, K*K, M, 1]
    T = selu(bn(conv2d(T, Wt2), gt2, bt2))
    T = conv2d(T, Wt3)  # [B, K*K, M, 1]
    T = T.reshape(p.shape[0], K, K, -1)  # [B, K, K, M]
    T = jnp.transpose(T, (0, 3, 1, 2))  # [B, M, K, K]
    xm = jnp.matmul(T, x_hat)  # [B, M, K, MID+CIN]
    xm = jnp.transpose(xm, (0, 3, 1, 2))  # [B, MID+CIN, M, K]
    out = bn(conv2d(xm, Wf), gf, bf)  # [B, COUT, M, 1]
    out = jnp.squeeze(out, 3)
    out = selu(out)
    q_out = jnp.transpose(q, (0, 2, 1))  # [B, 3, M]
    return (q_out, out)

if __name__ == "__main__":
    import jax
    _d = setup_inputs()
    print(jax.jit(kernel)(*tuple(_d.values())))

</pallas_src>

<mosaic_0001>
#map = affine_map<(d0, d1) -> (0, 0)>
module attributes {stable_mosaic.version = 14 : i64} {
  func.func @gk(%arg0: i32, %arg1: i32, %arg2: memref<32768x128xf32, #tpu.memory_space<hbm>>, %arg3: memref<1x32768xi32, #tpu.memory_space<hbm>>, %arg4: memref<32768x128xf32, #tpu.memory_space<hbm>>) attributes {dimension_semantics = [#tpu.dimension_semantics<core_parallel>, #tpu.dimension_semantics<subcore_parallel>], iteration_bounds = array<i64: 2, 16>, scalar_prefetch = 0 : i64, scratch_operands = 0 : i64, tpu.core_type = #tpu.core_type<sc_vector_subcore>, window_params = [{transform_indices = #map}, {transform_indices = #map}, {transform_indices = #map}]} {
    %mul3A = arith.constant 1 : i32
    %mul3A_0 = arith.muli %arg1, %mul3A : i32
    %add3A = arith.constant 0 : i32
    %add3A_1 = arith.addi %add3A, %mul3A_0 : i32
    %mul3A_2 = arith.constant 16 : i32
    %mul3A_3 = arith.muli %arg0, %mul3A_2 : i32
    %add3A_4 = arith.addi %add3A_1, %mul3A_3 : i32
    %mul3A_5 = arith.constant 8 : i32
    %mul3A_6 = arith.muli %add3A_4, %mul3A_5 : i32
    "tpu.region"() ({
      %run_scoped3A = memref.alloca() : memref<2x1x128xi32, #tpu.memory_space<vmem>>
      %run_scoped3A_7 = tpu.sem_alloc : memref<2x!tpu.dma_semaphore, #tpu.memory_space<semaphore_mem>>
      %run_scoped3A_8 = memref.alloca() : memref<2x128x128xf32, #tpu.memory_space<vmem>>
      %run_scoped3A_9 = tpu.sem_alloc : memref<2x!tpu.dma_semaphore, #tpu.memory_space<semaphore_mem>>
      %add3A_10 = arith.constant 0 : i32
      %add3A_11 = arith.addi %add3A_10, %mul3A_6 : i32
      %select_n3A = arith.constant true
      %select_n3A_12 = arith.constant 0 : i32
      %select_n3A_13 = arith.constant -1 : i32
      %select_n3A_14 = arith.select %select_n3A, %select_n3A_13, %select_n3A_12 : i32
      %eq3A = arith.constant -1 : i32
      %eq3A_15 = arith.cmpi eq, %select_n3A_14, %eq3A : i32
      %select_n3A_16 = arith.constant 7 : i32
      %select_n3A_17 = arith.select %eq3A_15, %select_n3A_16, %select_n3A_14 : i32
      %add3A_18 = arith.addi %select_n3A_17, %mul3A_6 : i32
      %select_n3A_19 = arith.constant true
      %select_n3A_20 = arith.constant 0 : i32
      %select_n3A_21 = arith.constant 1 : i32
      %select_n3A_22 = arith.select %select_n3A_19, %select_n3A_21, %select_n3A_20 : i32
      %eq3A_23 = arith.constant 8 : i32
      %eq3A_24 = arith.cmpi eq, %select_n3A_22, %eq3A_23 : i32
      %select_n3A_25 = arith.constant 0 : i32
      %select_n3A_26 = arith.select %eq3A_24, %select_n3A_25, %select_n3A_22 : i32
      %add3A_27 = arith.addi %select_n3A_26, %mul3A_6 : i32
      %add3A_28 = arith.constant 1 : i32
      %add3A_29 = arith.addi %select_n3A_26, %add3A_28 : i32
      %select_n3A_30 = arith.constant true
      %select_n3A_31 = arith.select %select_n3A_30, %add3A_29, %select_n3A_26 : i32
      %eq3A_32 = arith.constant 8 : i32
      %eq3A_33 = arith.cmpi eq, %select_n3A_31, %eq3A_32 : i32
      %select_n3A_34 = arith.constant 0 : i32
      %select_n3A_35 = arith.select %eq3A_33, %select_n3A_34, %select_n3A_31 : i32
      %add3A_36 = arith.addi %select_n3A_35, %mul3A_6 : i32
      "tpu.trace_start"() <{level = 10 : i32, message = "ep_initialize_0"}> : () -> ()
      %rem3A = arith.constant 0 : i32
      %rem3A_37 = arith.constant 2 : i32
      %rem3A_38 = arith.remui %rem3A, %rem3A_37 : i32
      %mul3A_39 = arith.constant 128 : i32
      %mul3A_40 = arith.muli %mul3A_39, %add3A_11 : i32
      %dma_start3A = arith.constant 0 : i32
      %dma_start3A_41 = arith.constant 0 : i32
      %dma_start3A_42 = tpu.memref_slice %run_scoped3A[%rem3A_38, %dma_start3A, %dma_start3A_41] : memref<2x1x128xi32, #tpu.memory_space<vmem>> -> memref<1x1x128xi32, #tpu.memory_space<vmem>>
      %dma_start3A_43 = tpu.memref_squeeze %dma_start3A_42 : memref<1x1x128xi32, #tpu.memory_space<vmem>> -> memref<1x128xi32, #tpu.memory_space<vmem>>
      %dma_start3A_44 = arith.constant 0 : i32
      %dma_start3A_45 = tpu.memref_slice %arg3[%dma_start3A_44, %mul3A_40] : memref<1x32768xi32, #tpu.memory_space<hbm>> -> memref<1x128xi32, #tpu.memory_space<hbm>>
      %dma_start3A_46 = tpu.memref_slice %run_scoped3A_7[%rem3A_38] : memref<2x!tpu.dma_semaphore, #tpu.memory_space<semaphore_mem>> -> memref<1x!tpu.dma_semaphore, #tpu.memory_space<semaphore_mem>>
      %dma_start3A_47 = tpu.memref_squeeze %dma_start3A_46 : memref<1x!tpu.dma_semaphore, #tpu.memory_space<semaphore_mem>> -> memref<!tpu.dma_semaphore, #tpu.memory_space<semaphore_mem>>
      %dma_start3A_48 = arith.constant 0 : i32
      %dma_start3A_49 = arith.constant 0 : i32
      %dma_start3A_50 = tpu.memref_slice %run_scoped3A[%rem3A_38, %dma_start3A_48, %dma_start3A_49] : memref<2x1x128xi32, #tpu.memory_space<vmem>> -> memref<1x1x128xi32, #tpu.memory_space<vmem>>
      %dma_start3A_51 = tpu.memref_squeeze %dma_start3A_50 : memref<1x1x128xi32, #tpu.memory_space<vmem>> -> memref<1x128xi32, #tpu.memory_space<vmem>>
      %dma_start3A_52 = arith.constant 0 : i32
      %dma_start3A_53 = tpu.memref_slice %arg3[%dma_start3A_52, %mul3A_40] : memref<1x32768xi32, #tpu.memory_space<hbm>> -> memref<1x128xi32, #tpu.memory_space<hbm>>
      tpu.enqueue_dma source(%dma_start3A_53 : memref<1x128xi32, #tpu.memory_space<hbm>>) target(%dma_start3A_51 : memref<1x128xi32, #tpu.memory_space<vmem>>) target_semaphore(%dma_start3A_47 : memref<!tpu.dma_semaphore, #tpu.memory_space<semaphore_mem>>)
      %add3A_54 = arith.constant 0 : i32
      %add3A_55 = arith.constant 1 : i32
      %add3A_56 = arith.addi %add3A_54, %add3A_55 : i32
      %select_n3A_57 = arith.constant true
      %select_n3A_58 = arith.constant 0 : i32
      %select_n3A_59 = arith.select %select_n3A_57, %add3A_56, %select_n3A_58 : i32
      "tpu.trace_stop"() : () -> ()
      %scan3A = arith.constant 0 : i32
      %scan3A_60 = arith.constant 0 : i32
      %scan3A_61 = arith.constant 0 : i32
      %scan3A_62 = arith.constant 0 : i32
      %scan3A_63 = arith.constant 0 : i32
      %scan3A_64 = arith.constant 8 : i32
      %scan3A_65 = arith.addi %scan3A_63, %scan3A_64 : i32
      %scan3A_66 = arith.constant 1 : i32
      %scan3A_67:5 = scf.for %scan3A_121 = %scan3A_63 to %scan3A_65 step %scan3A_66 iter_args(%scan3A_122 = %select_n3A_59, %scan3A_123 = %scan3A, %scan3A_124 = %scan3A_60, %scan3A_125 = %scan3A_61, %scan3A_126 = %scan3A_62) -> (i32, i32, i32, i32, i32)  : i32 {
        %eq3A_127 = arith.constant 0 : i32
        %eq3A_128 = arith.cmpi eq, %scan3A_121, %eq3A_127 : i32
        %eq3A_129 = arith.constant 7 : i32
        %eq3A_130 = arith.cmpi eq, %scan3A_121, %eq3A_129 : i32
        %add3A_131 = arith.addi %scan3A_126, %mul3A_6 : i32
        %sub3A_132 = arith.constant 1 : i32
        %sub3A_133 = arith.subi %scan3A_126, %sub3A_132 : i32
        %select_n3A_134 = arith.constant true
        %select_n3A_135 = arith.select %select_n3A_134, %sub3A_133, %scan3A_126 : i32
        %eq3A_136 = arith.constant -1 : i32
        %eq3A_137 = arith.cmpi eq, %select_n3A_135, %eq3A_136 : i32
        %select_n3A_138 = arith.constant 7 : i32
        %select_n3A_139 = arith.select %eq3A_137, %select_n3A_138, %select_n3A_135 : i32
        %add3A_140 = arith.addi %select_n3A_139, %mul3A_6 : i32
        %add3A_141 = arith.constant 1 : i32
        %add3A_142 = arith.addi %scan3A_126, %add3A_141 : i32
        %select_n3A_143 = arith.constant true
        %select_n3A_144 = arith.select %select_n3A_143, %add3A_142, %scan3A_126 : i32
        %eq3A_145 = arith.constant 8 : i32
        %eq3A_146 = arith.cmpi eq, %select_n3A_144, %eq3A_145 : i32
        %select_n3A_147 = arith.constant 0 : i32
        %select_n3A_148 = arith.select %eq3A_146, %select_n3A_147, %select_n3A_144 : i32
        %add3A_149 = arith.addi %select_n3A_148, %mul3A_6 : i32
        %add3A_150 = arith.constant 1 : i32
        %add3A_151 = arith.addi %select_n3A_148, %add3A_150 : i32
        %select_n3A_152 = arith.constant true
        %select_n3A_153 = arith.select %select_n3A_152, %add3A_151, %select_n3A_148 : i32
        %eq3A_154 = arith.constant 8 : i32
        %eq3A_155 = arith.cmpi eq, %select_n3A_153, %eq3A_154 : i32
        %select_n3A_156 = arith.constant 0 : i32
        %select_n3A_157 = arith.select %eq3A_155, %select_n3A_156, %select_n3A_153 : i32
        %add3A_158 = arith.addi %select_n3A_157, %mul3A_6 : i32
        %ne3A = arith.cmpi ne, %add3A_131, %add3A_149 : i32
        %or3A = arith.constant false
        %or3A_159 = arith.ori %or3A, %ne3A : i1
        %ge3A = arith.constant 7 : i32
        %ge3A_160 = arith.cmpi sge, %scan3A_121, %ge3A : i32
        %not3A = arith.constant true
        %not3A_161 = arith.xori %ge3A_160, %not3A : i1
        %and3A = arith.andi %or3A_159, %not3A_161 : i1
        %convert_element_type3A = arith.extui %and3A : i1 to i32
        %cond3A = arith.constant 0 : i32
        %cond3A_162 = arith.cmpi ne, %convert_element_type3A, %cond3A : i32
        scf.if %cond3A_162 {
          "tpu.trace_start"() <{level = 10 : i32, message = "ep_copy_in"}> : () -> ()
          %rem3A_264 = arith.constant 2 : i32
          %rem3A_265 = arith.remui %scan3A_122, %rem3A_264 : i32
          %mul3A_266 = arith.constant 128 : i32
          %mul3A_267 = arith.muli %mul3A_266, %add3A_149 : i32
          %dma_start3A_268 = arith.constant 0 : i32
          %dma_start3A_269 = arith.constant 0 : i32
          %dma_start3A_270 = tpu.memref_slice %run_scoped3A[%rem3A_265, %dma_start3A_268, %dma_start3A_269] : memref<2x1x128xi32, #tpu.memory_space<vmem>> -> memref<1x1x128xi32, #tpu.memory_space<vmem>>
          %dma_start3A_271 = tpu.memref_squeeze %dma_start3A_270 : memref<1x1x128xi32, #tpu.memory_space<vmem>> -> memref<1x128xi32, #tpu.memory_space<vmem>>
          %dma_start3A_272 = arith.constant 0 : i32
          %dma_start3A_273 = tpu.memref_slice %arg3[%dma_start3A_272, %mul3A_267] : memref<1x32768xi32, #tpu.memory_space<hbm>> -> memref<1x128xi32, #tpu.memory_space<hbm>>
          %dma_start3A_274 = tpu.memref_slice %run_scoped3A_7[%rem3A_265] : memref<2x!tpu.dma_semaphore, #tpu.memory_space<semaphore_mem>> -> memref<1x!tpu.dma_semaphore, #tpu.memory_space<semaphore_mem>>
          %dma_start3A_275 = tpu.memref_squeeze %dma_start3A_274 : memref<1x!tpu.dma_semaphore, #tpu.memory_space<semaphore_mem>> -> memref<!tpu.dma_semaphore, #tpu.memory_space<semaphore_mem>>
          %dma_start3A_276 = arith.constant 0 : i32
          %dma_start3A_277 = arith.constant 0 : i32
          %dma_start3A_278 = tpu.memref_slice %run_scoped3A[%rem3A_265, %dma_start3A_276, %dma_start3A_277] : memref<2x1x128xi32, #tpu.memory_space<vmem>> -> memref<1x1x128xi32, #tpu.memory_space<vmem>>
          %dma_start3A_279 = tpu.memref_squeeze %dma_start3A_278 : memref<1x1x128xi32, #tpu.memory_space<vmem>> -> memref<1x128xi32, #tpu.memory_space<vmem>>
          %dma_start3A_280 = arith.constant 0 : i32
          %dma_start3A_281 = tpu.memref_slice %arg3[%dma_start3A_280, %mul3A_267] : memref<1x32768xi32, #tpu.memory_space<hbm>> -> memref<1x128xi32, #tpu.memory_space<hbm>>
          tpu.enqueue_dma source(%dma_start3A_281 : memref<1x128xi32, #tpu.memory_space<hbm>>) target(%dma_start3A_279 : memref<1x128xi32, #tpu.memory_space<vmem>>) target_semaphore(%dma_start3A_275 : memref<!tpu.dma_semaphore, #tpu.memory_space<semaphore_mem>>)
          "tpu.trace_stop"() : () -> ()
        } else {
        }
        %and3A_163 = arith.constant true
        %and3A_164 = arith.andi %and3A, %and3A_163 : i1
        %add3A_165 = arith.constant 1 : i32
        %add3A_166 = arith.addi %scan3A_122, %add3A_165 : i32
        %select_n3A_167 = arith.select %and3A_164, %add3A_166, %scan3A_122 : i32
        %ne3A_168 = arith.cmpi ne, %add3A_131, %add3A_149 : i32
        %or3A_169 = arith.constant false
        %or3A_170 = arith.ori %or3A_169, %ne3A_168 : i1
        %or3A_171 = arith.constant false
        %or3A_172 = arith.ori %or3A_170, %or3A_171 : i1
        %ge3A_173 = arith.constant 7 : i32
        %ge3A_174 = arith.cmpi sge, %scan3A_121, %ge3A_173 : i32
        %not3A_175 = arith.constant true
        %not3A_176 = arith.xori %ge3A_174, %not3A_175 : i1
        %and3A_177 = arith.andi %or3A_172, %not3A_176 : i1
        %ne3A_178 = arith.cmpi ne, %add3A_131, %add3A_140 : i32
        %or3A_179 = arith.constant false
        %or3A_180 = arith.ori %or3A_179, %ne3A_178 : i1
        %or3A_181 = arith.ori %or3A_180, %eq3A_128 : i1
        %convert_element_type3A_182 = arith.extui %or3A_181 : i1 to i32
        %cond3A_183 = arith.constant 0 : i32
        %cond3A_184 = arith.cmpi ne, %convert_element_type3A_182, %cond3A_183 : i32
        scf.if %cond3A_184 {
          "tpu.trace_start"() <{level = 10 : i32, message = "ep_wait_in"}> : () -> ()
          %mul3A_264 = arith.constant 128 : i32
          %mul3A_265 = arith.muli %mul3A_264, %add3A_131 : i32
          %rem3A_266 = arith.constant 2 : i32
          %rem3A_267 = arith.remui %scan3A_123, %rem3A_266 : i32
          %dma_wait3A_268 = arith.constant 0 : i32
          %dma_wait3A_269 = arith.constant 0 : i32
          %dma_wait3A_270 = tpu.memref_slice %run_scoped3A[%rem3A_267, %dma_wait3A_268, %dma_wait3A_269] : memref<2x1x128xi32, #tpu.memory_space<vmem>> -> memref<1x1x128xi32, #tpu.memory_space<vmem>>
          %dma_wait3A_271 = tpu.memref_squeeze %dma_wait3A_270 : memref<1x1x128xi32, #tpu.memory_space<vmem>> -> memref<1x128xi32, #tpu.memory_space<vmem>>
          %dma_wait3A_272 = arith.constant 0 : i32
          %dma_wait3A_273 = tpu.memref_slice %arg3[%dma_wait3A_272, %mul3A_265] : memref<1x32768xi32, #tpu.memory_space<hbm>> -> memref<1x128xi32, #tpu.memory_space<hbm>>
          %dma_wait3A_274 = tpu.memref_slice %run_scoped3A_7[%rem3A_267] : memref<2x!tpu.dma_semaphore, #tpu.memory_space<semaphore_mem>> -> memref<1x!tpu.dma_semaphore, #tpu.memory_space<semaphore_mem>>
          %dma_wait3A_275 = tpu.memref_squeeze %dma_wait3A_274 : memref<1x!tpu.dma_semaphore, #tpu.memory_space<semaphore_mem>> -> memref<!tpu.dma_semaphore, #tpu.memory_space<semaphore_mem>>
          %dma_wait3A_276 = arith.constant 0 : i32
          %dma_wait3A_277 = arith.constant 0 : i32
          %dma_wait3A_278 = tpu.memref_slice %run_scoped3A[%rem3A_267, %dma_wait3A_276, %dma_wait3A_277] : memref<2x1x128xi32, #tpu.memory_space<vmem>> -> memref<1x1x128xi32, #tpu.memory_space<vmem>>
          %dma_wait3A_279 = tpu.memref_squeeze %dma_wait3A_278 : memref<1x1x128xi32, #tpu.memory_space<vmem>> -> memref<1x128xi32, #tpu.memory_space<vmem>>
          %dma_wait3A_280 = arith.constant 0 : i32
          %dma_wait3A_281 = tpu.memref_slice %arg3[%dma_wait3A_280, %mul3A_265] : memref<1x32768xi32, #tpu.memory_space<hbm>> -> memref<1x128xi32, #tpu.memory_space<hbm>>
          tpu.wait_dma2 semaphore(%dma_wait3A_275 : memref<!tpu.dma_semaphore, #tpu.memory_space<semaphore_mem>>) src(%dma_wait3A_281 : memref<1x128xi32, #tpu.memory_space<hbm>>) dst(%dma_wait3A_279 : memref<1x128xi32, #tpu.memory_space<vmem>>)
          "tpu.trace_stop"() : () -> ()
        } else {
        }
        %ne3A_185 = arith.cmpi ne, %add3A_131, %add3A_140 : i32
        %or3A_186 = arith.constant false
        %or3A_187 = arith.ori %or3A_186, %ne3A_185 : i1
        %or3A_188 = arith.constant false
        %or3A_189 = arith.ori %or3A_187, %or3A_188 : i1
        %or3A_190 = arith.ori %or3A_189, %eq3A_128 : i1
        %convert_element_type3A_191 = arith.extui %or3A_190 : i1 to i32
        %cond3A_192 = arith.constant 0 : i32
        %cond3A_193 = arith.cmpi ne, %convert_element_type3A_191, %cond3A_192 : i32
        scf.if %cond3A_193 {
        } else {
        }
        %rem3A_194 = arith.constant 2 : i32
        %rem3A_195 = arith.remui %scan3A_123, %rem3A_194 : i32
        %rem3A_196 = arith.constant 2 : i32
        %rem3A_197 = arith.remui %scan3A_124, %rem3A_196 : i32
        %run_scoped3A_198 = arith.constant 0 : i32
        "tpu.trace_start"() <{level = 10 : i32, message = "ep_run_kernel"}> : () -> ()
        "tpu.region"() ({
          %run_scoped3A_264 = tpu.sem_alloc : memref<!tpu.dma_semaphore, #tpu.memory_space<semaphore_mem>>
          %dma_start3A_265 = arith.constant 0 : i32
          %dma_start3A_266 = arith.constant 0 : i32
          %dma_start3A_267 = tpu.memref_slice %run_scoped3A_8[%rem3A_197, %dma_start3A_265, %dma_start3A_266] : memref<2x128x128xf32, #tpu.memory_space<vmem>> -> memref<1x128x128xf32, #tpu.memory_space<vmem>>
          %dma_start3A_268 = tpu.memref_squeeze %dma_start3A_267 : memref<1x128x128xf32, #tpu.memory_space<vmem>> -> memref<128x128xf32, #tpu.memory_space<vmem>>
          %dma_start3A_269 = arith.constant 0 : i32
          %dma_start3A_270 = arith.constant 0 : i32
          %dma_start3A_271 = tpu.memref_slice %run_scoped3A[%rem3A_195, %dma_start3A_269, %dma_start3A_270] : memref<2x1x128xi32, #tpu.memory_space<vmem>> -> memref<1x1x128xi32, #tpu.memory_space<vmem>>
          %dma_start3A_272 = tpu.memref_squeeze %dma_start3A_271 : memref<1x1x128xi32, #tpu.memory_space<vmem>> -> memref<1x128xi32, #tpu.memory_space<vmem>>
          %dma_start3A_273 = arith.constant 0 : i32
          %dma_start3A_274 = tpu.memref_slice %dma_start3A_272[%run_scoped3A_198, %dma_start3A_273] : memref<1x128xi32, #tpu.memory_space<vmem>> -> memref<1x128xi32, #tpu.memory_space<vmem>>
          %dma_start3A_275 = tpu.memref_squeeze %dma_start3A_274 : memref<1x128xi32, #tpu.memory_space<vmem>> -> memref<128xi32, #tpu.memory_space<vmem>>
          %dma_start3A_276 = arith.constant 0 : i32
          %dma_start3A_277 = arith.constant 0 : i32
          %dma_start3A_278 = tpu.memref_slice %arg2[%dma_start3A_276, %dma_start3A_277] : memref<32768x128xf32, #tpu.memory_space<hbm>> -> memref<32768x128xf32, #tpu.memory_space<hbm>>
          tpu.enqueue_indirect_dma source(%dma_start3A_278 : memref<32768x128xf32, #tpu.memory_space<hbm>>) target(%dma_start3A_268 : memref<128x128xf32, #tpu.memory_space<vmem>>) offsets(%dma_start3A_275 : memref<128xi32, #tpu.memory_space<vmem>>) semaphore(%run_scoped3A_264 : memref<!tpu.dma_semaphore, #tpu.memory_space<semaphore_mem>>)
          %dma_wait3A_279 = arith.constant 0 : i32
          %dma_wait3A_280 = arith.constant 0 : i32
          %dma_wait3A_281 = tpu.memref_slice %run_scoped3A_8[%rem3A_197, %dma_wait3A_279, %dma_wait3A_280] : memref<2x128x128xf32, #tpu.memory_space<vmem>> -> memref<1x128x128xf32, #tpu.memory_space<vmem>>
          %dma_wait3A_282 = tpu.memref_squeeze %dma_wait3A_281 : memref<1x128x128xf32, #tpu.memory_space<vmem>> -> memref<128x128xf32, #tpu.memory_space<vmem>>
          %dma_wait3A_283 = arith.constant 0 : i32
          %dma_wait3A_284 = arith.constant 0 : i32
          %dma_wait3A_285 = tpu.memref_slice %run_scoped3A[%rem3A_195, %dma_wait3A_283, %dma_wait3A_284] : memref<2x1x128xi32, #tpu.memory_space<vmem>> -> memref<1x1x128xi32, #tpu.memory_space<vmem>>
          %dma_wait3A_286 = tpu.memref_squeeze %dma_wait3A_285 : memref<1x1x128xi32, #tpu.memory_space<vmem>> -> memref<1x128xi32, #tpu.memory_space<vmem>>
          %dma_wait3A_287 = arith.constant 0 : i32
          %dma_wait3A_288 = tpu.memref_slice %dma_wait3A_286[%run_scoped3A_198, %dma_wait3A_287] : memref<1x128xi32, #tpu.memory_space<vmem>> -> memref<1x128xi32, #tpu.memory_space<vmem>>
          %dma_wait3A_289 = tpu.memref_squeeze %dma_wait3A_288 : memref<1x128xi32, #tpu.memory_space<vmem>> -> memref<128xi32, #tpu.memory_space<vmem>>
          %dma_wait3A_290 = arith.constant 0 : i32
          %dma_wait3A_291 = arith.constant 0 : i32
          %dma_wait3A_292 = tpu.memref_slice %arg2[%dma_wait3A_290, %dma_wait3A_291] : memref<32768x128xf32, #tpu.memory_space<hbm>> -> memref<32768x128xf32, #tpu.memory_space<hbm>>
          tpu.wait_indirect_dma semaphore(%run_scoped3A_264 : memref<!tpu.dma_semaphore, #tpu.memory_space<semaphore_mem>>) src(%dma_wait3A_292 : memref<32768x128xf32, #tpu.memory_space<hbm>>) dst(%dma_wait3A_282 : memref<128x128xf32, #tpu.memory_space<vmem>>)
          tpu.yield
        }) : () -> ()
        "tpu.trace_stop"() : () -> ()
        %ne3A_199 = arith.cmpi ne, %add3A_131, %add3A_149 : i32
        %or3A_200 = arith.constant false
        %or3A_201 = arith.ori %or3A_200, %ne3A_199 : i1
        %or3A_202 = arith.ori %or3A_201, %eq3A_130 : i1
        %convert_element_type3A_203 = arith.extui %or3A_202 : i1 to i32
        %cond3A_204 = arith.constant 0 : i32
        %cond3A_205 = arith.cmpi ne, %convert_element_type3A_203, %cond3A_204 : i32
        scf.if %cond3A_205 {
        } else {
        }
        %and3A_206 = arith.constant false
        %and3A_207 = arith.andi %or3A_202, %and3A_206 : i1
        %ne3A_208 = arith.cmpi ne, %add3A_131, %add3A_149 : i32
        %or3A_209 = arith.constant false
        %or3A_210 = arith.ori %or3A_209, %ne3A_208 : i1
        %or3A_211 = arith.constant false
        %or3A_212 = arith.ori %or3A_210, %or3A_211 : i1
        %or3A_213 = arith.ori %or3A_212, %eq3A_130 : i1
        %convert_element_type3A_214 = arith.extui %or3A_213 : i1 to i32
        %cond3A_215 = arith.constant 0 : i32
        %cond3A_216 = arith.cmpi ne, %convert_element_type3A_214, %cond3A_215 : i32
        scf.if %cond3A_216 {
          "tpu.trace_start"() <{level = 10 : i32, message = "ep_copy_out"}> : () -> ()
          %rem3A_264 = arith.constant 2 : i32
          %rem3A_265 = arith.remui %scan3A_124, %rem3A_264 : i32
          %mul3A_266 = arith.constant 128 : i32
          %mul3A_267 = arith.muli %mul3A_266, %add3A_131 : i32
          %dma_start3A_268 = arith.constant 0 : i32
          %dma_start3A_269 = arith.constant 0 : i32
          %dma_start3A_270 = tpu.memref_slice %run_scoped3A_8[%rem3A_265, %dma_start3A_268, %dma_start3A_269] : memref<2x128x128xf32, #tpu.memory_space<vmem>> -> memref<1x128x128xf32, #tpu.memory_space<vmem>>
          %dma_start3A_271 = tpu.memref_squeeze %dma_start3A_270 : memref<1x128x128xf32, #tpu.memory_space<vmem>> -> memref<128x128xf32, #tpu.memory_space<vmem>>
          %dma_start3A_272 = arith.constant 0 : i32
          %dma_start3A_273 = tpu.memref_slice %arg4[%mul3A_267, %dma_start3A_272] : memref<32768x128xf32, #tpu.memory_space<hbm>> -> memref<128x128xf32, #tpu.memory_space<hbm>>
          %dma_start3A_274 = tpu.memref_slice %run_scoped3A_9[%rem3A_265] : memref<2x!tpu.dma_semaphore, #tpu.memory_space<semaphore_mem>> -> memref<1x!tpu.dma_semaphore, #tpu.memory_space<semaphore_mem>>
          %dma_start3A_275 = tpu.memref_squeeze %dma_start3A_274 : memref<1x!tpu.dma_semaphore, #tpu.memory_space<semaphore_mem>> -> memref<!tpu.dma_semaphore, #tpu.memory_space<semaphore_mem>>
          %dma_start3A_276 = arith.constant 0 : i32
          %dma_start3A_277 = tpu.memref_slice %arg4[%mul3A_267, %dma_start3A_276] : memref<32768x128xf32, #tpu.memory_space<hbm>> -> memref<128x128xf32, #tpu.memory_space<hbm>>
          %dma_start3A_278 = arith.constant 0 : i32
          %dma_start3A_279 = arith.constant 0 : i32
          %dma_start3A_280 = tpu.memref_slice %run_scoped3A_8[%rem3A_265, %dma_start3A_278, %dma_start3A_279] : memref<2x128x128xf32, #tpu.memory_space<vmem>> -> memref<1x128x128xf32, #tpu.memory_space<vmem>>
          %dma_start3A_281 = tpu.memref_squeeze %dma_start3A_280 : memref<1x128x128xf32, #tpu.memory_space<vmem>> -> memref<128x128xf32, #tpu.memory_space<vmem>>
          tpu.enqueue_dma source(%dma_start3A_281 : memref<128x128xf32, #tpu.memory_space<vmem>>) target(%dma_start3A_277 : memref<128x128xf32, #tpu.memory_space<hbm>>) target_semaphore(%dma_start3A_275 : memref<!tpu.dma_semaphore, #tpu.memory_space<semaphore_mem>>)
          "tpu.trace_stop"() : () -> ()
        } else {
        }
        %and3A_217 = arith.constant true
        %and3A_218 = arith.andi %or3A_213, %and3A_217 : i1
        %add3A_219 = arith.constant 1 : i32
        %add3A_220 = arith.addi %scan3A_124, %add3A_219 : i32
        %select_n3A_221 = arith.select %and3A_218, %add3A_220, %scan3A_124 : i32
        %ne3A_222 = arith.cmpi ne, %add3A_131, %add3A_140 : i32
        %or3A_223 = arith.constant false
        %or3A_224 = arith.ori %or3A_223, %ne3A_222 : i1
        %not3A_225 = arith.constant true
        %not3A_226 = arith.xori %eq3A_128, %not3A_225 : i1
        %and3A_227 = arith.andi %or3A_224, %not3A_226 : i1
        %convert_element_type3A_228 = arith.extui %and3A_227 : i1 to i32
        %cond3A_229 = arith.constant 0 : i32
        %cond3A_230 = arith.cmpi ne, %convert_element_type3A_228, %cond3A_229 : i32
        scf.if %cond3A_230 {
        } else {
        }
        %and3A_231 = arith.constant false
        %and3A_232 = arith.andi %and3A_227, %and3A_231 : i1
        %ne3A_233 = arith.cmpi ne, %add3A_131, %add3A_140 : i32
        %or3A_234 = arith.constant false
        %or3A_235 = arith.ori %or3A_234, %ne3A_233 : i1
        %or3A_236 = arith.constant false
        %or3A_237 = arith.ori %or3A_235, %or3A_236 : i1
        %not3A_238 = arith.constant true
        %not3A_239 = arith.xori %eq3A_128, %not3A_238 : i1
        %and3A_240 = arith.andi %or3A_237, %not3A_239 : i1
        %convert_element_type3A_241 = arith.extui %and3A_240 : i1 to i32
        %cond3A_242 = arith.constant 0 : i32
        %cond3A_243 = arith.cmpi ne, %convert_element_type3A_241, %cond3A_242 : i32
        scf.if %cond3A_243 {
          "tpu.trace_start"() <{level = 10 : i32, message = "ep_wait_out"}> : () -> ()
          %rem3A_264 = arith.constant 2 : i32
          %rem3A_265 = arith.remui %scan3A_125, %rem3A_264 : i32
          %mul3A_266 = arith.constant 128 : i32
          %mul3A_267 = arith.muli %mul3A_266, %add3A_140 : i32
          %dma_wait3A_268 = arith.constant 0 : i32
          %dma_wait3A_269 = arith.constant 0 : i32
          %dma_wait3A_270 = tpu.memref_slice %run_scoped3A_8[%rem3A_265, %dma_wait3A_268, %dma_wait3A_269] : memref<2x128x128xf32, #tpu.memory_space<vmem>> -> memref<1x128x128xf32, #tpu.memory_space<vmem>>
          %dma_wait3A_271 = tpu.memref_squeeze %dma_wait3A_270 : memref<1x128x128xf32, #tpu.memory_space<vmem>> -> memref<128x128xf32, #tpu.memory_space<vmem>>
          %dma_wait3A_272 = arith.constant 0 : i32
          %dma_wait3A_273 = tpu.memref_slice %arg4[%mul3A_267, %dma_wait3A_272] : memref<32768x128xf32, #tpu.memory_space<hbm>> -> memref<128x128xf32, #tpu.memory_space<hbm>>
          %dma_wait3A_274 = tpu.memref_slice %run_scoped3A_9[%rem3A_265] : memref<2x!tpu.dma_semaphore, #tpu.memory_space<semaphore_mem>> -> memref<1x!tpu.dma_semaphore, #tpu.memory_space<semaphore_mem>>
          %dma_wait3A_275 = tpu.memref_squeeze %dma_wait3A_274 : memref<1x!tpu.dma_semaphore, #tpu.memory_space<semaphore_mem>> -> memref<!tpu.dma_semaphore, #tpu.memory_space<semaphore_mem>>
          %dma_wait3A_276 = arith.constant 0 : i32
          %dma_wait3A_277 = tpu.memref_slice %arg4[%mul3A_267, %dma_wait3A_276] : memref<32768x128xf32, #tpu.memory_space<hbm>> -> memref<128x128xf32, #tpu.memory_space<hbm>>
          %dma_wait3A_278 = arith.constant 0 : i32
          %dma_wait3A_279 = arith.constant 0 : i32
          %dma_wait3A_280 = tpu.memref_slice %run_scoped3A_8[%rem3A_265, %dma_wait3A_278, %dma_wait3A_279] : memref<2x128x128xf32, #tpu.memory_space<vmem>> -> memref<1x128x128xf32, #tpu.memory_space<vmem>>
          %dma_wait3A_281 = tpu.memref_squeeze %dma_wait3A_280 : memref<1x128x128xf32, #tpu.memory_space<vmem>> -> memref<128x128xf32, #tpu.memory_space<vmem>>
          tpu.wait_dma2 semaphore(%dma_wait3A_275 : memref<!tpu.dma_semaphore, #tpu.memory_space<semaphore_mem>>) src(%dma_wait3A_281 : memref<128x128xf32, #tpu.memory_space<vmem>>) dst(%dma_wait3A_277 : memref<128x128xf32, #tpu.memory_space<hbm>>)
          "tpu.trace_stop"() : () -> ()
        } else {
        }
        %and3A_244 = arith.constant true
        %and3A_245 = arith.andi %and3A_240, %and3A_244 : i1
        %add3A_246 = arith.constant 1 : i32
        %add3A_247 = arith.addi %scan3A_125, %add3A_246 : i32
        %select_n3A_248 = arith.select %and3A_245, %add3A_247, %scan3A_125 : i32
        %ne3A_249 = arith.cmpi ne, %add3A_131, %add3A_149 : i32
        %or3A_250 = arith.constant false
        %or3A_251 = arith.ori %or3A_250, %ne3A_249 : i1
        %or3A_252 = arith.ori %or3A_251, %eq3A_130 : i1
        %add3A_253 = arith.constant 1 : i32
        %add3A_254 = arith.addi %scan3A_123, %add3A_253 : i32
        %select_n3A_255 = arith.select %or3A_252, %add3A_254, %scan3A_123 : i32
        %add3A_256 = arith.constant 1 : i32
        %add3A_257 = arith.addi %scan3A_126, %add3A_256 : i32
        %select_n3A_258 = arith.constant true
        %select_n3A_259 = arith.select %select_n3A_258, %add3A_257, %scan3A_126 : i32
        %eq3A_260 = arith.constant 8 : i32
        %eq3A_261 = arith.cmpi eq, %select_n3A_259, %eq3A_260 : i32
        %select_n3A_262 = arith.constant 0 : i32
        %select_n3A_263 = arith.select %eq3A_261, %select_n3A_262, %select_n3A_259 : i32
        scf.yield %select_n3A_167, %select_n3A_255, %select_n3A_221, %select_n3A_248, %select_n3A_263 : i32, i32, i32, i32, i32
      }
      %scan3A_68 = arith.constant 8 : i32
      %sub3A = arith.constant 1 : i32
      %sub3A_69 = arith.subi %scan3A_67#4, %sub3A : i32
      %select_n3A_70 = arith.constant true
      %select_n3A_71 = arith.select %select_n3A_70, %sub3A_69, %scan3A_67#4 : i32
      %eq3A_72 = arith.constant -1 : i32
      %eq3A_73 = arith.cmpi eq, %select_n3A_71, %eq3A_72 : i32
      %select_n3A_74 = arith.constant 7 : i32
      %select_n3A_75 = arith.select %eq3A_73, %select_n3A_74, %select_n3A_71 : i32
      %add3A_76 = arith.addi %select_n3A_75, %mul3A_6 : i32
      %sub3A_77 = arith.constant 1 : i32
      %sub3A_78 = arith.subi %select_n3A_75, %sub3A_77 : i32
      %select_n3A_79 = arith.constant true
      %select_n3A_80 = arith.select %select_n3A_79, %sub3A_78, %select_n3A_75 : i32
      %eq3A_81 = arith.constant -1 : i32
      %eq3A_82 = arith.cmpi eq, %select_n3A_80, %eq3A_81 : i32
      %select_n3A_83 = arith.constant 7 : i32
      %select_n3A_84 = arith.select %eq3A_82, %select_n3A_83, %select_n3A_80 : i32
      %add3A_85 = arith.addi %select_n3A_84, %mul3A_6 : i32
      %add3A_86 = arith.constant 1 : i32
      %add3A_87 = arith.addi %select_n3A_75, %add3A_86 : i32
      %select_n3A_88 = arith.constant true
      %select_n3A_89 = arith.select %select_n3A_88, %add3A_87, %select_n3A_75 : i32
      %eq3A_90 = arith.constant 8 : i32
      %eq3A_91 = arith.cmpi eq, %select_n3A_89, %eq3A_90 : i32
      %select_n3A_92 = arith.constant 0 : i32
      %select_n3A_93 = arith.select %eq3A_91, %select_n3A_92, %select_n3A_89 : i32
      %add3A_94 = arith.addi %select_n3A_93, %mul3A_6 : i32
      %add3A_95 = arith.constant 1 : i32
      %add3A_96 = arith.addi %select_n3A_93, %add3A_95 : i32
      %select_n3A_97 = arith.constant true
      %select_n3A_98 = arith.select %select_n3A_97, %add3A_96, %select_n3A_93 : i32
      %eq3A_99 = arith.constant 8 : i32
      %eq3A_100 = arith.cmpi eq, %select_n3A_98, %eq3A_99 : i32
      %select_n3A_101 = arith.constant 0 : i32
      %select_n3A_102 = arith.select %eq3A_100, %select_n3A_101, %select_n3A_98 : i32
      %add3A_103 = arith.addi %select_n3A_102, %mul3A_6 : i32
      "tpu.trace_start"() <{level = 10 : i32, message = "ep_finalize"}> : () -> ()
      %rem3A_104 = arith.constant 2 : i32
      %rem3A_105 = arith.remui %scan3A_67#3, %rem3A_104 : i32
      %mul3A_106 = arith.constant 128 : i32
      %mul3A_107 = arith.muli %mul3A_106, %add3A_76 : i32
      %dma_wait3A = arith.constant 0 : i32
      %dma_wait3A_108 = arith.constant 0 : i32
      %dma_wait3A_109 = tpu.memref_slice %run_scoped3A_8[%rem3A_105, %dma_wait3A, %dma_wait3A_108] : memref<2x128x128xf32, #tpu.memory_space<vmem>> -> memref<1x128x128xf32, #tpu.memory_space<vmem>>
      %dma_wait3A_110 = tpu.memref_squeeze %dma_wait3A_109 : memref<1x128x128xf32, #tpu.memory_space<vmem>> -> memref<128x128xf32, #tpu.memory_space<vmem>>
      %dma_wait3A_111 = arith.constant 0 : i32
      %dma_wait3A_112 = tpu.memref_slice %arg4[%mul3A_107, %dma_wait3A_111] : memref<32768x128xf32, #tpu.memory_space<hbm>> -> memref<128x128xf32, #tpu.memory_space<hbm>>
      %dma_wait3A_113 = tpu.memref_slice %run_scoped3A_9[%rem3A_105] : memref<2x!tpu.dma_semaphore, #tpu.memory_space<semaphore_mem>> -> memref<1x!tpu.dma_semaphore, #tpu.memory_space<semaphore_mem>>
      %dma_wait3A_114 = tpu.memref_squeeze %dma_wait3A_113 : memref<1x!tpu.dma_semaphore, #tpu.memory_space<semaphore_mem>> -> memref<!tpu.dma_semaphore, #tpu.memory_space<semaphore_mem>>
      %dma_wait3A_115 = arith.constant 0 : i32
      %dma_wait3A_116 = tpu.memref_slice %arg4[%mul3A_107, %dma_wait3A_115] : memref<32768x128xf32, #tpu.memory_space<hbm>> -> memref<128x128xf32, #tpu.memory_space<hbm>>
      %dma_wait3A_117 = arith.constant 0 : i32
      %dma_wait3A_118 = arith.constant 0 : i32
      %dma_wait3A_119 = tpu.memref_slice %run_scoped3A_8[%rem3A_105, %dma_wait3A_117, %dma_wait3A_118] : memref<2x128x128xf32, #tpu.memory_space<vmem>> -> memref<1x128x128xf32, #tpu.memory_space<vmem>>
      %dma_wait3A_120 = tpu.memref_squeeze %dma_wait3A_119 : memref<1x128x128xf32, #tpu.memory_space<vmem>> -> memref<128x128xf32, #tpu.memory_space<vmem>>
      tpu.wait_dma2 semaphore(%dma_wait3A_114 : memref<!tpu.dma_semaphore, #tpu.memory_space<semaphore_mem>>) src(%dma_wait3A_120 : memref<128x128xf32, #tpu.memory_space<vmem>>) dst(%dma_wait3A_116 : memref<128x128xf32, #tpu.memory_space<hbm>>)
      "tpu.trace_stop"() : () -> ()
      tpu.yield
    }) : () -> ()
    return
  }
}

#map = affine_map<(d0, d1) -> (0, 0)>
module attributes {stable_mosaic.version = 14 : i64} {
  func.func @gk(%arg0: i32, %arg1: i32, %arg2: memref<32768x128xf32, #tpu.memory_space<hbm>>, %arg3: memref<1x32768xi32, #tpu.memory_space<hbm>>, %arg4: memref<32768x128xf32, #tpu.memory_space<hbm>>) attributes {dimension_semantics = [#tpu.dimension_semantics<core_parallel>, #tpu.dimension_semantics<subcore_parallel>], iteration_bounds = array<i64: 2, 16>, scalar_prefetch = 0 : i64, scratch_operands = 0 : i64, tpu.core_type = #tpu.core_type<sc_vector_subcore>, window_params = [{transform_indices = #map}, {transform_indices = #map}, {transform_indices = #map}]} {
    %mul3A = arith.constant 1 : i32
    %mul3A_0 = arith.muli %arg1, %mul3A : i32
    %add3A = arith.constant 0 : i32
    %add3A_1 = arith.addi %add3A, %mul3A_0 : i32
    %mul3A_2 = arith.constant 16 : i32
    %mul3A_3 = arith.muli %arg0, %mul3A_2 : i32
    %add3A_4 = arith.addi %add3A_1, %mul3A_3 : i32
    %mul3A_5 = arith.constant 8 : i32
    %mul3A_6 = arith.muli %add3A_4, %mul3A_5 : i32
    "tpu.region"() ({
      %run_scoped3A = memref.alloca() : memref<2x1x128xi32, #tpu.memory_space<vmem>>
      %run_scoped3A_7 = tpu.sem_alloc : memref<2x!tpu.dma_semaphore, #tpu.memory_space<semaphore_mem>>
      %run_scoped3A_8 = memref.alloca() : memref<2x128x128xf32, #tpu.memory_space<vmem>>
      %run_scoped3A_9 = tpu.sem_alloc : memref<2x!tpu.dma_semaphore, #tpu.memory_space<semaphore_mem>>
      %add3A_10 = arith.constant 0 : i32
      %add3A_11 = arith.addi %add3A_10, %mul3A_6 : i32
      %select_n3A = arith.constant true
      %select_n3A_12 = arith.constant 0 : i32
      %select_n3A_13 = arith.constant -1 : i32
      %select_n3A_14 = arith.select %select_n3A, %select_n3A_13, %select_n3A_12 : i32
      %eq3A = arith.constant -1 : i32
      %eq3A_15 = arith.cmpi eq, %select_n3A_14, %eq3A : i32
      %select_n3A_16 = arith.constant 7 : i32
      %select_n3A_17 = arith.select %eq3A_15, %select_n3A_16, %select_n3A_14 : i32
      %add3A_18 = arith.addi %select_n3A_17, %mul3A_6 : i32
      %select_n3A_19 = arith.constant true
      %select_n3A_20 = arith.constant 0 : i32
      %select_n3A_21 = arith.constant 1 : i32
      %select_n3A_22 = arith.select %select_n3A_19, %select_n3A_21, %select_n3A_20 : i32
      %eq3A_23 = arith.constant 8 : i32
      %eq3A_24 = arith.cmpi eq, %select_n3A_22, %eq3A_23 : i32
      %select_n3A_25 = arith.constant 0 : i32
      %select_n3A_26 = arith.select %eq3A_24, %select_n3A_25, %select_n3A_22 : i32
      %add3A_27 = arith.addi %select_n3A_26, %mul3A_6 : i32
      %add3A_28 = arith.constant 1 : i32
      %add3A_29 = arith.addi %select_n3A_26, %add3A_28 : i32
      %select_n3A_30 = arith.constant true
      %select_n3A_31 = arith.select %select_n3A_30, %add3A_29, %select_n3A_26 : i32
      %eq3A_32 = arith.constant 8 : i32
      %eq3A_33 = arith.cmpi eq, %select_n3A_31, %eq3A_32 : i32
      %select_n3A_34 = arith.constant 0 : i32
      %select_n3A_35 = arith.select %eq3A_33, %select_n3A_34, %select_n3A_31 : i32
      %add3A_36 = arith.addi %select_n3A_35, %mul3A_6 : i32
      "tpu.trace_start"() <{level = 10 : i32, message = "ep_initialize_0"}> : () -> ()
      %rem3A = arith.constant 0 : i32
      %rem3A_37 = arith.constant 2 : i32
      %rem3A_38 = arith.remui %rem3A, %rem3A_37 : i32
      %mul3A_39 = arith.constant 128 : i32
      %mul3A_40 = arith.muli %mul3A_39, %add3A_11 : i32
      %dma_start3A = arith.constant 0 : i32
      %dma_start3A_41 = arith.constant 0 : i32
      %dma_start3A_42 = tpu.memref_slice %run_scoped3A[%rem3A_38, %dma_start3A, %dma_start3A_41] : memref<2x1x128xi32, #tpu.memory_space<vmem>> -> memref<1x1x128xi32, #tpu.memory_space<vmem>>
      %dma_start3A_43 = tpu.memref_squeeze %dma_start3A_42 : memref<1x1x128xi32, #tpu.memory_space<vmem>> -> memref<1x128xi32, #tpu.memory_space<vmem>>
      %dma_start3A_44 = arith.constant 0 : i32
      %dma_start3A_45 = tpu.memref_slice %arg3[%dma_start3A_44, %mul3A_40] : memref<1x32768xi32, #tpu.memory_space<hbm>> -> memref<1x128xi32, #tpu.memory_space<hbm>>
      %dma_start3A_46 = tpu.memref_slice %run_scoped3A_7[%rem3A_38] : memref<2x!tpu.dma_semaphore, #tpu.memory_space<semaphore_mem>> -> memref<1x!tpu.dma_semaphore, #tpu.memory_space<semaphore_mem>>
      %dma_start3A_47 = tpu.memref_squeeze %dma_start3A_46 : memref<1x!tpu.dma_semaphore, #tpu.memory_space<semaphore_mem>> -> memref<!tpu.dma_semaphore, #tpu.memory_space<semaphore_mem>>
      %dma_start3A_48 = arith.constant 0 : i32
      %dma_start3A_49 = arith.constant 0 : i32
      %dma_start3A_50 = tpu.memref_slice %run_scoped3A[%rem3A_38, %dma_start3A_48, %dma_start3A_49] : memref<2x1x128xi32, #tpu.memory_space<vmem>> -> memref<1x1x128xi32, #tpu.memory_space<vmem>>
      %dma_start3A_51 = tpu.memref_squeeze %dma_start3A_50 : memref<1x1x128xi32, #tpu.memory_space<vmem>> -> memref<1x128xi32, #tpu.memory_space<vmem>>
      %dma_start3A_52 = arith.constant 0 : i32
      %dma_start3A_53 = tpu.memref_slice %arg3[%dma_start3A_52, %mul3A_40] : memref<1x32768xi32, #tpu.memory_space<hbm>> -> memref<1x128xi32, #tpu.memory_space<hbm>>
      tpu.enqueue_dma source(%dma_start3A_53 : memref<1x128xi32, #tpu.memory_space<hbm>>) target(%dma_start3A_51 : memref<1x128xi32, #tpu.memory_space<vmem>>) target_semaphore(%dma_start3A_47 : memref<!tpu.dma_semaphore, #tpu.memory_space<semaphore_mem>>)
      %add3A_54 = arith.constant 0 : i32
      %add3A_55 = arith.constant 1 : i32
      %add3A_56 = arith.addi %add3A_54, %add3A_55 : i32
      %select_n3A_57 = arith.constant true
      %select_n3A_58 = arith.constant 0 : i32
      %select_n3A_59 = arith.select %select_n3A_57, %add3A_56, %select_n3A_58 : i32
      "tpu.trace_stop"() : () -> ()
      %scan3A = arith.constant 0 : i32
      %scan3A_60 = arith.constant 0 : i32
      %scan3A_61 = arith.constant 0 : i32
      %scan3A_62 = arith.constant 0 : i32
      %scan3A_63 = arith.constant 0 : i32
      %scan3A_64 = arith.constant 8 : i32
      %scan3A_65 = arith.addi %scan3A_63, %scan3A_64 : i32
      %scan3A_66 = arith.constant 1 : i32
      %scan3A_67:5 = scf.for %scan3A_121 = %scan3A_63 to %scan3A_65 step %scan3A_66 iter_args(%scan3A_122 = %select_n3A_59, %scan3A_123 = %scan3A, %scan3A_124 = %scan3A_60, %scan3A_125 = %scan3A_61, %scan3A_126 = %scan3A_62) -> (i32, i32, i32, i32, i32)  : i32 {
        %eq3A_127 = arith.constant 0 : i32
        %eq3A_128 = arith.cmpi eq, %scan3A_121, %eq3A_127 : i32
        %eq3A_129 = arith.constant 7 : i32
        %eq3A_130 = arith.cmpi eq, %scan3A_121, %eq3A_129 : i32
        %add3A_131 = arith.addi %scan3A_126, %mul3A_6 : i32
        %sub3A_132 = arith.constant 1 : i32
        %sub3A_133 = arith.subi %scan3A_126, %sub3A_132 : i32
        %select_n3A_134 = arith.constant true
        %select_n3A_135 = arith.select %select_n3A_134, %sub3A_133, %scan3A_126 : i32
        %eq3A_136 = arith.constant -1 : i32
        %eq3A_137 = arith.cmpi eq, %select_n3A_135, %eq3A_136 : i32
        %select_n3A_138 = arith.constant 7 : i32
        %select_n3A_139 = arith.select %eq3A_137, %select_n3A_138, %select_n3A_135 : i32
        %add3A_140 = arith.addi %select_n3A_139, %mul3A_6 : i32
        %add3A_141 = arith.constant 1 : i32
        %add3A_142 = arith.addi %scan3A_126, %add3A_141 : i32
        %select_n3A_143 = arith.constant true
        %select_n3A_144 = arith.select %select_n3A_143, %add3A_142, %scan3A_126 : i32
        %eq3A_145 = arith.constant 8 : i32
        %eq3A_146 = arith.cmpi eq, %select_n3A_144, %eq3A_145 : i32
        %select_n3A_147 = arith.constant 0 : i32
        %select_n3A_148 = arith.select %eq3A_146, %select_n3A_147, %select_n3A_144 : i32
        %add3A_149 = arith.addi %select_n3A_148, %mul3A_6 : i32
        %add3A_150 = arith.constant 1 : i32
        %add3A_151 = arith.addi %select_n3A_148, %add3A_150 : i32
        %select_n3A_152 = arith.constant true
        %select_n3A_153 = arith.select %select_n3A_152, %add3A_151, %select_n3A_148 : i32
        %eq3A_154 = arith.constant 8 : i32
        %eq3A_155 = arith.cmpi eq, %select_n3A_153, %eq3A_154 : i32
        %select_n3A_156 = arith.constant 0 : i32
        %select_n3A_157 = arith.select %eq3A_155, %select_n3A_156, %select_n3A_153 : i32
        %add3A_158 = arith.addi %select_n3A_157, %mul3A_6 : i32
        %ne3A = arith.cmpi ne, %add3A_131, %add3A_149 : i32
        %or3A = arith.constant false
        %or3A_159 = arith.ori %or3A, %ne3A : i1
        %ge3A = arith.constant 7 : i32
        %ge3A_160 = arith.cmpi sge, %scan3A_121, %ge3A : i32
        %not3A = arith.constant true
        %not3A_161 = arith.xori %ge3A_160, %not3A : i1
        %and3A = arith.andi %or3A_159, %not3A_161 : i1
        %convert_element_type3A = arith.extui %and3A : i1 to i32
        %cond3A = arith.constant 0 : i32
        %cond3A_162 = arith.cmpi ne, %convert_element_type3A, %cond3A : i32
        scf.if %cond3A_162 {
          "tpu.trace_start"() <{level = 10 : i32, message = "ep_copy_in"}> : () -> ()
          %rem3A_264 = arith.constant 2 : i32
          %rem3A_265 = arith.remui %scan3A_122, %rem3A_264 : i32
          %mul3A_266 = arith.constant 128 : i32
          %mul3A_267 = arith.muli %mul3A_266, %add3A_149 : i32
          %dma_start3A_268 = arith.constant 0 : i32
          %dma_start3A_269 = arith.constant 0 : i32
          %dma_start3A_270 = tpu.memref_slice %run_scoped3A[%rem3A_265, %dma_start3A_268, %dma_start3A_269] : memref<2x1x128xi32, #tpu.memory_space<vmem>> -> memref<1x1x128xi32, #tpu.memory_space<vmem>>
          %dma_start3A_271 = tpu.memref_squeeze %dma_start3A_270 : memref<1x1x128xi32, #tpu.memory_space<vmem>> -> memref<1x128xi32, #tpu.memory_space<vmem>>
          %dma_start3A_272 = arith.constant 0 : i32
          %dma_start3A_273 = tpu.memref_slice %arg3[%dma_start3A_272, %mul3A_267] : memref<1x32768xi32, #tpu.memory_space<hbm>> -> memref<1x128xi32, #tpu.memory_space<hbm>>
          %dma_start3A_274 = tpu.memref_slice %run_scoped3A_7[%rem3A_265] : memref<2x!tpu.dma_semaphore, #tpu.memory_space<semaphore_mem>> -> memref<1x!tpu.dma_semaphore, #tpu.memory_space<semaphore_mem>>
          %dma_start3A_275 = tpu.memref_squeeze %dma_start3A_274 : memref<1x!tpu.dma_semaphore, #tpu.memory_space<semaphore_mem>> -> memref<!tpu.dma_semaphore, #tpu.memory_space<semaphore_mem>>
          %dma_start3A_276 = arith.constant 0 : i32
          %dma_start3A_277 = arith.constant 0 : i32
          %dma_start3A_278 = tpu.memref_slice %run_scoped3A[%rem3A_265, %dma_start3A_276, %dma_start3A_277] : memref<2x1x128xi32, #tpu.memory_space<vmem>> -> memref<1x1x128xi32, #tpu.memory_space<vmem>>
          %dma_start3A_279 = tpu.memref_squeeze %dma_start3A_278 : memref<1x1x128xi32, #tpu.memory_space<vmem>> -> memref<1x128xi32, #tpu.memory_space<vmem>>
          %dma_start3A_280 = arith.constant 0 : i32
          %dma_start3A_281 = tpu.memref_slice %arg3[%dma_start3A_280, %mul3A_267] : memref<1x32768xi32, #tpu.memory_space<hbm>> -> memref<1x128xi32, #tpu.memory_space<hbm>>
          tpu.enqueue_dma source(%dma_start3A_281 : memref<1x128xi32, #tpu.memory_space<hbm>>) target(%dma_start3A_279 : memref<1x128xi32, #tpu.memory_space<vmem>>) target_semaphore(%dma_start3A_275 : memref<!tpu.dma_semaphore, #tpu.memory_space<semaphore_mem>>)
          "tpu.trace_stop"() : () -> ()
        } else {
        }
        %and3A_163 = arith.constant true
        %and3A_164 = arith.andi %and3A, %and3A_163 : i1
        %add3A_165 = arith.constant 1 : i32
        %add3A_166 = arith.addi %scan3A_122, %add3A_165 : i32
        %select_n3A_167 = arith.select %and3A_164, %add3A_166, %scan3A_122 : i32
        %ne3A_168 = arith.cmpi ne, %add3A_131, %add3A_149 : i32
        %or3A_169 = arith.constant false
        %or3A_170 = arith.ori %or3A_169, %ne3A_168 : i1
        %or3A_171 = arith.constant false
        %or3A_172 = arith.ori %or3A_170, %or3A_171 : i1
        %ge3A_173 = arith.constant 7 : i32
        %ge3A_174 = arith.cmpi sge, %scan3A_121, %ge3A_173 : i32
        %not3A_175 = arith.constant true
        %not3A_176 = arith.xori %ge3A_174, %not3A_175 : i1
        %and3A_177 = arith.andi %or3A_172, %not3A_176 : i1
        %ne3A_178 = arith.cmpi ne, %add3A_131, %add3A_140 : i32
        %or3A_179 = arith.constant false
        %or3A_180 = arith.ori %or3A_179, %ne3A_178 : i1
        %or3A_181 = arith.ori %or3A_180, %eq3A_128 : i1
        %convert_element_type3A_182 = arith.extui %or3A_181 : i1 to i32
        %cond3A_183 = arith.constant 0 : i32
        %cond3A_184 = arith.cmpi ne, %convert_element_type3A_182, %cond3A_183 : i32
        scf.if %cond3A_184 {
          "tpu.trace_start"() <{level = 10 : i32, message = "ep_wait_in"}> : () -> ()
          %mul3A_264 = arith.constant 128 : i32
          %mul3A_265 = arith.muli %mul3A_264, %add3A_131 : i32
          %rem3A_266 = arith.constant 2 : i32
          %rem3A_267 = arith.remui %scan3A_123, %rem3A_266 : i32
          %dma_wait3A_268 = arith.constant 0 : i32
          %dma_wait3A_269 = arith.constant 0 : i32
          %dma_wait3A_270 = tpu.memref_slice %run_scoped3A[%rem3A_267, %dma_wait3A_268, %dma_wait3A_269] : memref<2x1x128xi32, #tpu.memory_space<vmem>> -> memref<1x1x128xi32, #tpu.memory_space<vmem>>
          %dma_wait3A_271 = tpu.memref_squeeze %dma_wait3A_270 : memref<1x1x128xi32, #tpu.memory_space<vmem>> -> memref<1x128xi32, #tpu.memory_space<vmem>>
          %dma_wait3A_272 = arith.constant 0 : i32
          %dma_wait3A_273 = tpu.memref_slice %arg3[%dma_wait3A_272, %mul3A_265] : memref<1x32768xi32, #tpu.memory_space<hbm>> -> memref<1x128xi32, #tpu.memory_space<hbm>>
          %dma_wait3A_274 = tpu.memref_slice %run_scoped3A_7[%rem3A_267] : memref<2x!tpu.dma_semaphore, #tpu.memory_space<semaphore_mem>> -> memref<1x!tpu.dma_semaphore, #tpu.memory_space<semaphore_mem>>
          %dma_wait3A_275 = tpu.memref_squeeze %dma_wait3A_274 : memref<1x!tpu.dma_semaphore, #tpu.memory_space<semaphore_mem>> -> memref<!tpu.dma_semaphore, #tpu.memory_space<semaphore_mem>>
          %dma_wait3A_276 = arith.constant 0 : i32
          %dma_wait3A_277 = arith.constant 0 : i32
          %dma_wait3A_278 = tpu.memref_slice %run_scoped3A[%rem3A_267, %dma_wait3A_276, %dma_wait3A_277] : memref<2x1x128xi32, #tpu.memory_space<vmem>> -> memref<1x1x128xi32, #tpu.memory_space<vmem>>
          %dma_wait3A_279 = tpu.memref_squeeze %dma_wait3A_278 : memref<1x1x128xi32, #tpu.memory_space<vmem>> -> memref<1x128xi32, #tpu.memory_space<vmem>>
          %dma_wait3A_280 = arith.constant 0 : i32
          %dma_wait3A_281 = tpu.memref_slice %arg3[%dma_wait3A_280, %mul3A_265] : memref<1x32768xi32, #tpu.memory_space<hbm>> -> memref<1x128xi32, #tpu.memory_space<hbm>>
          tpu.wait_dma2 semaphore(%dma_wait3A_275 : memref<!tpu.dma_semaphore, #tpu.memory_space<semaphore_mem>>) src(%dma_wait3A_281 : memref<1x128xi32, #tpu.memory_space<hbm>>) dst(%dma_wait3A_279 : memref<1x128xi32, #tpu.memory_space<vmem>>)
          "tpu.trace_stop"() : () -> ()
        } else {
        }
        %ne3A_185 = arith.cmpi ne, %add3A_131, %add3A_140 : i32
        %or3A_186 = arith.constant false
        %or3A_187 = arith.ori %or3A_186, %ne3A_185 : i1
        %or3A_188 = arith.constant false
        %or3A_189 = arith.ori %or3A_187, %or3A_188 : i1
        %or3A_190 = arith.ori %or3A_189, %eq3A_128 : i1
        %convert_element_type3A_191 = arith.extui %or3A_190 : i1 to i32
        %cond3A_192 = arith.constant 0 : i32
        %cond3A_193 = arith.cmpi ne, %convert_element_type3A_191, %cond3A_192 : i32
        scf.if %cond3A_193 {
        } else {
        }
        %rem3A_194 = arith.constant 2 : i32
        %rem3A_195 = arith.remui %scan3A_123, %rem3A_194 : i32
        %rem3A_196 = arith.constant 2 : i32
        %rem3A_197 = arith.remui %scan3A_124, %rem3A_196 : i32
        %run_scoped3A_198 = arith.constant 0 : i32
        "tpu.trace_start"() <{level = 10 : i32, message = "ep_run_kernel"}> : () -> ()
        "tpu.region"() ({
          %run_scoped3A_264 = tpu.sem_alloc : memref<!tpu.dma_semaphore, #tpu.memory_space<semaphore_mem>>
          %dma_start3A_265 = arith.constant 0 : i32
          %dma_start3A_266 = arith.constant 0 : i32
          %dma_start3A_267 = tpu.memref_slice %run_scoped3A_8[%rem3A_197, %dma_start3A_265, %dma_start3A_266] : memref<2x128x128xf32, #tpu.memory_space<vmem>> -> memref<1x128x128xf32, #tpu.memory_space<vmem>>
          %dma_start3A_268 = tpu.memref_squeeze %dma_start3A_267 : memref<1x128x128xf32, #tpu.memory_space<vmem>> -> memref<128x128xf32, #tpu.memory_space<vmem>>
          %dma_start3A_269 = arith.constant 0 : i32
          %dma_start3A_270 = arith.constant 0 : i32
          %dma_start3A_271 = tpu.memref_slice %run_scoped3A[%rem3A_195, %dma_start3A_269, %dma_start3A_270] : memref<2x1x128xi32, #tpu.memory_space<vmem>> -> memref<1x1x128xi32, #tpu.memory_space<vmem>>
          %dma_start3A_272 = tpu.memref_squeeze %dma_start3A_271 : memref<1x1x128xi32, #tpu.memory_space<vmem>> -> memref<1x128xi32, #tpu.memory_space<vmem>>
          %dma_start3A_273 = arith.constant 0 : i32
          %dma_start3A_274 = tpu.memref_slice %dma_start3A_272[%run_scoped3A_198, %dma_start3A_273] : memref<1x128xi32, #tpu.memory_space<vmem>> -> memref<1x128xi32, #tpu.memory_space<vmem>>
          %dma_start3A_275 = tpu.memref_squeeze %dma_start3A_274 : memref<1x128xi32, #tpu.memory_space<vmem>> -> memref<128xi32, #tpu.memory_space<vmem>>
          %dma_start3A_276 = arith.constant 0 : i32
          %dma_start3A_277 = arith.constant 0 : i32
          %dma_start3A_278 = tpu.memref_slice %arg2[%dma_start3A_276, %dma_start3A_277] : memref<32768x128xf32, #tpu.memory_space<hbm>> -> memref<32768x128xf32, #tpu.memory_space<hbm>>
          tpu.enqueue_indirect_dma source(%dma_start3A_278 : memref<32768x128xf32, #tpu.memory_space<hbm>>) target(%dma_start3A_268 : memref<128x128xf32, #tpu.memory_space<vmem>>) offsets(%dma_start3A_275 : memref<128xi32, #tpu.memory_space<vmem>>) semaphore(%run_scoped3A_264 : memref<!tpu.dma_semaphore, #tpu.memory_space<semaphore_mem>>)
          %dma_wait3A_279 = arith.constant 0 : i32
          %dma_wait3A_280 = arith.constant 0 : i32
          %dma_wait3A_281 = tpu.memref_slice %run_scoped3A_8[%rem3A_197, %dma_wait3A_279, %dma_wait3A_280] : memref<2x128x128xf32, #tpu.memory_space<vmem>> -> memref<1x128x128xf32, #tpu.memory_space<vmem>>
          %dma_wait3A_282 = tpu.memref_squeeze %dma_wait3A_281 : memref<1x128x128xf32, #tpu.memory_space<vmem>> -> memref<128x128xf32, #tpu.memory_space<vmem>>
          %dma_wait3A_283 = arith.constant 0 : i32
          %dma_wait3A_284 = arith.constant 0 : i32
          %dma_wait3A_285 = tpu.memref_slice %run_scoped3A[%rem3A_195, %dma_wait3A_283, %dma_wait3A_284] : memref<2x1x128xi32, #tpu.memory_space<vmem>> -> memref<1x1x128xi32, #tpu.memory_space<vmem>>
          %dma_wait3A_286 = tpu.memref_squeeze %dma_wait3A_285 : memref<1x1x128xi32, #tpu.memory_space<vmem>> -> memref<1x128xi32, #tpu.memory_space<vmem>>
          %dma_wait3A_287 = arith.constant 0 : i32
          %dma_wait3A_288 = tpu.memref_slice %dma_wait3A_286[%run_scoped3A_198, %dma_wait3A_287] : memref<1x128xi32, #tpu.memory_space<vmem>> -> memref<1x128xi32, #tpu.memory_space<vmem>>
          %dma_wait3A_289 = tpu.memref_squeeze %dma_wait3A_288 : memref<1x128xi32, #tpu.memory_space<vmem>> -> memref<128xi32, #tpu.memory_space<vmem>>
          %dma_wait3A_290 = arith.constant 0 : i32
          %dma_wait3A_291 = arith.constant 0 : i32
          %dma_wait3A_292 = tpu.memref_slice %arg2[%dma_wait3A_290, %dma_wait3A_291] : memref<32768x128xf32, #tpu.memory_space<hbm>> -> memref<32768x128xf32, #tpu.memory_space<hbm>>
          tpu.wait_indirect_dma semaphore(%run_scoped3A_264 : memref<!tpu.dma_semaphore, #tpu.memory_space<semaphore_mem>>) src(%dma_wait3A_292 : memref<32768x128xf32, #tpu.memory_space<hbm>>) dst(%dma_wait3A_282 : memref<128x128xf32, #tpu.memory_space<vmem>>)
          tpu.yield
        }) : () -> ()
        "tpu.trace_stop"() : () -> ()
        %ne3A_199 = arith.cmpi ne, %add3A_131, %add3A_149 : i32
        %or3A_200 = arith.constant false
        %or3A_201 = arith.ori %or3A_200, %ne3A_199 : i1
        %or3A_202 = arith.ori %or3A_201, %eq3A_130 : i1
        %convert_element_type3A_203 = arith.extui %or3A_202 : i1 to i32
        %cond3A_204 = arith.constant 0 : i32
        %cond3A_205 = arith.cmpi ne, %convert_element_type3A_203, %cond3A_204 : i32
        scf.if %cond3A_205 {
        } else {
        }
        %and3A_206 = arith.constant false
        %and3A_207 = arith.andi %or3A_202, %and3A_206 : i1
        %ne3A_208 = arith.cmpi ne, %add3A_131, %add3A_149 : i32
        %or3A_209 = arith.constant false
        %or3A_210 = arith.ori %or3A_209, %ne3A_208 : i1
        %or3A_211 = arith.constant false
        %or3A_212 = arith.ori %or3A_210, %or3A_211 : i1
        %or3A_213 = arith.ori %or3A_212, %eq3A_130 : i1
        %convert_element_type3A_214 = arith.extui %or3A_213 : i1 to i32
        %cond3A_215 = arith.constant 0 : i32
        %cond3A_216 = arith.cmpi ne, %convert_element_type3A_214, %cond3A_215 : i32
        scf.if %cond3A_216 {
          "tpu.trace_start"() <{level = 10 : i32, message = "ep_copy_out"}> : () -> ()
          %rem3A_264 = arith.constant 2 : i32
          %rem3A_265 = arith.remui %scan3A_124, %rem3A_264 : i32
          %mul3A_266 = arith.constant 128 : i32
          %mul3A_267 = arith.muli %mul3A_266, %add3A_131 : i32
          %dma_start3A_268 = arith.constant 0 : i32
          %dma_start3A_269 = arith.constant 0 : i32
          %dma_start3A_270 = tpu.memref_slice %run_scoped3A_8[%rem3A_265, %dma_start3A_268, %dma_start3A_269] : memref<2x128x128xf32, #tpu.memory_space<vmem>> -> memref<1x128x128xf32, #tpu.memory_space<vmem>>
          %dma_start3A_271 = tpu.memref_squeeze %dma_start3A_270 : memref<1x128x128xf32, #tpu.memory_space<vmem>> -> memref<128x128xf32, #tpu.memory_space<vmem>>
          %dma_start3A_272 = arith.constant 0 : i32
          %dma_start3A_273 = tpu.memref_slice %arg4[%mul3A_267, %dma_start3A_272] : memref<32768x128xf32, #tpu.memory_space<hbm>> -> memref<128x128xf32, #tpu.memory_space<hbm>>
          %dma_start3A_274 = tpu.memref_slice %run_scoped3A_9[%rem3A_265] : memref<2x!tpu.dma_semaphore, #tpu.memory_space<semaphore_mem>> -> memref<1x!tpu.dma_semaphore, #tpu.memory_space<semaphore_mem>>
          %dma_start3A_275 = tpu.memref_squeeze %dma_start3A_274 : memref<1x!tpu.dma_semaphore, #tpu.memory_space<semaphore_mem>> -> memref<!tpu.dma_semaphore, #tpu.memory_space<semaphore_mem>>
          %dma_start3A_276 = arith.constant 0 : i32
          %dma_start3A_277 = tpu.memref_slice %arg4[%mul3A_267, %dma_start3A_276] : memref<32768x128xf32, #tpu.memory_space<hbm>> -> memref<128x128xf32, #tpu.memory_space<hbm>>
          %dma_start3A_278 = arith.constant 0 : i32
          %dma_start3A_279 = arith.constant 0 : i32
          %dma_start3A_280 = tpu.memref_slice %run_scoped3A_8[%rem3A_265, %dma_start3A_278, %dma_start3A_279] : memref<2x128x128xf32, #tpu.memory_space<vmem>> -> memref<1x128x128xf32, #tpu.memory_space<vmem>>
          %dma_start3A_281 = tpu.memref_squeeze %dma_start3A_280 : memref<1x128x128xf32, #tpu.memory_space<vmem>> -> memref<128x128xf32, #tpu.memory_space<vmem>>
          tpu.enqueue_dma source(%dma_start3A_281 : memref<128x128xf32, #tpu.memory_space<vmem>>) target(%dma_start3A_277 : memref<128x128xf32, #tpu.memory_space<hbm>>) target_semaphore(%dma_start3A_275 : memref<!tpu.dma_semaphore, #tpu.memory_space<semaphore_mem>>)
          "tpu.trace_stop"() : () -> ()
        } else {
        }
        %and3A_217 = arith.constant true
        %and3A_218 = arith.andi %or3A_213, %and3A_217 : i1
        %add3A_219 = arith.constant 1 : i32
        %add3A_220 = arith.addi %scan3A_124, %add3A_219 : i32
        %select_n3A_221 = arith.select %and3A_218, %add3A_220, %scan3A_124 : i32
        %ne3A_222 = arith.cmpi ne, %add3A_131, %add3A_140 : i32
        %or3A_223 = arith.constant false
        %or3A_224 = arith.ori %or3A_223, %ne3A_222 : i1
        %not3A_225 = arith.constant true
        %not3A_226 = arith.xori %eq3A_128, %not3A_225 : i1
        %and3A_227 = arith.andi %or3A_224, %not3A_226 : i1
        %convert_element_type3A_228 = arith.extui %and3A_227 : i1 to i32
        %cond3A_229 = arith.constant 0 : i32
        %cond3A_230 = arith.cmpi ne, %convert_element_type3A_228, %cond3A_229 : i32
        scf.if %cond3A_230 {
        } else {
        }
        %and3A_231 = arith.constant false
        %and3A_232 = arith.andi %and3A_227, %and3A_231 : i1
        %ne3A_233 = arith.cmpi ne, %add3A_131, %add3A_140 : i32
        %or3A_234 = arith.constant false
        %or3A_235 = arith.ori %or3A_234, %ne3A_233 : i1
        %or3A_236 = arith.constant false
        %or3A_237 = arith.ori %or3A_235, %or3A_236 : i1
        %not3A_238 = arith.constant true
        %not3A_239 = arith.xori %eq3A_128, %not3A_238 : i1
        %and3A_240 = arith.andi %or3A_237, %not3A_239 : i1
        %convert_element_type3A_241 = arith.extui %and3A_240 : i1 to i32
        %cond3A_242 = arith.constant 0 : i32
        %cond3A_243 = arith.cmpi ne, %convert_element_type3A_241, %cond3A_242 : i32
        scf.if %cond3A_243 {
          "tpu.trace_start"() <{level = 10 : i32, message = "ep_wait_out"}> : () -> ()
          %rem3A_264 = arith.constant 2 : i32
          %rem3A_265 = arith.remui %scan3A_125, %rem3A_264 : i32
          %mul3A_266 = arith.constant 128 : i32
          %mul3A_267 = arith.muli %mul3A_266, %add3A_140 : i32
          %dma_wait3A_268 = arith.constant 0 : i32
          %dma_wait3A_269 = arith.constant 0 : i32
          %dma_wait3A_270 = tpu.memref_slice %run_scoped3A_8[%rem3A_265, %dma_wait3A_268, %dma_wait3A_269] : memref<2x128x128xf32, #tpu.memory_space<vmem>> -> memref<1x128x128xf32, #tpu.memory_space<vmem>>
          %dma_wait3A_271 = tpu.memref_squeeze %dma_wait3A_270 : memref<1x128x128xf32, #tpu.memory_space<vmem>> -> memref<128x128xf32, #tpu.memory_space<vmem>>
          %dma_wait3A_272 = arith.constant 0 : i32
          %dma_wait3A_273 = tpu.memref_slice %arg4[%mul3A_267, %dma_wait3A_272] : memref<32768x128xf32, #tpu.memory_space<hbm>> -> memref<128x128xf32, #tpu.memory_space<hbm>>
          %dma_wait3A_274 = tpu.memref_slice %run_scoped3A_9[%rem3A_265] : memref<2x!tpu.dma_semaphore, #tpu.memory_space<semaphore_mem>> -> memref<1x!tpu.dma_semaphore, #tpu.memory_space<semaphore_mem>>
          %dma_wait3A_275 = tpu.memref_squeeze %dma_wait3A_274 : memref<1x!tpu.dma_semaphore, #tpu.memory_space<semaphore_mem>> -> memref<!tpu.dma_semaphore, #tpu.memory_space<semaphore_mem>>
          %dma_wait3A_276 = arith.constant 0 : i32
          %dma_wait3A_277 = tpu.memref_slice %arg4[%mul3A_267, %dma_wait3A_276] : memref<32768x128xf32, #tpu.memory_space<hbm>> -> memref<128x128xf32, #tpu.memory_space<hbm>>
          %dma_wait3A_278 = arith.constant 0 : i32
          %dma_wait3A_279 = arith.constant 0 : i32
          %dma_wait3A_280 = tpu.memref_slice %run_scoped3A_8[%rem3A_265, %dma_wait3A_278, %dma_wait3A_279] : memref<2x128x128xf32, #tpu.memory_space<vmem>> -> memref<1x128x128xf32, #tpu.memory_space<vmem>>
          %dma_wait3A_281 = tpu.memref_squeeze %dma_wait3A_280 : memref<1x128x128xf32, #tpu.memory_space<vmem>> -> memref<128x128xf32, #tpu.memory_space<vmem>>
          tpu.wait_dma2 semaphore(%dma_wait3A_275 : memref<!tpu.dma_semaphore, #tpu.memory_space<semaphore_mem>>) src(%dma_wait3A_281 : memref<128x128xf32, #tpu.memory_space<vmem>>) dst(%dma_wait3A_277 : memref<128x128xf32, #tpu.memory_space<hbm>>)
          "tpu.trace_stop"() : () -> ()
        } else {
        }
        %and3A_244 = arith.constant true
        %and3A_245 = arith.andi %and3A_240, %and3A_244 : i1
        %add3A_246 = arith.constant 1 : i32
        %add3A_247 = arith.addi %scan3A_125, %add3A_246 : i32
        %select_n3A_248 = arith.select %and3A_245, %add3A_247, %scan3A_125 : i32
        %ne3A_249 = arith.cmpi ne, %add3A_131, %add3A_149 : i32
        %or3A_250 = arith.constant false
        %or3A_251 = arith.ori %or3A_250, %ne3A_249 : i1
        %or3A_252 = arith.ori %or3A_251, %eq3A_130 : i1
        %add3A_253 = arith.constant 1 : i32
        %add3A_254 = arith.addi %scan3A_123, %add3A_253 : i32
        %select_n3A_255 = arith.select %or3A_252, %add3A_254, %scan3A_123 : i32
        %add3A_256 = arith.constant 1 : i32
        %add3A_257 = arith.addi %scan3A_126, %add3A_256 : i32
        %select_n3A_258 = arith.constant true
        %select_n3A_259 = arith.select %select_n3A_258, %add3A_257, %scan3A_126 : i32
        %eq3A_260 = arith.constant 8 : i32
        %eq3A_261 = arith.cmpi eq, %select_n3A_259, %eq3A_260 : i32
        %select_n3A_262 = arith.constant 0 : i32
        %select_n3A_263 = arith.select %eq3A_261, %select_n3A_262, %select_n3A_259 : i32
        scf.yield %select_n3A_167, %select_n3A_255, %select_n3A_221, %select_n3A_248, %select_n3A_263 : i32, i32, i32, i32, i32
      }
      %scan3A_68 = arith.constant 8 : i32
      %sub3A = arith.constant 1 : i32
      %sub3A_69 = arith.subi %scan3A_67#4, %sub3A : i32
      %select_n3A_70 = arith.constant true
      %select_n3A_71 = arith.select %select_n3A_70, %sub3A_69, %scan3A_67#4 : i32
      %eq3A_72 = arith.constant -1 : i32
      %eq3A_73 = arith.cmpi eq, %select_n3A_71, %eq3A_72 : i32
      %select_n3A_74 = arith.constant 7 : i32
      %select_n3A_75 = arith.select %eq3A_73, %select_n3A_74, %select_n3A_71 : i32
      %add3A_76 = arith.addi %select_n3A_75, %mul3A_6 : i32
      %sub3A_77 = arith.constant 1 : i32
      %sub3A_78 = arith.subi %select_n3A_75, %sub3A_77 : i32
      %select_n3A_79 = arith.constant true
      %select_n3A_80 = arith.select %select_n3A_79, %sub3A_78, %select_n3A_75 : i32
      %eq3A_81 = arith.constant -1 : i32
      %eq3A_82 = arith.cmpi eq, %select_n3A_80, %eq3A_81 : i32
      %select_n3A_83 = arith.constant 7 : i32
      %select_n3A_84 = arith.select %eq3A_82, %select_n3A_83, %select_n3A_80 : i32
      %add3A_85 = arith.addi %select_n3A_84, %mul3A_6 : i32
      %add3A_86 = arith.constant 1 : i32
      %add3A_87 = arith.addi %select_n3A_75, %add3A_86 : i32
      %select_n3A_88 = arith.constant true
      %select_n3A_89 = arith.select %select_n3A_88, %add3A_87, %select_n3A_75 : i32
      %eq3A_90 = arith.constant 8 : i32
      %eq3A_91 = arith.cmpi eq, %select_n3A_89, %eq3A_90 : i32
      %select_n3A_92 = arith.constant 0 : i32
      %select_n3A_93 = arith.select %eq3A_91, %select_n3A_92, %select_n3A_89 : i32
      %add3A_94 = arith.addi %select_n3A_93, %mul3A_6 : i32
      %add3A_95 = arith.constant 1 : i32
      %add3A_96 = arith.addi %select_n3A_93, %add3A_95 : i32
      %select_n3A_97 = arith.constant true
      %select_n3A_98 = arith.select %select_n3A_97, %add3A_96, %select_n3A_93 : i32
      %eq3A_99 = arith.constant 8 : i32
      %eq3A_100 = arith.cmpi eq, %select_n3A_98, %eq3A_99 : i32
      %select_n3A_101 = arith.constant 0 : i32
      %select_n3A_102 = arith.select %eq3A_100, %select_n3A_101, %select_n3A_98 : i32
      %add3A_103 = arith.addi %select_n3A_102, %mul3A_6 : i32
      "tpu.trace_start"() <{level = 10 : i32, message = "ep_finalize"}> : () -> ()
      %rem3A_104 = arith.constant 2 : i32
      %rem3A_105 = arith.remui %scan3A_67#3, %rem3A_104 : i32
      %mul3A_106 = arith.constant 128 : i32
      %mul3A_107 = arith.muli %mul3A_106, %add3A_76 : i32
      %dma_wait3A = arith.constant 0 : i32
      %dma_wait3A_108 = arith.constant 0 : i32
      %dma_wait3A_109 = tpu.memref_slice %run_scoped3A_8[%rem3A_105, %dma_wait3A, %dma_wait3A_108] : memref<2x128x128xf32, #tpu.memory_space<vmem>> -> memref<1x128x128xf32, #tpu.memory_space<vmem>>
      %dma_wait3A_110 = tpu.memref_squeeze %dma_wait3A_109 : memref<1x128x128xf32, #tpu.memory_space<vmem>> -> memref<128x128xf32, #tpu.memory_space<vmem>>
      %dma_wait3A_111 = arith.constant 0 : i32
      %dma_wait3A_112 = tpu.memref_slice %arg4[%mul3A_107, %dma_wait3A_111] : memref<32768x128xf32, #tpu.memory_space<hbm>> -> memref<128x128xf32, #tpu.memory_space<hbm>>
      %dma_wait3A_113 = tpu.memref_slice %run_scoped3A_9[%rem3A_105] : memref<2x!tpu.dma_semaphore, #tpu.memory_space<semaphore_mem>> -> memref<1x!tpu.dma_semaphore, #tpu.memory_space<semaphore_mem>>
      %dma_wait3A_114 = tpu.memref_squeeze %dma_wait3A_113 : memref<1x!tpu.dma_semaphore, #tpu.memory_space<semaphore_mem>> -> memref<!tpu.dma_semaphore, #tpu.memory_space<semaphore_mem>>
      %dma_wait3A_115 = arith.constant 0 : i32
      %dma_wait3A_116 = tpu.memref_slice %arg4[%mul3A_107, %dma_wait3A_115] : memref<32768x128xf32, #tpu.memory_space<hbm>> -> memref<128x128xf32, #tpu.memory_space<hbm>>
      %dma_wait3A_117 = arith.constant 0 : i32
      %dma_wait3A_118 = arith.constant 0 : i32
      %dma_wait3A_119 = tpu.memref_slice %run_scoped3A_8[%rem3A_105, %dma_wait3A_117, %dma_wait3A_118] : memref<2x128x128xf32, #tpu.memory_space<vmem>> -> memref<1x128x128xf32, #tpu.memory_space<vmem>>
      %dma_wait3A_120 = tpu.memref_squeeze %dma_wait3A_119 : memref<1x128x128xf32, #tpu.memory_space<vmem>> -> memref<128x128xf32, #tpu.memory_space<vmem>>
      tpu.wait_dma2 semaphore(%dma_wait3A_114 : memref<!tpu.dma_semaphore, #tpu.memory_space<semaphore_mem>>) src(%dma_wait3A_120 : memref<128x128xf32, #tpu.memory_space<vmem>>) dst(%dma_wait3A_116 : memref<128x128xf32, #tpu.memory_space<hbm>>)
      "tpu.trace_stop"() : () -> ()
      tpu.yield
    }) : () -> ()
    return
  }
}

module attributes {stable_mosaic.version = 14 : i64} {
  func.func @_lambda_(%arg0: i32, %arg1: i32, %arg2: memref<1x3x8192xf32, #tpu.memory_space<vmem>>, %arg3: memref<1x256x3xf32, #tpu.memory_space<vmem>>, %arg4: memref<1x256x8xi32, #tpu.memory_space<vmem>>) attributes {dimension_semantics = [#tpu.dimension_semantics<arbitrary>, #tpu.dimension_semantics<arbitrary>], iteration_bounds = array<i64: 4, 4>, scalar_prefetch = 0 : i64, scratch_operands = 0 : i64, tpu.core_type = #tpu.core_type<tc>, window_params = [{transform_indices = @transform_0, window_bounds = array<i64: 1, 3, 8192>}, {transform_indices = @transform_1, window_bounds = array<i64: 1, 256, 3>}, {transform_indices = @transform_2, window_bounds = array<i64: 1, 256, 8>}]} {
    %get3A = arith.constant 0 : index
    %get3A_0 = arith.constant 0 : index
    %get3A_1 = arith.constant 0 : index
    %get3A_2 = vector.load %arg2[%get3A, %get3A_0, %get3A_1] : memref<1x3x8192xf32, #tpu.memory_space<vmem>>, vector<1x3x8192xf32>
    %get3A_3 = vector.shape_cast %get3A_2 : vector<1x3x8192xf32> to vector<3x8192xf32>
    %get3A_4 = arith.constant 0 : index
    %get3A_5 = arith.constant 0 : index
    %get3A_6 = arith.constant 0 : index
    %get3A_7 = vector.load %arg3[%get3A_4, %get3A_5, %get3A_6] : memref<1x256x3xf32, #tpu.memory_space<vmem>>, vector<1x256x3xf32>
    %get3A_8 = vector.shape_cast %get3A_7 : vector<1x256x3xf32> to vector<256x3xf32>
    %mul3A = arith.mulf %get3A_3, %get3A_3 : vector<3x8192xf32>
    %reduce_sum3A = arith.constant dense<0.000000e+00> : vector<8192xf32>
    %reduce_sum3A_9 = vector.multi_reduction <add>, %mul3A, %reduce_sum3A [0] : vector<3x8192xf32> to vector<8192xf32>
    %broadcast_in_dim3A = vector.shape_cast %reduce_sum3A_9 : vector<8192xf32> to vector<1x8192xf32>
    %mul3A_10 = arith.mulf %get3A_8, %get3A_8 : vector<256x3xf32>
    %reduce_sum3A_11 = arith.constant dense<0.000000e+00> : vector<256xf32>
    %reduce_sum3A_12 = vector.multi_reduction <add>, %mul3A_10, %reduce_sum3A_11 [1] : vector<256x3xf32> to vector<256xf32>
    %broadcast_in_dim3A_13 = vector.shape_cast %reduce_sum3A_12 : vector<256xf32> to vector<256x1xf32>
    %convert_element_type3A = arith.truncf %get3A_8 : vector<256x3xf32> to vector<256x3xbf16>
    %convert_element_type3A_14 = arith.truncf %get3A_3 : vector<3x8192xf32> to vector<3x8192xbf16>
    %dot_general3A = arith.constant dense<0.000000e+00> : vector<256x8192xf32>
    %dot_general3A_15 = tpu.matmul %convert_element_type3A, %convert_element_type3A_14, %dot_general3A {dimension_numbers = #tpu.dot_dimension_numbers<[1], [0], [0], [1], [0, 0, 1, 1], [], []>, transpose_lhs_hint = false} : vector<256x3xbf16>, vector<3x8192xbf16>, vector<256x8192xf32> -> vector<256x8192xf32>
    %add3A = vector.broadcast %broadcast_in_dim3A_13 : vector<256x1xf32> to vector<256x8192xf32>
    %add3A_16 = vector.broadcast %broadcast_in_dim3A : vector<1x8192xf32> to vector<256x8192xf32>
    %add3A_17 = arith.addf %add3A, %add3A_16 : vector<256x8192xf32>
    %mul3A_18 = arith.constant 2.000000e+00 : f32
    %mul3A_19 = vector.broadcast %mul3A_18 : f32 to vector<256x8192xf32>
    %mul3A_20 = arith.mulf %mul3A_19, %dot_general3A_15 : vector<256x8192xf32>
    %sub3A = arith.subf %add3A_17, %mul3A_20 : vector<256x8192xf32>
    %iota3A = tpu.iota {dimensions = array<i32: 1>} : vector<256x8192xi32>
    %iota3A_21 = tpu.iota {dimensions = array<i32: 1>} : vector<256x8xi32>
    %mul3A_22 = arith.constant 8192 : i32
    %mul3A_23 = arith.muli %arg0, %mul3A_22 : i32
    %broadcast_in_dim3A_24 = arith.constant 0 : i32
    %broadcast_in_dim3A_25 = vector.broadcast %broadcast_in_dim3A_24 : i32 to vector<256x8xi32>
    %broadcast_in_dim3A_26 = arith.constant -1 : i32
    %broadcast_in_dim3A_27 = vector.broadcast %broadcast_in_dim3A_26 : i32 to vector<256x1xi32>
    %scan3A = arith.constant 0 : i32
    %scan3A_28 = arith.constant 8 : i32
    %scan3A_29 = arith.addi %scan3A, %scan3A_28 : i32
    %scan3A_30 = arith.constant 1 : i32
    %scan3A_31:3 = scf.for %scan3A_38 = %scan3A to %scan3A_29 step %scan3A_30 iter_args(%scan3A_39 = %sub3A, %scan3A_40 = %broadcast_in_dim3A_25, %scan3A_41 = %broadcast_in_dim3A_27) -> (vector<256x8192xf32>, vector<256x8xi32>, vector<256x1xi32>)  : i32 {
      %eq3A = vector.broadcast %scan3A_41 : vector<256x1xi32> to vector<256x8192xi32>
      %eq3A_42 = arith.cmpi eq, %iota3A, %eq3A : vector<256x8192xi32>
      %jit3A = arith.constant 0x7F800000 : f32
      %broadcast_in_dim3A_43 = vector.broadcast %jit3A : f32 to vector<256x8192xf32>
      %select_n3A = arith.select %eq3A_42, %broadcast_in_dim3A_43, %scan3A_39 : vector<256x8192xi1>, vector<256x8192xf32>
      %reduce_min3A = arith.constant dense<0x7F800000> : vector<256xf32>
      %reduce_min3A_44 = vector.multi_reduction <minimumf>, %select_n3A, %reduce_min3A [1] : vector<256x8192xf32> to vector<256xf32>
      %broadcast_in_dim3A_45 = vector.shape_cast %reduce_min3A_44 : vector<256xf32> to vector<256x1xf32>
      %eq3A_46 = vector.broadcast %broadcast_in_dim3A_45 : vector<256x1xf32> to vector<256x8192xf32>
      %eq3A_47 = arith.cmpf oeq, %select_n3A, %eq3A_46 : vector<256x8192xf32>
      %jit3A_48 = arith.constant 8192 : i32
      %broadcast_in_dim3A_49 = vector.broadcast %jit3A_48 : i32 to vector<256x8192xi32>
      %select_n3A_50 = arith.select %eq3A_47, %iota3A, %broadcast_in_dim3A_49 : vector<256x8192xi1>, vector<256x8192xi32>
      %reduce_min3A_51 = arith.constant dense<2147483647> : vector<256xi32>
      %reduce_min3A_52 = vector.multi_reduction <minsi>, %select_n3A_50, %reduce_min3A_51 [1] : vector<256x8192xi32> to vector<256xi32>
      %broadcast_in_dim3A_53 = vector.shape_cast %reduce_min3A_52 : vector<256xi32> to vector<256x1xi32>
      %eq3A_54 = vector.broadcast %scan3A_38 : i32 to vector<256x8xi32>
      %eq3A_55 = arith.cmpi eq, %iota3A_21, %eq3A_54 : vector<256x8xi32>
      %add3A_56 = vector.broadcast %mul3A_23 : i32 to vector<256x1xi32>
      %add3A_57 = arith.addi %broadcast_in_dim3A_53, %add3A_56 : vector<256x1xi32>
      %broadcast_in_dim3A_58 = vector.shape_cast %add3A_57 : vector<256x1xi32> to vector<256x1xi32>
      %broadcast_in_dim3A_59 = vector.broadcast %broadcast_in_dim3A_58 : vector<256x1xi32> to vector<256x8xi32>
      %select_n3A_60 = arith.select %eq3A_55, %broadcast_in_dim3A_59, %scan3A_40 : vector<256x8xi1>, vector<256x8xi32>
      scf.yield %select_n3A, %select_n3A_60, %broadcast_in_dim3A_53 : vector<256x8192xf32>, vector<256x8xi32>, vector<256x1xi32>
    }
    %scan3A_32 = arith.constant 8 : i32
    %swap3A = arith.constant 0 : index
    %swap3A_33 = arith.constant 0 : index
    %swap3A_34 = arith.constant 0 : index
    %swap3A_35 = vector.load %arg4[%swap3A, %swap3A_33, %swap3A_34] : memref<1x256x8xi32, #tpu.memory_space<vmem>>, vector<1x256x8xi32>
    %swap3A_36 = vector.shape_cast %swap3A_35 : vector<1x256x8xi32> to vector<256x8xi32>
    %swap3A_37 = vector.shape_cast %scan3A_31#1 : vector<256x8xi32> to vector<1x256x8xi32>
    tpu.vector_store %arg4[%swap3A, %swap3A_33, %swap3A_34], %swap3A_37 {strides = array<i32>} : memref<1x256x8xi32, #tpu.memory_space<vmem>>, vector<1x256x8xi32>,
    return
  }
  func.func @transform_0(%arg0: i32, %arg1: i32) -> (i32, i32, i32) {
    %c0_i32 = arith.constant 0 : i32
    %c0_i32_0 = arith.constant 0 : i32
    %c0_i32_1 = arith.constant 0 : i32
    return %arg0, %c0_i32, %c0_i32_0 : i32, i32, i32
  }
  func.func @transform_1(%arg0: i32, %arg1: i32) -> (i32, i32, i32) {
    %c0_i32 = arith.constant 0 : i32
    %c0_i32_0 = arith.constant 0 : i32
    return %arg0, %arg1, %c0_i32 : i32, i32, i32
  }
  func.func @transform_2(%arg0: i32, %arg1: i32) -> (i32, i32, i32) {
    %c0_i32 = arith.constant 0 : i32
    %c0_i32_0 = arith.constant 0 : i32
    return %arg0, %arg1, %c0_i32 : i32, i32, i32
  }
}

module attributes {stable_mosaic.version = 14 : i64} {
  func.func @_lambda_(%arg0: i32, %arg1: memref<1024x8x128xf32, #tpu.memory_space<vmem>>, %arg2: memref<1024x16xf32, #tpu.memory_space<vmem>>, %arg3: memref<128x128xf32, #tpu.memory_space<vmem>>, %arg4: memref<8x128xf32, #tpu.memory_space<vmem>>) attributes {dimension_semantics = [#tpu.dimension_semantics<arbitrary>], iteration_bounds = array<i64: 4>, scalar_prefetch = 0 : i64, scratch_operands = 0 : i64, tpu.core_type = #tpu.core_type<tc>, window_params = [{transform_indices = @transform_0, window_bounds = array<i64: 1024, 8, 128>}, {transform_indices = @transform_1, window_bounds = array<i64: 1024, 16>}, {pipeline_mode = #tpu.pipeline_mode<synchronous>, transform_indices = @transform_2, window_bounds = array<i64: 128, 128>}, {pipeline_mode = #tpu.pipeline_mode<synchronous>, transform_indices = @transform_3, window_bounds = array<i64: 8, 128>}]} {
    %get3A = arith.constant 0 : index
    %get3A_0 = arith.constant 0 : index
    %get3A_1 = vector.load %arg2[%get3A, %get3A_0] : memref<1024x16xf32, #tpu.memory_space<vmem>>, vector<1024x16xf32>
    %get3A_2 = arith.constant 0 : index
    %get3A_3 = arith.constant 0 : index
    %get3A_4 = arith.constant 0 : index
    %get3A_5 = vector.load %arg1[%get3A_2, %get3A_3, %get3A_4] : memref<1024x8x128xf32, #tpu.memory_space<vmem>>, vector<1024x1x16xf32>
    %get3A_6 = vector.shape_cast %get3A_5 : vector<1024x1x16xf32> to vector<1024x16xf32>
    %sub3A = arith.subf %get3A_6, %get3A_1 : vector<1024x16xf32>
    %get3A_7 = arith.constant 0 : index
    %get3A_8 = arith.constant 1 : index
    %get3A_9 = arith.constant 0 : index
    %get3A_10 = vector.load %arg1[%get3A_7, %get3A_8, %get3A_9] : memref<1024x8x128xf32, #tpu.memory_space<vmem>>, vector<1024x1x16xf32>
    %get3A_11 = vector.shape_cast %get3A_10 : vector<1024x1x16xf32> to vector<1024x16xf32>
    %sub3A_12 = arith.subf %get3A_11, %get3A_1 : vector<1024x16xf32>
    %get3A_13 = arith.constant 0 : index
    %get3A_14 = arith.constant 2 : index
    %get3A_15 = arith.constant 0 : index
    %get3A_16 = vector.load %arg1[%get3A_13, %get3A_14, %get3A_15] : memref<1024x8x128xf32, #tpu.memory_space<vmem>>, vector<1024x1x16xf32>
    %get3A_17 = vector.shape_cast %get3A_16 : vector<1024x1x16xf32> to vector<1024x16xf32>
    %sub3A_18 = arith.subf %get3A_17, %get3A_1 : vector<1024x16xf32>
    %get3A_19 = arith.constant 0 : index
    %get3A_20 = arith.constant 3 : index
    %get3A_21 = arith.constant 0 : index
    %get3A_22 = vector.load %arg1[%get3A_19, %get3A_20, %get3A_21] : memref<1024x8x128xf32, #tpu.memory_space<vmem>>, vector<1024x1x16xf32>
    %get3A_23 = vector.shape_cast %get3A_22 : vector<1024x1x16xf32> to vector<1024x16xf32>
    %sub3A_24 = arith.subf %get3A_23, %get3A_1 : vector<1024x16xf32>
    %get3A_25 = arith.constant 0 : index
    %get3A_26 = arith.constant 4 : index
    %get3A_27 = arith.constant 0 : index
    %get3A_28 = vector.load %arg1[%get3A_25, %get3A_26, %get3A_27] : memref<1024x8x128xf32, #tpu.memory_space<vmem>>, vector<1024x1x16xf32>
    %get3A_29 = vector.shape_cast %get3A_28 : vector<1024x1x16xf32> to vector<1024x16xf32>
    %sub3A_30 = arith.subf %get3A_29, %get3A_1 : vector<1024x16xf32>
    %get3A_31 = arith.constant 0 : index
    %get3A_32 = arith.constant 5 : index
    %get3A_33 = arith.constant 0 : index
    %get3A_34 = vector.load %arg1[%get3A_31, %get3A_32, %get3A_33] : memref<1024x8x128xf32, #tpu.memory_space<vmem>>, vector<1024x1x16xf32>
    %get3A_35 = vector.shape_cast %get3A_34 : vector<1024x1x16xf32> to vector<1024x16xf32>
    %sub3A_36 = arith.subf %get3A_35, %get3A_1 : vector<1024x16xf32>
    %get3A_37 = arith.constant 0 : index
    %get3A_38 = arith.constant 6 : index
    %get3A_39 = arith.constant 0 : index
    %get3A_40 = vector.load %arg1[%get3A_37, %get3A_38, %get3A_39] : memref<1024x8x128xf32, #tpu.memory_space<vmem>>, vector<1024x1x16xf32>
    %get3A_41 = vector.shape_cast %get3A_40 : vector<1024x1x16xf32> to vector<1024x16xf32>
    %sub3A_42 = arith.subf %get3A_41, %get3A_1 : vector<1024x16xf32>
    %get3A_43 = arith.constant 0 : index
    %get3A_44 = arith.constant 7 : index
    %get3A_45 = arith.constant 0 : index
    %get3A_46 = vector.load %arg1[%get3A_43, %get3A_44, %get3A_45] : memref<1024x8x128xf32, #tpu.memory_space<vmem>>, vector<1024x1x16xf32>
    %get3A_47 = vector.shape_cast %get3A_46 : vector<1024x1x16xf32> to vector<1024x16xf32>
    %sub3A_48 = arith.subf %get3A_47, %get3A_1 : vector<1024x16xf32>
    %concatenate3A = tpu.concatenate %sub3A, %sub3A_12, %sub3A_18, %sub3A_24, %sub3A_30, %sub3A_36, %sub3A_42, %sub3A_48 in 1 : vector<1024x16xf32>, vector<1024x16xf32>, vector<1024x16xf32>, vector<1024x16xf32>, vector<1024x16xf32>, vector<1024x16xf32>, vector<1024x16xf32>, vector<1024x16xf32> -> vector<1024x128xf32>
    %dot_general3A = arith.constant dense<0.000000e+00> : vector<128x128xf32>
    %dot_general3A_49 = tpu.matmul %concatenate3A, %concatenate3A, %dot_general3A {dimension_numbers = #tpu.dot_dimension_numbers<[0], [0], [1], [1], [0, 1, 1, 1], [], []>, transpose_lhs_hint = false} : vector<1024x128xf32>, vector<1024x128xf32>, vector<128x128xf32> -> vector<128x128xf32>
    %reduce_sum3A = arith.constant dense<0.000000e+00> : vector<128xf32>
    %reduce_sum3A_50 = vector.multi_reduction <add>, %concatenate3A, %reduce_sum3A [0] : vector<1024x128xf32> to vector<128xf32>
    %broadcast_in_dim3A = vector.shape_cast %reduce_sum3A_50 : vector<128xf32> to vector<1x128xf32>
    %broadcast_in_dim3A_51 = arith.constant 0.000000e+00 : f32
    %broadcast_in_dim3A_52 = vector.broadcast %broadcast_in_dim3A_51 : f32 to vector<7x128xf32>
    %concatenate3A_53 = tpu.concatenate %broadcast_in_dim3A, %broadcast_in_dim3A_52 in 0 : vector<1x128xf32>, vector<7x128xf32> -> vector<8x128xf32>
    %eq3A = arith.constant 0 : i32
    %eq3A_54 = arith.cmpi eq, %arg0, %eq3A : i32
    %convert_element_type3A = arith.extui %eq3A_54 : i1 to i32
    %cond3A = arith.constant 0 : i32
    %cond3A_55 = arith.cmpi ne, %convert_element_type3A, %cond3A : i32
    scf.if %cond3A_55 {
      %swap3A = arith.constant 0 : index
      %swap3A_60 = arith.constant 0 : index
      %swap3A_61 = vector.load %arg3[%swap3A, %swap3A_60] : memref<128x128xf32, #tpu.memory_space<vmem>>, vector<128x128xf32>
      tpu.vector_store %arg3[%swap3A, %swap3A_60], %dot_general3A_49 {strides = array<i32>} : memref<128x128xf32, #tpu.memory_space<vmem>>, vector<128x128xf32>,
      %swap3A_62 = arith.constant 0 : index
      %swap3A_63 = arith.constant 0 : index
      %swap3A_64 = vector.load %arg4[%swap3A_62, %swap3A_63] : memref<8x128xf32, #tpu.memory_space<vmem>>, vector<8x128xf32>
      tpu.vector_store %arg4[%swap3A_62, %swap3A_63], %concatenate3A_53 {strides = array<i32>} : memref<8x128xf32, #tpu.memory_space<vmem>>, vector<8x128xf32>,
    } else {
    }
    %gt3A = arith.constant 0 : i32
    %gt3A_56 = arith.cmpi sgt, %arg0, %gt3A : i32
    %convert_element_type3A_57 = arith.extui %gt3A_56 : i1 to i32
    %cond3A_58 = arith.constant 0 : i32
    %cond3A_59 = arith.cmpi ne, %convert_element_type3A_57, %cond3A_58 : i32
    scf.if %cond3A_59 {
      %get3A_60 = arith.constant 0 : index
      %get3A_61 = arith.constant 0 : index
      %get3A_62 = vector.load %arg3[%get3A_60, %get3A_61] : memref<128x128xf32, #tpu.memory_space<vmem>>, vector<128x128xf32>
      %add3A = arith.addf %get3A_62, %dot_general3A_49 : vector<128x128xf32>
      %swap3A = arith.constant 0 : index
      %swap3A_63 = arith.constant 0 : index
      %swap3A_64 = vector.load %arg3[%swap3A, %swap3A_63] : memref<128x128xf32, #tpu.memory_space<vmem>>, vector<128x128xf32>
      tpu.vector_store %arg3[%swap3A, %swap3A_63], %add3A {strides = array<i32>} : memref<128x128xf32, #tpu.memory_space<vmem>>, vector<128x128xf32>,
      %get3A_65 = arith.constant 0 : index
      %get3A_66 = arith.constant 0 : index
      %get3A_67 = vector.load %arg4[%get3A_65, %get3A_66] : memref<8x128xf32, #tpu.memory_space<vmem>>, vector<8x128xf32>
      %add3A_68 = arith.addf %get3A_67, %concatenate3A_53 : vector<8x128xf32>
      %swap3A_69 = arith.constant 0 : index
      %swap3A_70 = arith.constant 0 : index
      %swap3A_71 = vector.load %arg4[%swap3A_69, %swap3A_70] : memref<8x128xf32, #tpu.memory_space<vmem>>, vector<8x128xf32>
      tpu.vector_store %arg4[%swap3A_69, %swap3A_70], %add3A_68 {strides = array<i32>} : memref<8x128xf32, #tpu.memory_space<vmem>>, vector<8x128xf32>,
    } else {
    }
    return
  }
  func.func @transform_0(%arg0: i32) -> (i32, i32, i32) {
    %c0_i32 = arith.constant 0 : i32
    %c0_i32_0 = arith.constant 0 : i32
    %c0_i32_1 = arith.constant 0 : i32
    return %arg0, %c0_i32, %c0_i32_0 : i32, i32, i32
  }
  func.func @transform_1(%arg0: i32) -> (i32, i32) {
    %c0_i32 = arith.constant 0 : i32
    %c0_i32_0 = arith.constant 0 : i32
    return %arg0, %c0_i32 : i32, i32
  }
  func.func @transform_2(%arg0: i32) -> (i32, i32) {
    %c0_i32 = arith.constant 0 : i32
    %c0_i32_0 = arith.constant 0 : i32
    %c0_i32_1 = arith.constant 0 : i32
    return %c0_i32, %c0_i32_0 : i32, i32
  }
  func.func @transform_3(%arg0: i32) -> (i32, i32) {
    %c0_i32 = arith.constant 0 : i32
    %c0_i32_0 = arith.constant 0 : i32
    %c0_i32_1 = arith.constant 0 : i32
    return %c0_i32, %c0_i32_0 : i32, i32
  }
}

module attributes {stable_mosaic.version = 14 : i64} {
  func.func @_lambda_(%arg0: i32, %arg1: memref<512x8x128xf32, #tpu.memory_space<vmem>>, %arg2: memref<512x16xf32, #tpu.memory_space<vmem>>, %arg3: memref<16x64xf32, #tpu.memory_space<vmem>>, %arg4: memref<1x64xf32, #tpu.memory_space<vmem>>, %arg5: memref<64x64xf32, #tpu.memory_space<vmem>>, %arg6: memref<8x16x64xf32, #tpu.memory_space<vmem>>, %arg7: memref<1x64xf32, #tpu.memory_space<vmem>>, %arg8: memref<64x64xf32, #tpu.memory_space<vmem>>, %arg9: memref<512x8x64xf32, #tpu.memory_space<vmem>>, %arg10: memref<512x64xf32, #tpu.memory_space<vmem>>, %arg11: memref<8x64xf32, #tpu.memory_space<vmem>>) attributes {dimension_semantics = [#tpu.dimension_semantics<arbitrary>], iteration_bounds = array<i64: 8>, scalar_prefetch = 0 : i64, scratch_operands = 0 : i64, tpu.core_type = #tpu.core_type<tc>, window_params = [{transform_indices = @transform_0, window_bounds = array<i64: 512, 8, 128>}, {transform_indices = @transform_1, window_bounds = array<i64: 512, 16>}, {pipeline_mode = #tpu.pipeline_mode<synchronous>, transform_indices = @transform_2, window_bounds = array<i64: 16, 64>}, {pipeline_mode = #tpu.pipeline_mode<synchronous>, transform_indices = @transform_3, window_bounds = array<i64: 1, 64>}, {pipeline_mode = #tpu.pipeline_mode<synchronous>, transform_indices = @transform_4, window_bounds = array<i64: 64, 64>}, {pipeline_mode = #tpu.pipeline_mode<synchronous>, transform_indices = @transform_5, window_bounds = array<i64: 8, 16, 64>}, {pipeline_mode = #tpu.pipeline_mode<synchronous>, transform_indices = @transform_6, window_bounds = array<i64: 1, 64>}, {pipeline_mode = #tpu.pipeline_mode<synchronous>, transform_indices = @transform_7, window_bounds = array<i64: 64, 64>}, {transform_indices = @transform_8, window_bounds = array<i64: 512, 8, 64>}, {transform_indices = @transform_9, window_bounds = array<i64: 512, 64>}, {pipeline_mode = #tpu.pipeline_mode<synchronous>, transform_indices = @transform_10, window_bounds = array<i64: 8, 64>}]} {
    %get3A = arith.constant 0 : index
    %get3A_0 = arith.constant 0 : index
    %get3A_1 = arith.constant 0 : index
    %get3A_2 = vector.load %arg1[%get3A, %get3A_0, %get3A_1] : memref<512x8x128xf32, #tpu.memory_space<vmem>>, vector<512x8x16xf32>
    %get3A_3 = arith.constant 0 : index
    %get3A_4 = arith.constant 0 : index
    %get3A_5 = vector.load %arg2[%get3A_3, %get3A_4] : memref<512x16xf32, #tpu.memory_space<vmem>>, vector<512x16xf32>
    %broadcast_in_dim3A = vector.shape_cast %get3A_5 : vector<512x16xf32> to vector<512x1x16xf32>
    %sub3A = vector.broadcast %broadcast_in_dim3A : vector<512x1x16xf32> to vector<512x8x16xf32>
    %sub3A_6 = arith.subf %get3A_2, %sub3A : vector<512x8x16xf32>
    %reshape3A = vector.shape_cast %sub3A_6 : vector<512x8x16xf32> to vector<4096x16xf32>
    %get3A_7 = arith.constant 0 : index
    %get3A_8 = arith.constant 0 : index
    %get3A_9 = vector.load %arg3[%get3A_7, %get3A_8] : memref<16x64xf32, #tpu.memory_space<vmem>>, vector<16x64xf32>
    %dot_general3A = arith.constant dense<0.000000e+00> : vector<4096x64xf32>
    %dot_general3A_10 = tpu.matmul %reshape3A, %get3A_9, %dot_general3A {dimension_numbers = #tpu.dot_dimension_numbers<[1], [0], [0], [1], [0, 0, 1, 1], [], []>, transpose_lhs_hint = false} : vector<4096x16xf32>, vector<16x64xf32>, vector<4096x64xf32> -> vector<4096x64xf32>
    %get3A_11 = arith.constant 0 : index
    %get3A_12 = arith.constant 0 : index
    %get3A_13 = vector.load %arg4[%get3A_11, %get3A_12] : memref<1x64xf32, #tpu.memory_space<vmem>>, vector<1x64xf32>
    %add3A = vector.broadcast %get3A_13 : vector<1x64xf32> to vector<4096x64xf32>
    %add3A_14 = arith.addf %dot_general3A_10, %add3A : vector<4096x64xf32>
    %gt3A = arith.constant 0.000000e+00 : f32
    %gt3A_15 = vector.broadcast %gt3A : f32 to vector<4096x64xf32>
    %gt3A_16 = arith.cmpf ogt, %add3A_14, %gt3A_15 : vector<4096x64xf32>
    %exp3A = math.exp %add3A_14 : vector<4096x64xf32>
    %sub3A_17 = arith.constant 1.000000e+00 : f32
    %sub3A_18 = vector.broadcast %sub3A_17 : f32 to vector<4096x64xf32>
    %sub3A_19 = arith.subf %exp3A, %sub3A_18 : vector<4096x64xf32>
    %mul3A = arith.constant 1.67326319 : f32
    %mul3A_20 = vector.broadcast %mul3A : f32 to vector<4096x64xf32>
    %mul3A_21 = arith.mulf %mul3A_20, %sub3A_19 : vector<4096x64xf32>
    %select_n3A = arith.select %gt3A_16, %add3A_14, %mul3A_21 : vector<4096x64xi1>, vector<4096x64xf32>
    %mul3A_22 = arith.constant 1.05070102 : f32
    %mul3A_23 = vector.broadcast %mul3A_22 : f32 to vector<4096x64xf32>
    %mul3A_24 = arith.mulf %mul3A_23, %select_n3A : vector<4096x64xf32>
    %get3A_25 = arith.constant 0 : index
    %get3A_26 = arith.constant 0 : index
    %get3A_27 = vector.load %arg5[%get3A_25, %get3A_26] : memref<64x64xf32, #tpu.memory_space<vmem>>, vector<64x64xf32>
    %dot_general3A_28 = arith.constant dense<0.000000e+00> : vector<4096x64xf32>
    %dot_general3A_29 = tpu.matmul %mul3A_24, %get3A_27, %dot_general3A_28 {dimension_numbers = #tpu.dot_dimension_numbers<[1], [0], [0], [1], [0, 0, 1, 1], [], []>, transpose_lhs_hint = false} : vector<4096x64xf32>, vector<64x64xf32>, vector<4096x64xf32> -> vector<4096x64xf32>
    %reshape3A_30 = vector.shape_cast %dot_general3A_29 : vector<4096x64xf32> to vector<512x8x64xf32>
    %swap3A = arith.constant 0 : index
    %swap3A_31 = arith.constant 0 : index
    %swap3A_32 = arith.constant 0 : index
    %swap3A_33 = vector.load %arg9[%swap3A, %swap3A_31, %swap3A_32] : memref<512x8x64xf32, #tpu.memory_space<vmem>>, vector<512x8x64xf32>
    tpu.vector_store %arg9[%swap3A, %swap3A_31, %swap3A_32], %reshape3A_30 {strides = array<i32>} : memref<512x8x64xf32, #tpu.memory_space<vmem>>, vector<512x8x64xf32>,
    %get3A_34 = arith.constant 0 : index
    %get3A_35 = arith.constant 0 : index
    %get3A_36 = vector.load %arg7[%get3A_34, %get3A_35] : memref<1x64xf32, #tpu.memory_space<vmem>>, vector<1x64xf32>
    %slice3A = vector.extract_strided_slice %sub3A_6 {offsets = [0, 0, 0], sizes = [512, 1, 16], strides = [1, 1, 1]} : vector<512x8x16xf32> to vector<512x1x16xf32>
    %squeeze3A = vector.shape_cast %slice3A : vector<512x1x16xf32> to vector<512x16xf32>
    %get3A_37 = arith.constant 0 : index
    %get3A_38 = arith.constant 0 : index
    %get3A_39 = arith.constant 0 : index
    %get3A_40 = vector.load %arg6[%get3A_37, %get3A_38, %get3A_39] : memref<8x16x64xf32, #tpu.memory_space<vmem>>, vector<1x16x64xf32>
    %get3A_41 = vector.shape_cast %get3A_40 : vector<1x16x64xf32> to vector<16x64xf32>
    %dot_general3A_42 = arith.constant dense<0.000000e+00> : vector<512x64xf32>
    %dot_general3A_43 = tpu.matmul %squeeze3A, %get3A_41, %dot_general3A_42 {dimension_numbers = #tpu.dot_dimension_numbers<[1], [0], [0], [1], [0, 0, 1, 1], [], []>, transpose_lhs_hint = false} : vector<512x16xf32>, vector<16x64xf32>, vector<512x64xf32> -> vector<512x64xf32>
    %add3A_44 = vector.broadcast %get3A_36 : vector<1x64xf32> to vector<512x64xf32>
    %add3A_45 = arith.addf %add3A_44, %dot_general3A_43 : vector<512x64xf32>
    %slice3A_46 = vector.extract_strided_slice %sub3A_6 {offsets = [0, 1, 0], sizes = [512, 1, 16], strides = [1, 1, 1]} : vector<512x8x16xf32> to vector<512x1x16xf32>
    %squeeze3A_47 = vector.shape_cast %slice3A_46 : vector<512x1x16xf32> to vector<512x16xf32>
    %get3A_48 = arith.constant 1 : index
    %get3A_49 = arith.constant 0 : index
    %get3A_50 = arith.constant 0 : index
    %get3A_51 = vector.load %arg6[%get3A_48, %get3A_49, %get3A_50] : memref<8x16x64xf32, #tpu.memory_space<vmem>>, vector<1x16x64xf32>
    %get3A_52 = vector.shape_cast %get3A_51 : vector<1x16x64xf32> to vector<16x64xf32>
    %dot_general3A_53 = arith.constant dense<0.000000e+00> : vector<512x64xf32>
    %dot_general3A_54 = tpu.matmul %squeeze3A_47, %get3A_52, %dot_general3A_53 {dimension_numbers = #tpu.dot_dimension_numbers<[1], [0], [0], [1], [0, 0, 1, 1], [], []>, transpose_lhs_hint = false} : vector<512x16xf32>, vector<16x64xf32>, vector<512x64xf32> -> vector<512x64xf32>
    %add3A_55 = arith.addf %add3A_45, %dot_general3A_54 : vector<512x64xf32>
    %slice3A_56 = vector.extract_strided_slice %sub3A_6 {offsets = [0, 2, 0], sizes = [512, 1, 16], strides = [1, 1, 1]} : vector<512x8x16xf32> to vector<512x1x16xf32>
    %squeeze3A_57 = vector.shape_cast %slice3A_56 : vector<512x1x16xf32> to vector<512x16xf32>
    %get3A_58 = arith.constant 2 : index
    %get3A_59 = arith.constant 0 : index
    %get3A_60 = arith.constant 0 : index
    %get3A_61 = vector.load %arg6[%get3A_58, %get3A_59, %get3A_60] : memref<8x16x64xf32, #tpu.memory_space<vmem>>, vector<1x16x64xf32>
    %get3A_62 = vector.shape_cast %get3A_61 : vector<1x16x64xf32> to vector<16x64xf32>
    %dot_general3A_63 = arith.constant dense<0.000000e+00> : vector<512x64xf32>
    %dot_general3A_64 = tpu.matmul %squeeze3A_57, %get3A_62, %dot_general3A_63 {dimension_numbers = #tpu.dot_dimension_numbers<[1], [0], [0], [1], [0, 0, 1, 1], [], []>, transpose_lhs_hint = false} : vector<512x16xf32>, vector<16x64xf32>, vector<512x64xf32> -> vector<512x64xf32>
    %add3A_65 = arith.addf %add3A_55, %dot_general3A_64 : vector<512x64xf32>
    %slice3A_66 = vector.extract_strided_slice %sub3A_6 {offsets = [0, 3, 0], sizes = [512, 1, 16], strides = [1, 1, 1]} : vector<512x8x16xf32> to vector<512x1x16xf32>
    %squeeze3A_67 = vector.shape_cast %slice3A_66 : vector<512x1x16xf32> to vector<512x16xf32>
    %get3A_68 = arith.constant 3 : index
    %get3A_69 = arith.constant 0 : index
    %get3A_70 = arith.constant 0 : index
    %get3A_71 = vector.load %arg6[%get3A_68, %get3A_69, %get3A_70] : memref<8x16x64xf32, #tpu.memory_space<vmem>>, vector<1x16x64xf32>
    %get3A_72 = vector.shape_cast %get3A_71 : vector<1x16x64xf32> to vector<16x64xf32>
    %dot_general3A_73 = arith.constant dense<0.000000e+00> : vector<512x64xf32>
    %dot_general3A_74 = tpu.matmul %squeeze3A_67, %get3A_72, %dot_general3A_73 {dimension_numbers = #tpu.dot_dimension_numbers<[1], [0], [0], [1], [0, 0, 1, 1], [], []>, transpose_lhs_hint = false} : vector<512x16xf32>, vector<16x64xf32>, vector<512x64xf32> -> vector<512x64xf32>
    %add3A_75 = arith.addf %add3A_65, %dot_general3A_74 : vector<512x64xf32>
    %slice3A_76 = vector.extract_strided_slice %sub3A_6 {offsets = [0, 4, 0], sizes = [512, 1, 16], strides = [1, 1, 1]} : vector<512x8x16xf32> to vector<512x1x16xf32>
    %squeeze3A_77 = vector.shape_cast %slice3A_76 : vector<512x1x16xf32> to vector<512x16xf32>
    %get3A_78 = arith.constant 4 : index
    %get3A_79 = arith.constant 0 : index
    %get3A_80 = arith.constant 0 : index
    %get3A_81 = vector.load %arg6[%get3A_78, %get3A_79, %get3A_80] : memref<8x16x64xf32, #tpu.memory_space<vmem>>, vector<1x16x64xf32>
    %get3A_82 = vector.shape_cast %get3A_81 : vector<1x16x64xf32> to vector<16x64xf32>
    %dot_general3A_83 = arith.constant dense<0.000000e+00> : vector<512x64xf32>
    %dot_general3A_84 = tpu.matmul %squeeze3A_77, %get3A_82, %dot_general3A_83 {dimension_numbers = #tpu.dot_dimension_numbers<[1], [0], [0], [1], [0, 0, 1, 1], [], []>, transpose_lhs_hint = false} : vector<512x16xf32>, vector<16x64xf32>, vector<512x64xf32> -> vector<512x64xf32>
    %add3A_85 = arith.addf %add3A_75, %dot_general3A_84 : vector<512x64xf32>
    %slice3A_86 = vector.extract_strided_slice %sub3A_6 {offsets = [0, 5, 0], sizes = [512, 1, 16], strides = [1, 1, 1]} : vector<512x8x16xf32> to vector<512x1x16xf32>
    %squeeze3A_87 = vector.shape_cast %slice3A_86 : vector<512x1x16xf32> to vector<512x16xf32>
    %get3A_88 = arith.constant 5 : index
    %get3A_89 = arith.constant 0 : index
    %get3A_90 = arith.constant 0 : index
    %get3A_91 = vector.load %arg6[%get3A_88, %get3A_89, %get3A_90] : memref<8x16x64xf32, #tpu.memory_space<vmem>>, vector<1x16x64xf32>
    %get3A_92 = vector.shape_cast %get3A_91 : vector<1x16x64xf32> to vector<16x64xf32>
    %dot_general3A_93 = arith.constant dense<0.000000e+00> : vector<512x64xf32>
    %dot_general3A_94 = tpu.matmul %squeeze3A_87, %get3A_92, %dot_general3A_93 {dimension_numbers = #tpu.dot_dimension_numbers<[1], [0], [0], [1], [0, 0, 1, 1], [], []>, transpose_lhs_hint = false} : vector<512x16xf32>, vector<16x64xf32>, vector<512x64xf32> -> vector<512x64xf32>
    %add3A_95 = arith.addf %add3A_85, %dot_general3A_94 : vector<512x64xf32>
    %slice3A_96 = vector.extract_strided_slice %sub3A_6 {offsets = [0, 6, 0], sizes = [512, 1, 16], strides = [1, 1, 1]} : vector<512x8x16xf32> to vector<512x1x16xf32>
    %squeeze3A_97 = vector.shape_cast %slice3A_96 : vector<512x1x16xf32> to vector<512x16xf32>
    %get3A_98 = arith.constant 6 : index
    %get3A_99 = arith.constant 0 : index
    %get3A_100 = arith.constant 0 : index
    %get3A_101 = vector.load %arg6[%get3A_98, %get3A_99, %get3A_100] : memref<8x16x64xf32, #tpu.memory_space<vmem>>, vector<1x16x64xf32>
    %get3A_102 = vector.shape_cast %get3A_101 : vector<1x16x64xf32> to vector<16x64xf32>
    %dot_general3A_103 = arith.constant dense<0.000000e+00> : vector<512x64xf32>
    %dot_general3A_104 = tpu.matmul %squeeze3A_97, %get3A_102, %dot_general3A_103 {dimension_numbers = #tpu.dot_dimension_numbers<[1], [0], [0], [1], [0, 0, 1, 1], [], []>, transpose_lhs_hint = false} : vector<512x16xf32>, vector<16x64xf32>, vector<512x64xf32> -> vector<512x64xf32>
    %add3A_105 = arith.addf %add3A_95, %dot_general3A_104 : vector<512x64xf32>
    %slice3A_106 = vector.extract_strided_slice %sub3A_6 {offsets = [0, 7, 0], sizes = [512, 1, 16], strides = [1, 1, 1]} : vector<512x8x16xf32> to vector<512x1x16xf32>
    %squeeze3A_107 = vector.shape_cast %slice3A_106 : vector<512x1x16xf32> to vector<512x16xf32>
    %get3A_108 = arith.constant 7 : index
    %get3A_109 = arith.constant 0 : index
    %get3A_110 = arith.constant 0 : index
    %get3A_111 = vector.load %arg6[%get3A_108, %get3A_109, %get3A_110] : memref<8x16x64xf32, #tpu.memory_space<vmem>>, vector<1x16x64xf32>
    %get3A_112 = vector.shape_cast %get3A_111 : vector<1x16x64xf32> to vector<16x64xf32>
    %dot_general3A_113 = arith.constant dense<0.000000e+00> : vector<512x64xf32>
    %dot_general3A_114 = tpu.matmul %squeeze3A_107, %get3A_112, %dot_general3A_113 {dimension_numbers = #tpu.dot_dimension_numbers<[1], [0], [0], [1], [0, 0, 1, 1], [], []>, transpose_lhs_hint = false} : vector<512x16xf32>, vector<16x64xf32>, vector<512x64xf32> -> vector<512x64xf32>
    %add3A_115 = arith.addf %add3A_105, %dot_general3A_114 : vector<512x64xf32>
    %gt3A_116 = arith.constant 0.000000e+00 : f32
    %gt3A_117 = vector.broadcast %gt3A_116 : f32 to vector<512x64xf32>
    %gt3A_118 = arith.cmpf ogt, %add3A_115, %gt3A_117 : vector<512x64xf32>
    %exp3A_119 = math.exp %add3A_115 : vector<512x64xf32>
    %sub3A_120 = arith.constant 1.000000e+00 : f32
    %sub3A_121 = vector.broadcast %sub3A_120 : f32 to vector<512x64xf32>
    %sub3A_122 = arith.subf %exp3A_119, %sub3A_121 : vector<512x64xf32>
    %mul3A_123 = arith.constant 1.67326319 : f32
    %mul3A_124 = vector.broadcast %mul3A_123 : f32 to vector<512x64xf32>
    %mul3A_125 = arith.mulf %mul3A_124, %sub3A_122 : vector<512x64xf32>
    %select_n3A_126 = arith.select %gt3A_118, %add3A_115, %mul3A_125 : vector<512x64xi1>, vector<512x64xf32>
    %mul3A_127 = arith.constant 1.05070102 : f32
    %mul3A_128 = vector.broadcast %mul3A_127 : f32 to vector<512x64xf32>
    %mul3A_129 = arith.mulf %mul3A_128, %select_n3A_126 : vector<512x64xf32>
    %get3A_130 = arith.constant 0 : index
    %get3A_131 = arith.constant 0 : index
    %get3A_132 = vector.load %arg8[%get3A_130, %get3A_131] : memref<64x64xf32, #tpu.memory_space<vmem>>, vector<64x64xf32>
    %dot_general3A_133 = arith.constant dense<0.000000e+00> : vector<512x64xf32>
    %dot_general3A_134 = tpu.matmul %mul3A_129, %get3A_132, %dot_general3A_133 {dimension_numbers = #tpu.dot_dimension_numbers<[1], [0], [0], [1], [0, 0, 1, 1], [], []>, transpose_lhs_hint = false} : vector<512x64xf32>, vector<64x64xf32>, vector<512x64xf32> -> vector<512x64xf32>
    %swap3A_135 = arith.constant 0 : index
    %swap3A_136 = arith.constant 0 : index
    %swap3A_137 = vector.load %arg10[%swap3A_135, %swap3A_136] : memref<512x64xf32, #tpu.memory_space<vmem>>, vector<512x64xf32>
    tpu.vector_store %arg10[%swap3A_135, %swap3A_136], %dot_general3A_134 {strides = array<i32>} : memref<512x64xf32, #tpu.memory_space<vmem>>, vector<512x64xf32>,
    %broadcast_in_dim3A_138 = arith.constant 0.000000e+00 : f32
    %broadcast_in_dim3A_139 = vector.broadcast %broadcast_in_dim3A_138 : f32 to vector<1x64xf32>
    %reduce_sum3A = arith.constant dense<0.000000e+00> : vector<64xf32>
    %reduce_sum3A_140 = vector.multi_reduction <add>, %dot_general3A_29, %reduce_sum3A [0] : vector<4096x64xf32> to vector<64xf32>
    %broadcast_in_dim3A_141 = vector.shape_cast %reduce_sum3A_140 : vector<64xf32> to vector<1x64xf32>
    %mul3A_142 = arith.mulf %dot_general3A_29, %dot_general3A_29 : vector<4096x64xf32>
    %reduce_sum3A_143 = arith.constant dense<0.000000e+00> : vector<64xf32>
    %reduce_sum3A_144 = vector.multi_reduction <add>, %mul3A_142, %reduce_sum3A_143 [0] : vector<4096x64xf32> to vector<64xf32>
    %broadcast_in_dim3A_145 = vector.shape_cast %reduce_sum3A_144 : vector<64xf32> to vector<1x64xf32>
    %reduce_sum3A_146 = arith.constant dense<0.000000e+00> : vector<64xf32>
    %reduce_sum3A_147 = vector.multi_reduction <add>, %dot_general3A_134, %reduce_sum3A_146 [0] : vector<512x64xf32> to vector<64xf32>
    %broadcast_in_dim3A_148 = vector.shape_cast %reduce_sum3A_147 : vector<64xf32> to vector<1x64xf32>
    %mul3A_149 = arith.mulf %dot_general3A_134, %dot_general3A_134 : vector<512x64xf32>
    %reduce_sum3A_150 = arith.constant dense<0.000000e+00> : vector<64xf32>
    %reduce_sum3A_151 = vector.multi_reduction <add>, %mul3A_149, %reduce_sum3A_150 [0] : vector<512x64xf32> to vector<64xf32>
    %broadcast_in_dim3A_152 = vector.shape_cast %reduce_sum3A_151 : vector<64xf32> to vector<1x64xf32>
    %concatenate3A = tpu.concatenate %broadcast_in_dim3A_141, %broadcast_in_dim3A_145, %broadcast_in_dim3A_148, %broadcast_in_dim3A_152, %broadcast_in_dim3A_139, %broadcast_in_dim3A_139, %broadcast_in_dim3A_139, %broadcast_in_dim3A_139 in 0 : vector<1x64xf32>, vector<1x64xf32>, vector<1x64xf32>, vector<1x64xf32>, vector<1x64xf32>, vector<1x64xf32>, vector<1x64xf32>, vector<1x64xf32> -> vector<8x64xf32>
    %eq3A = arith.constant 0 : i32
    %eq3A_153 = arith.cmpi eq, %arg0, %eq3A : i32
    %convert_element_type3A = arith.extui %eq3A_153 : i1 to i32
    %cond3A = arith.constant 0 : i32
    %cond3A_154 = arith.cmpi ne, %convert_element_type3A, %cond3A : i32
    scf.if %cond3A_154 {
      %swap3A_160 = arith.constant 0 : index
      %swap3A_161 = arith.constant 0 : index
      %swap3A_162 = vector.load %arg11[%swap3A_160, %swap3A_161] : memref<8x64xf32, #tpu.memory_space<vmem>>, vector<8x64xf32>
      tpu.vector_store %arg11[%swap3A_160, %swap3A_161], %concatenate3A {strides = array<i32>} : memref<8x64xf32, #tpu.memory_space<vmem>>, vector<8x64xf32>,
    } else {
    }
    %gt3A_155 = arith.constant 0 : i32
    %gt3A_156 = arith.cmpi sgt, %arg0, %gt3A_155 : i32
    %convert_element_type3A_157 = arith.extui %gt3A_156 : i1 to i32
    %cond3A_158 = arith.constant 0 : i32
    %cond3A_159 = arith.cmpi ne, %convert_element_type3A_157, %cond3A_158 : i32
    scf.if %cond3A_159 {
      %get3A_160 = arith.constant 0 : index
      %get3A_161 = arith.constant 0 : index
      %get3A_162 = vector.load %arg11[%get3A_160, %get3A_161] : memref<8x64xf32, #tpu.memory_space<vmem>>, vector<8x64xf32>
      %add3A_163 = arith.addf %get3A_162, %concatenate3A : vector<8x64xf32>
      %swap3A_164 = arith.constant 0 : index
      %swap3A_165 = arith.constant 0 : index
      %swap3A_166 = vector.load %arg11[%swap3A_164, %swap3A_165] : memref<8x64xf32, #tpu.memory_space<vmem>>, vector<8x64xf32>
      tpu.vector_store %arg11[%swap3A_164, %swap3A_165], %add3A_163 {strides = array<i32>} : memref<8x64xf32, #tpu.memory_space<vmem>>, vector<8x64xf32>,
    } else {
    }
    return
  }
  func.func @transform_0(%arg0: i32) -> (i32, i32, i32) {
    %c0_i32 = arith.constant 0 : i32
    %c0_i32_0 = arith.constant 0 : i32
    %c0_i32_1 = arith.constant 0 : i32
    return %arg0, %c0_i32, %c0_i32_0 : i32, i32, i32
  }
  func.func @transform_1(%arg0: i32) -> (i32, i32) {
    %c0_i32 = arith.constant 0 : i32
    %c0_i32_0 = arith.constant 0 : i32
    return %arg0, %c0_i32 : i32, i32
  }
  func.func @transform_2(%arg0: i32) -> (i32, i32) {
    %c0_i32 = arith.constant 0 : i32
    %c0_i32_0 = arith.constant 0 : i32
    %c0_i32_1 = arith.constant 0 : i32
    return %c0_i32, %c0_i32_0 : i32, i32
  }
  func.func @transform_3(%arg0: i32) -> (i32, i32) {
    %c0_i32 = arith.constant 0 : i32
    %c0_i32_0 = arith.constant 0 : i32
    %c0_i32_1 = arith.constant 0 : i32
    return %c0_i32, %c0_i32_0 : i32, i32
  }
  func.func @transform_4(%arg0: i32) -> (i32, i32) {
    %c0_i32 = arith.constant 0 : i32
    %c0_i32_0 = arith.constant 0 : i32
    %c0_i32_1 = arith.constant 0 : i32
    return %c0_i32, %c0_i32_0 : i32, i32
  }
  func.func @transform_5(%arg0: i32) -> (i32, i32, i32) {
    %c0_i32 = arith.constant 0 : i32
    %c0_i32_0 = arith.constant 0 : i32
    %c0_i32_1 = arith.constant 0 : i32
    %c0_i32_2 = arith.constant 0 : i32
    return %c0_i32, %c0_i32_0, %c0_i32_1 : i32, i32, i32
  }
  func.func @transform_6(%arg0: i32) -> (i32, i32) {
    %c0_i32 = arith.constant 0 : i32
    %c0_i32_0 = arith.constant 0 : i32
    %c0_i32_1 = arith.constant 0 : i32
    return %c0_i32, %c0_i32_0 : i32, i32
  }
  func.func @transform_7(%arg0: i32) -> (i32, i32) {
    %c0_i32 = arith.constant 0 : i32
    %c0_i32_0 = arith.constant 0 : i32
    %c0_i32_1 = arith.constant 0 : i32
    return %c0_i32, %c0_i32_0 : i32, i32
  }
  func.func @transform_8(%arg0: i32) -> (i32, i32, i32) {
    %c0_i32 = arith.constant 0 : i32
    %c0_i32_0 = arith.constant 0 : i32
    %c0_i32_1 = arith.constant 0 : i32
    return %arg0, %c0_i32, %c0_i32_0 : i32, i32, i32
  }
  func.func @transform_9(%arg0: i32) -> (i32, i32) {
    %c0_i32 = arith.constant 0 : i32
    %c0_i32_0 = arith.constant 0 : i32
    return %arg0, %c0_i32 : i32, i32
  }
  func.func @transform_10(%arg0: i32) -> (i32, i32) {
    %c0_i32 = arith.constant 0 : i32
    %c0_i32_0 = arith.constant 0 : i32
    %c0_i32_1 = arith.constant 0 : i32
    return %c0_i32, %c0_i32_0 : i32, i32
  }
}

module attributes {stable_mosaic.version = 14 : i64} {
  func.func @_lambda_(%arg0: i32, %arg1: i32, %arg2: memref<512x8x64xf32, #tpu.memory_space<vmem>>, %arg3: memref<512x64xf32, #tpu.memory_space<vmem>>, %arg4: memref<512x8x128xf32, #tpu.memory_space<vmem>>, %arg5: memref<8x64xf32, #tpu.memory_space<vmem>>, %arg6: memref<64x64xf32, #tpu.memory_space<vmem>>, %arg7: memref<8x192x256xf32, #tpu.memory_space<vmem>>, %arg8: memref<1x256x512xf32, #tpu.memory_space<vmem>>, %arg9: memref<256x8xf32, #tpu.memory_space<vmem>>) attributes {dimension_semantics = [#tpu.dimension_semantics<arbitrary>, #tpu.dimension_semantics<arbitrary>], iteration_bounds = array<i64: 4, 2>, scalar_prefetch = 0 : i64, scratch_operands = 0 : i64, tpu.core_type = #tpu.core_type<tc>, window_params = [{transform_indices = @transform_0, window_bounds = array<i64: 512, 8, 64>}, {transform_indices = @transform_1, window_bounds = array<i64: 512, 64>}, {transform_indices = @transform_2, window_bounds = array<i64: 512, 8, 128>}, {pipeline_mode = #tpu.pipeline_mode<synchronous>, transform_indices = @transform_3, window_bounds = array<i64: 8, 64>}, {pipeline_mode = #tpu.pipeline_mode<synchronous>, transform_indices = @transform_4, window_bounds = array<i64: 64, 64>}, {pipeline_mode = #tpu.pipeline_mode<synchronous>, transform_indices = @transform_5, window_bounds = array<i64: 8, 192, 256>}, {transform_indices = @transform_6, window_bounds = array<i64: 1, 256, 512>}, {pipeline_mode = #tpu.pipeline_mode<synchronous>, transform_indices = @transform_7, window_bounds = array<i64: 256, 8>}]} {
    %get3A = arith.constant 0 : index
    %get3A_0 = arith.constant 0 : index
    %get3A_1 = vector.load %arg5[%get3A, %get3A_0] : memref<8x64xf32, #tpu.memory_space<vmem>>, vector<1x64xf32>
    %get3A_2 = arith.constant 1 : index
    %get3A_3 = arith.constant 0 : index
    %get3A_4 = vector.load %arg5[%get3A_2, %get3A_3] : memref<8x64xf32, #tpu.memory_space<vmem>>, vector<1x64xf32>
    %get3A_5 = arith.constant 2 : index
    %get3A_6 = arith.constant 0 : index
    %get3A_7 = vector.load %arg5[%get3A_5, %get3A_6] : memref<8x64xf32, #tpu.memory_space<vmem>>, vector<1x64xf32>
    %get3A_8 = arith.constant 3 : index
    %get3A_9 = arith.constant 0 : index
    %get3A_10 = vector.load %arg5[%get3A_8, %get3A_9] : memref<8x64xf32, #tpu.memory_space<vmem>>, vector<1x64xf32>
    %get3A_11 = arith.constant 0 : index
    %get3A_12 = arith.constant 0 : index
    %get3A_13 = arith.constant 0 : index
    %get3A_14 = vector.load %arg2[%get3A_11, %get3A_12, %get3A_13] : memref<512x8x64xf32, #tpu.memory_space<vmem>>, vector<512x8x64xf32>
    %broadcast_in_dim3A = vector.shape_cast %get3A_1 : vector<1x64xf32> to vector<1x1x64xf32>
    %mul3A = vector.broadcast %broadcast_in_dim3A : vector<1x1x64xf32> to vector<512x8x64xf32>
    %mul3A_15 = arith.mulf %get3A_14, %mul3A : vector<512x8x64xf32>
    %broadcast_in_dim3A_16 = vector.shape_cast %get3A_4 : vector<1x64xf32> to vector<1x1x64xf32>
    %add3A = vector.broadcast %broadcast_in_dim3A_16 : vector<1x1x64xf32> to vector<512x8x64xf32>
    %add3A_17 = arith.addf %mul3A_15, %add3A : vector<512x8x64xf32>
    %gt3A = arith.constant 0.000000e+00 : f32
    %gt3A_18 = vector.broadcast %gt3A : f32 to vector<512x8x64xf32>
    %gt3A_19 = arith.cmpf ogt, %add3A_17, %gt3A_18 : vector<512x8x64xf32>
    %exp3A = math.exp %add3A_17 : vector<512x8x64xf32>
    %sub3A = arith.constant 1.000000e+00 : f32
    %sub3A_20 = vector.broadcast %sub3A : f32 to vector<512x8x64xf32>
    %sub3A_21 = arith.subf %exp3A, %sub3A_20 : vector<512x8x64xf32>
    %mul3A_22 = arith.constant 1.67326319 : f32
    %mul3A_23 = vector.broadcast %mul3A_22 : f32 to vector<512x8x64xf32>
    %mul3A_24 = arith.mulf %mul3A_23, %sub3A_21 : vector<512x8x64xf32>
    %select_n3A = arith.select %gt3A_19, %add3A_17, %mul3A_24 : vector<512x8x64xi1>, vector<512x8x64xf32>
    %mul3A_25 = arith.constant 1.05070102 : f32
    %mul3A_26 = vector.broadcast %mul3A_25 : f32 to vector<512x8x64xf32>
    %mul3A_27 = arith.mulf %mul3A_26, %select_n3A : vector<512x8x64xf32>
    %get3A_28 = arith.constant 0 : index
    %get3A_29 = arith.constant 0 : index
    %get3A_30 = vector.load %arg3[%get3A_28, %get3A_29] : memref<512x64xf32, #tpu.memory_space<vmem>>, vector<512x64xf32>
    %mul3A_31 = vector.broadcast %get3A_7 : vector<1x64xf32> to vector<512x64xf32>
    %mul3A_32 = arith.mulf %get3A_30, %mul3A_31 : vector<512x64xf32>
    %add3A_33 = vector.broadcast %get3A_10 : vector<1x64xf32> to vector<512x64xf32>
    %add3A_34 = arith.addf %mul3A_32, %add3A_33 : vector<512x64xf32>
    %gt3A_35 = arith.constant 0.000000e+00 : f32
    %gt3A_36 = vector.broadcast %gt3A_35 : f32 to vector<512x64xf32>
    %gt3A_37 = arith.cmpf ogt, %add3A_34, %gt3A_36 : vector<512x64xf32>
    %exp3A_38 = math.exp %add3A_34 : vector<512x64xf32>
    %sub3A_39 = arith.constant 1.000000e+00 : f32
    %sub3A_40 = vector.broadcast %sub3A_39 : f32 to vector<512x64xf32>
    %sub3A_41 = arith.subf %exp3A_38, %sub3A_40 : vector<512x64xf32>
    %mul3A_42 = arith.constant 1.67326319 : f32
    %mul3A_43 = vector.broadcast %mul3A_42 : f32 to vector<512x64xf32>
    %mul3A_44 = arith.mulf %mul3A_43, %sub3A_41 : vector<512x64xf32>
    %select_n3A_45 = arith.select %gt3A_37, %add3A_34, %mul3A_44 : vector<512x64xi1>, vector<512x64xf32>
    %mul3A_46 = arith.constant 1.05070102 : f32
    %mul3A_47 = vector.broadcast %mul3A_46 : f32 to vector<512x64xf32>
    %mul3A_48 = arith.mulf %mul3A_47, %select_n3A_45 : vector<512x64xf32>
    %get3A_49 = arith.constant 0 : index
    %get3A_50 = arith.constant 0 : index
    %get3A_51 = vector.load %arg6[%get3A_49, %get3A_50] : memref<64x64xf32, #tpu.memory_space<vmem>>, vector<64x64xf32>
    %dot_general3A = arith.constant dense<0.000000e+00> : vector<512x64xf32>
    %dot_general3A_52 = tpu.matmul %mul3A_48, %get3A_51, %dot_general3A {dimension_numbers = #tpu.dot_dimension_numbers<[1], [0], [0], [1], [0, 0, 1, 1], [], []>, transpose_lhs_hint = false} : vector<512x64xf32>, vector<64x64xf32>, vector<512x64xf32> -> vector<512x64xf32>
    %get3A_53 = arith.constant 0 : index
    %get3A_54 = arith.constant 0 : index
    %get3A_55 = arith.constant 0 : index
    %get3A_56 = vector.load %arg4[%get3A_53, %get3A_54, %get3A_55] : memref<512x8x128xf32, #tpu.memory_space<vmem>>, vector<512x8x128xf32>
    %concatenate3A = tpu.concatenate %mul3A_27, %get3A_56 in 2 : vector<512x8x64xf32>, vector<512x8x128xf32> -> vector<512x8x192xf32>
    %broadcast_in_dim3A_57 = arith.constant 0.000000e+00 : f32
    %broadcast_in_dim3A_58 = vector.broadcast %broadcast_in_dim3A_57 : f32 to vector<256x512xf32>
    %slice3A = vector.extract_strided_slice %dot_general3A_52 {offsets = [0, 0], sizes = [512, 1], strides = [1, 1]} : vector<512x64xf32> to vector<512x1xf32>
    %slice3A_59 = vector.extract_strided_slice %concatenate3A {offsets = [0, 0, 0], sizes = [512, 1, 192], strides = [1, 1, 1]} : vector<512x8x192xf32> to vector<512x1x192xf32>
    %squeeze3A = vector.shape_cast %slice3A_59 : vector<512x1x192xf32> to vector<512x192xf32>
    %mul3A_60 = vector.broadcast %slice3A : vector<512x1xf32> to vector<512x192xf32>
    %mul3A_61 = arith.mulf %mul3A_60, %squeeze3A : vector<512x192xf32>
    %slice3A_62 = vector.extract_strided_slice %dot_general3A_52 {offsets = [0, 1], sizes = [512, 1], strides = [1, 1]} : vector<512x64xf32> to vector<512x1xf32>
    %slice3A_63 = vector.extract_strided_slice %concatenate3A {offsets = [0, 1, 0], sizes = [512, 1, 192], strides = [1, 1, 1]} : vector<512x8x192xf32> to vector<512x1x192xf32>
    %squeeze3A_64 = vector.shape_cast %slice3A_63 : vector<512x1x192xf32> to vector<512x192xf32>
    %mul3A_65 = vector.broadcast %slice3A_62 : vector<512x1xf32> to vector<512x192xf32>
    %mul3A_66 = arith.mulf %mul3A_65, %squeeze3A_64 : vector<512x192xf32>
    %add3A_67 = arith.addf %mul3A_61, %mul3A_66 : vector<512x192xf32>
    %slice3A_68 = vector.extract_strided_slice %dot_general3A_52 {offsets = [0, 2], sizes = [512, 1], strides = [1, 1]} : vector<512x64xf32> to vector<512x1xf32>
    %slice3A_69 = vector.extract_strided_slice %concatenate3A {offsets = [0, 2, 0], sizes = [512, 1, 192], strides = [1, 1, 1]} : vector<512x8x192xf32> to vector<512x1x192xf32>
    %squeeze3A_70 = vector.shape_cast %slice3A_69 : vector<512x1x192xf32> to vector<512x192xf32>
    %mul3A_71 = vector.broadcast %slice3A_68 : vector<512x1xf32> to vector<512x192xf32>
    %mul3A_72 = arith.mulf %mul3A_71, %squeeze3A_70 : vector<512x192xf32>
    %add3A_73 = arith.addf %add3A_67, %mul3A_72 : vector<512x192xf32>
    %slice3A_74 = vector.extract_strided_slice %dot_general3A_52 {offsets = [0, 3], sizes = [512, 1], strides = [1, 1]} : vector<512x64xf32> to vector<512x1xf32>
    %slice3A_75 = vector.extract_strided_slice %concatenate3A {offsets = [0, 3, 0], sizes = [512, 1, 192], strides = [1, 1, 1]} : vector<512x8x192xf32> to vector<512x1x192xf32>
    %squeeze3A_76 = vector.shape_cast %slice3A_75 : vector<512x1x192xf32> to vector<512x192xf32>
    %mul3A_77 = vector.broadcast %slice3A_74 : vector<512x1xf32> to vector<512x192xf32>
    %mul3A_78 = arith.mulf %mul3A_77, %squeeze3A_76 : vector<512x192xf32>
    %add3A_79 = arith.addf %add3A_73, %mul3A_78 : vector<512x192xf32>
    %slice3A_80 = vector.extract_strided_slice %dot_general3A_52 {offsets = [0, 4], sizes = [512, 1], strides = [1, 1]} : vector<512x64xf32> to vector<512x1xf32>
    %slice3A_81 = vector.extract_strided_slice %concatenate3A {offsets = [0, 4, 0], sizes = [512, 1, 192], strides = [1, 1, 1]} : vector<512x8x192xf32> to vector<512x1x192xf32>
    %squeeze3A_82 = vector.shape_cast %slice3A_81 : vector<512x1x192xf32> to vector<512x192xf32>
    %mul3A_83 = vector.broadcast %slice3A_80 : vector<512x1xf32> to vector<512x192xf32>
    %mul3A_84 = arith.mulf %mul3A_83, %squeeze3A_82 : vector<512x192xf32>
    %add3A_85 = arith.addf %add3A_79, %mul3A_84 : vector<512x192xf32>
    %slice3A_86 = vector.extract_strided_slice %dot_general3A_52 {offsets = [0, 5], sizes = [512, 1], strides = [1, 1]} : vector<512x64xf32> to vector<512x1xf32>
    %slice3A_87 = vector.extract_strided_slice %concatenate3A {offsets = [0, 5, 0], sizes = [512, 1, 192], strides = [1, 1, 1]} : vector<512x8x192xf32> to vector<512x1x192xf32>
    %squeeze3A_88 = vector.shape_cast %slice3A_87 : vector<512x1x192xf32> to vector<512x192xf32>
    %mul3A_89 = vector.broadcast %slice3A_86 : vector<512x1xf32> to vector<512x192xf32>
    %mul3A_90 = arith.mulf %mul3A_89, %squeeze3A_88 : vector<512x192xf32>
    %add3A_91 = arith.addf %add3A_85, %mul3A_90 : vector<512x192xf32>
    %slice3A_92 = vector.extract_strided_slice %dot_general3A_52 {offsets = [0, 6], sizes = [512, 1], strides = [1, 1]} : vector<512x64xf32> to vector<512x1xf32>
    %slice3A_93 = vector.extract_strided_slice %concatenate3A {offsets = [0, 6, 0], sizes = [512, 1, 192], strides = [1, 1, 1]} : vector<512x8x192xf32> to vector<512x1x192xf32>
    %squeeze3A_94 = vector.shape_cast %slice3A_93 : vector<512x1x192xf32> to vector<512x192xf32>
    %mul3A_95 = vector.broadcast %slice3A_92 : vector<512x1xf32> to vector<512x192xf32>
    %mul3A_96 = arith.mulf %mul3A_95, %squeeze3A_94 : vector<512x192xf32>
    %add3A_97 = arith.addf %add3A_91, %mul3A_96 : vector<512x192xf32>
    %slice3A_98 = vector.extract_strided_slice %dot_general3A_52 {offsets = [0, 7], sizes = [512, 1], strides = [1, 1]} : vector<512x64xf32> to vector<512x1xf32>
    %slice3A_99 = vector.extract_strided_slice %concatenate3A {offsets = [0, 7, 0], sizes = [512, 1, 192], strides = [1, 1, 1]} : vector<512x8x192xf32> to vector<512x1x192xf32>
    %squeeze3A_100 = vector.shape_cast %slice3A_99 : vector<512x1x192xf32> to vector<512x192xf32>
    %mul3A_101 = vector.broadcast %slice3A_98 : vector<512x1xf32> to vector<512x192xf32>
    %mul3A_102 = arith.mulf %mul3A_101, %squeeze3A_100 : vector<512x192xf32>
    %add3A_103 = arith.addf %add3A_97, %mul3A_102 : vector<512x192xf32>
    %get3A_104 = arith.constant 0 : index
    %get3A_105 = arith.constant 0 : index
    %get3A_106 = arith.constant 0 : index
    %get3A_107 = vector.load %arg7[%get3A_104, %get3A_105, %get3A_106] : memref<8x192x256xf32, #tpu.memory_space<vmem>>, vector<1x192x256xf32>
    %get3A_108 = vector.shape_cast %get3A_107 : vector<1x192x256xf32> to vector<192x256xf32>
    %dot_general3A_109 = arith.constant dense<0.000000e+00> : vector<256x512xf32>
    %dot_general3A_110 = tpu.matmul %get3A_108, %add3A_103, %dot_general3A_109 {dimension_numbers = #tpu.dot_dimension_numbers<[0], [1], [1], [0], [0, 1, 1, 0], [], []>, transpose_lhs_hint = false} : vector<192x256xf32>, vector<512x192xf32>, vector<256x512xf32> -> vector<256x512xf32>
    %add3A_111 = arith.addf %broadcast_in_dim3A_58, %dot_general3A_110 : vector<256x512xf32>
    %slice3A_112 = vector.extract_strided_slice %dot_general3A_52 {offsets = [0, 8], sizes = [512, 1], strides = [1, 1]} : vector<512x64xf32> to vector<512x1xf32>
    %slice3A_113 = vector.extract_strided_slice %concatenate3A {offsets = [0, 0, 0], sizes = [512, 1, 192], strides = [1, 1, 1]} : vector<512x8x192xf32> to vector<512x1x192xf32>
    %squeeze3A_114 = vector.shape_cast %slice3A_113 : vector<512x1x192xf32> to vector<512x192xf32>
    %mul3A_115 = vector.broadcast %slice3A_112 : vector<512x1xf32> to vector<512x192xf32>
    %mul3A_116 = arith.mulf %mul3A_115, %squeeze3A_114 : vector<512x192xf32>
    %slice3A_117 = vector.extract_strided_slice %dot_general3A_52 {offsets = [0, 9], sizes = [512, 1], strides = [1, 1]} : vector<512x64xf32> to vector<512x1xf32>
    %slice3A_118 = vector.extract_strided_slice %concatenate3A {offsets = [0, 1, 0], sizes = [512, 1, 192], strides = [1, 1, 1]} : vector<512x8x192xf32> to vector<512x1x192xf32>
    %squeeze3A_119 = vector.shape_cast %slice3A_118 : vector<512x1x192xf32> to vector<512x192xf32>
    %mul3A_120 = vector.broadcast %slice3A_117 : vector<512x1xf32> to vector<512x192xf32>
    %mul3A_121 = arith.mulf %mul3A_120, %squeeze3A_119 : vector<512x192xf32>
    %add3A_122 = arith.addf %mul3A_116, %mul3A_121 : vector<512x192xf32>
    %slice3A_123 = vector.extract_strided_slice %dot_general3A_52 {offsets = [0, 10], sizes = [512, 1], strides = [1, 1]} : vector<512x64xf32> to vector<512x1xf32>
    %slice3A_124 = vector.extract_strided_slice %concatenate3A {offsets = [0, 2, 0], sizes = [512, 1, 192], strides = [1, 1, 1]} : vector<512x8x192xf32> to vector<512x1x192xf32>
    %squeeze3A_125 = vector.shape_cast %slice3A_124 : vector<512x1x192xf32> to vector<512x192xf32>
    %mul3A_126 = vector.broadcast %slice3A_123 : vector<512x1xf32> to vector<512x192xf32>
    %mul3A_127 = arith.mulf %mul3A_126, %squeeze3A_125 : vector<512x192xf32>
    %add3A_128 = arith.addf %add3A_122, %mul3A_127 : vector<512x192xf32>
    %slice3A_129 = vector.extract_strided_slice %dot_general3A_52 {offsets = [0, 11], sizes = [512, 1], strides = [1, 1]} : vector<512x64xf32> to vector<512x1xf32>
    %slice3A_130 = vector.extract_strided_slice %concatenate3A {offsets = [0, 3, 0], sizes = [512, 1, 192], strides = [1, 1, 1]} : vector<512x8x192xf32> to vector<512x1x192xf32>
    %squeeze3A_131 = vector.shape_cast %slice3A_130 : vector<512x1x192xf32> to vector<512x192xf32>
    %mul3A_132 = vector.broadcast %slice3A_129 : vector<512x1xf32> to vector<512x192xf32>
    %mul3A_133 = arith.mulf %mul3A_132, %squeeze3A_131 : vector<512x192xf32>
    %add3A_134 = arith.addf %add3A_128, %mul3A_133 : vector<512x192xf32>
    %slice3A_135 = vector.extract_strided_slice %dot_general3A_52 {offsets = [0, 12], sizes = [512, 1], strides = [1, 1]} : vector<512x64xf32> to vector<512x1xf32>
    %slice3A_136 = vector.extract_strided_slice %concatenate3A {offsets = [0, 4, 0], sizes = [512, 1, 192], strides = [1, 1, 1]} : vector<512x8x192xf32> to vector<512x1x192xf32>
    %squeeze3A_137 = vector.shape_cast %slice3A_136 : vector<512x1x192xf32> to vector<512x192xf32>
    %mul3A_138 = vector.broadcast %slice3A_135 : vector<512x1xf32> to vector<512x192xf32>
    %mul3A_139 = arith.mulf %mul3A_138, %squeeze3A_137 : vector<512x192xf32>
    %add3A_140 = arith.addf %add3A_134, %mul3A_139 : vector<512x192xf32>
    %slice3A_141 = vector.extract_strided_slice %dot_general3A_52 {offsets = [0, 13], sizes = [512, 1], strides = [1, 1]} : vector<512x64xf32> to vector<512x1xf32>
    %slice3A_142 = vector.extract_strided_slice %concatenate3A {offsets = [0, 5, 0], sizes = [512, 1, 192], strides = [1, 1, 1]} : vector<512x8x192xf32> to vector<512x1x192xf32>
    %squeeze3A_143 = vector.shape_cast %slice3A_142 : vector<512x1x192xf32> to vector<512x192xf32>
    %mul3A_144 = vector.broadcast %slice3A_141 : vector<512x1xf32> to vector<512x192xf32>
    %mul3A_145 = arith.mulf %mul3A_144, %squeeze3A_143 : vector<512x192xf32>
    %add3A_146 = arith.addf %add3A_140, %mul3A_145 : vector<512x192xf32>
    %slice3A_147 = vector.extract_strided_slice %dot_general3A_52 {offsets = [0, 14], sizes = [512, 1], strides = [1, 1]} : vector<512x64xf32> to vector<512x1xf32>
    %slice3A_148 = vector.extract_strided_slice %concatenate3A {offsets = [0, 6, 0], sizes = [512, 1, 192], strides = [1, 1, 1]} : vector<512x8x192xf32> to vector<512x1x192xf32>
    %squeeze3A_149 = vector.shape_cast %slice3A_148 : vector<512x1x192xf32> to vector<512x192xf32>
    %mul3A_150 = vector.broadcast %slice3A_147 : vector<512x1xf32> to vector<512x192xf32>
    %mul3A_151 = arith.mulf %mul3A_150, %squeeze3A_149 : vector<512x192xf32>
    %add3A_152 = arith.addf %add3A_146, %mul3A_151 : vector<512x192xf32>
    %slice3A_153 = vector.extract_strided_slice %dot_general3A_52 {offsets = [0, 15], sizes = [512, 1], strides = [1, 1]} : vector<512x64xf32> to vector<512x1xf32>
    %slice3A_154 = vector.extract_strided_slice %concatenate3A {offsets = [0, 7, 0], sizes = [512, 1, 192], strides = [1, 1, 1]} : vector<512x8x192xf32> to vector<512x1x192xf32>
    %squeeze3A_155 = vector.shape_cast %slice3A_154 : vector<512x1x192xf32> to vector<512x192xf32>
    %mul3A_156 = vector.broadcast %slice3A_153 : vector<512x1xf32> to vector<512x192xf32>
    %mul3A_157 = arith.mulf %mul3A_156, %squeeze3A_155 : vector<512x192xf32>
    %add3A_158 = arith.addf %add3A_152, %mul3A_157 : vector<512x192xf32>
    %get3A_159 = arith.constant 1 : index
    %get3A_160 = arith.constant 0 : index
    %get3A_161 = arith.constant 0 : index
    %get3A_162 = vector.load %arg7[%get3A_159, %get3A_160, %get3A_161] : memref<8x192x256xf32, #tpu.memory_space<vmem>>, vector<1x192x256xf32>
    %get3A_163 = vector.shape_cast %get3A_162 : vector<1x192x256xf32> to vector<192x256xf32>
    %dot_general3A_164 = arith.constant dense<0.000000e+00> : vector<256x512xf32>
    %dot_general3A_165 = tpu.matmul %get3A_163, %add3A_158, %dot_general3A_164 {dimension_numbers = #tpu.dot_dimension_numbers<[0], [1], [1], [0], [0, 1, 1, 0], [], []>, transpose_lhs_hint = false} : vector<192x256xf32>, vector<512x192xf32>, vector<256x512xf32> -> vector<256x512xf32>
    %add3A_166 = arith.addf %add3A_111, %dot_general3A_165 : vector<256x512xf32>
    %slice3A_167 = vector.extract_strided_slice %dot_general3A_52 {offsets = [0, 16], sizes = [512, 1], strides = [1, 1]} : vector<512x64xf32> to vector<512x1xf32>
    %slice3A_168 = vector.extract_strided_slice %concatenate3A {offsets = [0, 0, 0], sizes = [512, 1, 192], strides = [1, 1, 1]} : vector<512x8x192xf32> to vector<512x1x192xf32>
    %squeeze3A_169 = vector.shape_cast %slice3A_168 : vector<512x1x192xf32> to vector<512x192xf32>
    %mul3A_170 = vector.broadcast %slice3A_167 : vector<512x1xf32> to vector<512x192xf32>
    %mul3A_171 = arith.mulf %mul3A_170, %squeeze3A_169 : vector<512x192xf32>
    %slice3A_172 = vector.extract_strided_slice %dot_general3A_52 {offsets = [0, 17], sizes = [512, 1], strides = [1, 1]} : vector<512x64xf32> to vector<512x1xf32>
    %slice3A_173 = vector.extract_strided_slice %concatenate3A {offsets = [0, 1, 0], sizes = [512, 1, 192], strides = [1, 1, 1]} : vector<512x8x192xf32> to vector<512x1x192xf32>
    %squeeze3A_174 = vector.shape_cast %slice3A_173 : vector<512x1x192xf32> to vector<512x192xf32>
    %mul3A_175 = vector.broadcast %slice3A_172 : vector<512x1xf32> to vector<512x192xf32>
    %mul3A_176 = arith.mulf %mul3A_175, %squeeze3A_174 : vector<512x192xf32>
    %add3A_177 = arith.addf %mul3A_171, %mul3A_176 : vector<512x192xf32>
    %slice3A_178 = vector.extract_strided_slice %dot_general3A_52 {offsets = [0, 18], sizes = [512, 1], strides = [1, 1]} : vector<512x64xf32> to vector<512x1xf32>
    %slice3A_179 = vector.extract_strided_slice %concatenate3A {offsets = [0, 2, 0], sizes = [512, 1, 192], strides = [1, 1, 1]} : vector<512x8x192xf32> to vector<512x1x192xf32>
    %squeeze3A_180 = vector.shape_cast %slice3A_179 : vector<512x1x192xf32> to vector<512x192xf32>
    %mul3A_181 = vector.broadcast %slice3A_178 : vector<512x1xf32> to vector<512x192xf32>
    %mul3A_182 = arith.mulf %mul3A_181, %squeeze3A_180 : vector<512x192xf32>
    %add3A_183 = arith.addf %add3A_177, %mul3A_182 : vector<512x192xf32>
    %slice3A_184 = vector.extract_strided_slice %dot_general3A_52 {offsets = [0, 19], sizes = [512, 1], strides = [1, 1]} : vector<512x64xf32> to vector<512x1xf32>
    %slice3A_185 = vector.extract_strided_slice %concatenate3A {offsets = [0, 3, 0], sizes = [512, 1, 192], strides = [1, 1, 1]} : vector<512x8x192xf32> to vector<512x1x192xf32>
    %squeeze3A_186 = vector.shape_cast %slice3A_185 : vector<512x1x192xf32> to vector<512x192xf32>
    %mul3A_187 = vector.broadcast %slice3A_184 : vector<512x1xf32> to vector<512x192xf32>
    %mul3A_188 = arith.mulf %mul3A_187, %squeeze3A_186 : vector<512x192xf32>
    %add3A_189 = arith.addf %add3A_183, %mul3A_188 : vector<512x192xf32>
    %slice3A_190 = vector.extract_strided_slice %dot_general3A_52 {offsets = [0, 20], sizes = [512, 1], strides = [1, 1]} : vector<512x64xf32> to vector<512x1xf32>
    %slice3A_191 = vector.extract_strided_slice %concatenate3A {offsets = [0, 4, 0], sizes = [512, 1, 192], strides = [1, 1, 1]} : vector<512x8x192xf32> to vector<512x1x192xf32>
    %squeeze3A_192 = vector.shape_cast %slice3A_191 : vector<512x1x192xf32> to vector<512x192xf32>
    %mul3A_193 = vector.broadcast %slice3A_190 : vector<512x1xf32> to vector<512x192xf32>
    %mul3A_194 = arith.mulf %mul3A_193, %squeeze3A_192 : vector<512x192xf32>
    %add3A_195 = arith.addf %add3A_189, %mul3A_194 : vector<512x192xf32>
    %slice3A_196 = vector.extract_strided_slice %dot_general3A_52 {offsets = [0, 21], sizes = [512, 1], strides = [1, 1]} : vector<512x64xf32> to vector<512x1xf32>
    %slice3A_197 = vector.extract_strided_slice %concatenate3A {offsets = [0, 5, 0], sizes = [512, 1, 192], strides = [1, 1, 1]} : vector<512x8x192xf32> to vector<512x1x192xf32>
    %squeeze3A_198 = vector.shape_cast %slice3A_197 : vector<512x1x192xf32> to vector<512x192xf32>
    %mul3A_199 = vector.broadcast %slice3A_196 : vector<512x1xf32> to vector<512x192xf32>
    %mul3A_200 = arith.mulf %mul3A_199, %squeeze3A_198 : vector<512x192xf32>
    %add3A_201 = arith.addf %add3A_195, %mul3A_200 : vector<512x192xf32>
    %slice3A_202 = vector.extract_strided_slice %dot_general3A_52 {offsets = [0, 22], sizes = [512, 1], strides = [1, 1]} : vector<512x64xf32> to vector<512x1xf32>
    %slice3A_203 = vector.extract_strided_slice %concatenate3A {offsets = [0, 6, 0], sizes = [512, 1, 192], strides = [1, 1, 1]} : vector<512x8x192xf32> to vector<512x1x192xf32>
    %squeeze3A_204 = vector.shape_cast %slice3A_203 : vector<512x1x192xf32> to vector<512x192xf32>
    %mul3A_205 = vector.broadcast %slice3A_202 : vector<512x1xf32> to vector<512x192xf32>
    %mul3A_206 = arith.mulf %mul3A_205, %squeeze3A_204 : vector<512x192xf32>
    %add3A_207 = arith.addf %add3A_201, %mul3A_206 : vector<512x192xf32>
    %slice3A_208 = vector.extract_strided_slice %dot_general3A_52 {offsets = [0, 23], sizes = [512, 1], strides = [1, 1]} : vector<512x64xf32> to vector<512x1xf32>
    %slice3A_209 = vector.extract_strided_slice %concatenate3A {offsets = [0, 7, 0], sizes = [512, 1, 192], strides = [1, 1, 1]} : vector<512x8x192xf32> to vector<512x1x192xf32>
    %squeeze3A_210 = vector.shape_cast %slice3A_209 : vector<512x1x192xf32> to vector<512x192xf32>
    %mul3A_211 = vector.broadcast %slice3A_208 : vector<512x1xf32> to vector<512x192xf32>
    %mul3A_212 = arith.mulf %mul3A_211, %squeeze3A_210 : vector<512x192xf32>
    %add3A_213 = arith.addf %add3A_207, %mul3A_212 : vector<512x192xf32>
    %get3A_214 = arith.constant 2 : index
    %get3A_215 = arith.constant 0 : index
    %get3A_216 = arith.constant 0 : index
    %get3A_217 = vector.load %arg7[%get3A_214, %get3A_215, %get3A_216] : memref<8x192x256xf32, #tpu.memory_space<vmem>>, vector<1x192x256xf32>
    %get3A_218 = vector.shape_cast %get3A_217 : vector<1x192x256xf32> to vector<192x256xf32>
    %dot_general3A_219 = arith.constant dense<0.000000e+00> : vector<256x512xf32>
    %dot_general3A_220 = tpu.matmul %get3A_218, %add3A_213, %dot_general3A_219 {dimension_numbers = #tpu.dot_dimension_numbers<[0], [1], [1], [0], [0, 1, 1, 0], [], []>, transpose_lhs_hint = false} : vector<192x256xf32>, vector<512x192xf32>, vector<256x512xf32> -> vector<256x512xf32>
    %add3A_221 = arith.addf %add3A_166, %dot_general3A_220 : vector<256x512xf32>
    %slice3A_222 = vector.extract_strided_slice %dot_general3A_52 {offsets = [0, 24], sizes = [512, 1], strides = [1, 1]} : vector<512x64xf32> to vector<512x1xf32>
    %slice3A_223 = vector.extract_strided_slice %concatenate3A {offsets = [0, 0, 0], sizes = [512, 1, 192], strides = [1, 1, 1]} : vector<512x8x192xf32> to vector<512x1x192xf32>
    %squeeze3A_224 = vector.shape_cast %slice3A_223 : vector<512x1x192xf32> to vector<512x192xf32>
    %mul3A_225 = vector.broadcast %slice3A_222 : vector<512x1xf32> to vector<512x192xf32>
    %mul3A_226 = arith.mulf %mul3A_225, %squeeze3A_224 : vector<512x192xf32>
    %slice3A_227 = vector.extract_strided_slice %dot_general3A_52 {offsets = [0, 25], sizes = [512, 1], strides = [1, 1]} : vector<512x64xf32> to vector<512x1xf32>
    %slice3A_228 = vector.extract_strided_slice %concatenate3A {offsets = [0, 1, 0], sizes = [512, 1, 192], strides = [1, 1, 1]} : vector<512x8x192xf32> to vector<512x1x192xf32>
    %squeeze3A_229 = vector.shape_cast %slice3A_228 : vector<512x1x192xf32> to vector<512x192xf32>
    %mul3A_230 = vector.broadcast %slice3A_227 : vector<512x1xf32> to vector<512x192xf32>
    %mul3A_231 = arith.mulf %mul3A_230, %squeeze3A_229 : vector<512x192xf32>
    %add3A_232 = arith.addf %mul3A_226, %mul3A_231 : vector<512x192xf32>
    %slice3A_233 = vector.extract_strided_slice %dot_general3A_52 {offsets = [0, 26], sizes = [512, 1], strides = [1, 1]} : vector<512x64xf32> to vector<512x1xf32>
    %slice3A_234 = vector.extract_strided_slice %concatenate3A {offsets = [0, 2, 0], sizes = [512, 1, 192], strides = [1, 1, 1]} : vector<512x8x192xf32> to vector<512x1x192xf32>
    %squeeze3A_235 = vector.shape_cast %slice3A_234 : vector<512x1x192xf32> to vector<512x192xf32>
    %mul3A_236 = vector.broadcast %slice3A_233 : vector<512x1xf32> to vector<512x192xf32>
    %mul3A_237 = arith.mulf %mul3A_236, %squeeze3A_235 : vector<512x192xf32>
    %add3A_238 = arith.addf %add3A_232, %mul3A_237 : vector<512x192xf32>
    %slice3A_239 = vector.extract_strided_slice %dot_general3A_52 {offsets = [0, 27], sizes = [512, 1], strides = [1, 1]} : vector<512x64xf32> to vector<512x1xf32>
    %slice3A_240 = vector.extract_strided_slice %concatenate3A {offsets = [0, 3, 0], sizes = [512, 1, 192], strides = [1, 1, 1]} : vector<512x8x192xf32> to vector<512x1x192xf32>
    %squeeze3A_241 = vector.shape_cast %slice3A_240 : vector<512x1x192xf32> to vector<512x192xf32>
    %mul3A_242 = vector.broadcast %slice3A_239 : vector<512x1xf32> to vector<512x192xf32>
    %mul3A_243 = arith.mulf %mul3A_242, %squeeze3A_241 : vector<512x192xf32>
    %add3A_244 = arith.addf %add3A_238, %mul3A_243 : vector<512x192xf32>
    %slice3A_245 = vector.extract_strided_slice %dot_general3A_52 {offsets = [0, 28], sizes = [512, 1], strides = [1, 1]} : vector<512x64xf32> to vector<512x1xf32>
    %slice3A_246 = vector.extract_strided_slice %concatenate3A {offsets = [0, 4, 0], sizes = [512, 1, 192], strides = [1, 1, 1]} : vector<512x8x192xf32> to vector<512x1x192xf32>
    %squeeze3A_247 = vector.shape_cast %slice3A_246 : vector<512x1x192xf32> to vector<512x192xf32>
    %mul3A_248 = vector.broadcast %slice3A_245 : vector<512x1xf32> to vector<512x192xf32>
    %mul3A_249 = arith.mulf %mul3A_248, %squeeze3A_247 : vector<512x192xf32>
    %add3A_250 = arith.addf %add3A_244, %mul3A_249 : vector<512x192xf32>
    %slice3A_251 = vector.extract_strided_slice %dot_general3A_52 {offsets = [0, 29], sizes = [512, 1], strides = [1, 1]} : vector<512x64xf32> to vector<512x1xf32>
    %slice3A_252 = vector.extract_strided_slice %concatenate3A {offsets = [0, 5, 0], sizes = [512, 1, 192], strides = [1, 1, 1]} : vector<512x8x192xf32> to vector<512x1x192xf32>
    %squeeze3A_253 = vector.shape_cast %slice3A_252 : vector<512x1x192xf32> to vector<512x192xf32>
    %mul3A_254 = vector.broadcast %slice3A_251 : vector<512x1xf32> to vector<512x192xf32>
    %mul3A_255 = arith.mulf %mul3A_254, %squeeze3A_253 : vector<512x192xf32>
    %add3A_256 = arith.addf %add3A_250, %mul3A_255 : vector<512x192xf32>
    %slice3A_257 = vector.extract_strided_slice %dot_general3A_52 {offsets = [0, 30], sizes = [512, 1], strides = [1, 1]} : vector<512x64xf32> to vector<512x1xf32>
    %slice3A_258 = vector.extract_strided_slice %concatenate3A {offsets = [0, 6, 0], sizes = [512, 1, 192], strides = [1, 1, 1]} : vector<512x8x192xf32> to vector<512x1x192xf32>
    %squeeze3A_259 = vector.shape_cast %slice3A_258 : vector<512x1x192xf32> to vector<512x192xf32>
    %mul3A_260 = vector.broadcast %slice3A_257 : vector<512x1xf32> to vector<512x192xf32>
    %mul3A_261 = arith.mulf %mul3A_260, %squeeze3A_259 : vector<512x192xf32>
    %add3A_262 = arith.addf %add3A_256, %mul3A_261 : vector<512x192xf32>
    %slice3A_263 = vector.extract_strided_slice %dot_general3A_52 {offsets = [0, 31], sizes = [512, 1], strides = [1, 1]} : vector<512x64xf32> to vector<512x1xf32>
    %slice3A_264 = vector.extract_strided_slice %concatenate3A {offsets = [0, 7, 0], sizes = [512, 1, 192], strides = [1, 1, 1]} : vector<512x8x192xf32> to vector<512x1x192xf32>
    %squeeze3A_265 = vector.shape_cast %slice3A_264 : vector<512x1x192xf32> to vector<512x192xf32>
    %mul3A_266 = vector.broadcast %slice3A_263 : vector<512x1xf32> to vector<512x192xf32>
    %mul3A_267 = arith.mulf %mul3A_266, %squeeze3A_265 : vector<512x192xf32>
    %add3A_268 = arith.addf %add3A_262, %mul3A_267 : vector<512x192xf32>
    %get3A_269 = arith.constant 3 : index
    %get3A_270 = arith.constant 0 : index
    %get3A_271 = arith.constant 0 : index
    %get3A_272 = vector.load %arg7[%get3A_269, %get3A_270, %get3A_271] : memref<8x192x256xf32, #tpu.memory_space<vmem>>, vector<1x192x256xf32>
    %get3A_273 = vector.shape_cast %get3A_272 : vector<1x192x256xf32> to vector<192x256xf32>
    %dot_general3A_274 = arith.constant dense<0.000000e+00> : vector<256x512xf32>
    %dot_general3A_275 = tpu.matmul %get3A_273, %add3A_268, %dot_general3A_274 {dimension_numbers = #tpu.dot_dimension_numbers<[0], [1], [1], [0], [0, 1, 1, 0], [], []>, transpose_lhs_hint = false} : vector<192x256xf32>, vector<512x192xf32>, vector<256x512xf32> -> vector<256x512xf32>
    %add3A_276 = arith.addf %add3A_221, %dot_general3A_275 : vector<256x512xf32>
    %slice3A_277 = vector.extract_strided_slice %dot_general3A_52 {offsets = [0, 32], sizes = [512, 1], strides = [1, 1]} : vector<512x64xf32> to vector<512x1xf32>
    %slice3A_278 = vector.extract_strided_slice %concatenate3A {offsets = [0, 0, 0], sizes = [512, 1, 192], strides = [1, 1, 1]} : vector<512x8x192xf32> to vector<512x1x192xf32>
    %squeeze3A_279 = vector.shape_cast %slice3A_278 : vector<512x1x192xf32> to vector<512x192xf32>
    %mul3A_280 = vector.broadcast %slice3A_277 : vector<512x1xf32> to vector<512x192xf32>
    %mul3A_281 = arith.mulf %mul3A_280, %squeeze3A_279 : vector<512x192xf32>
    %slice3A_282 = vector.extract_strided_slice %dot_general3A_52 {offsets = [0, 33], sizes = [512, 1], strides = [1, 1]} : vector<512x64xf32> to vector<512x1xf32>
    %slice3A_283 = vector.extract_strided_slice %concatenate3A {offsets = [0, 1, 0], sizes = [512, 1, 192], strides = [1, 1, 1]} : vector<512x8x192xf32> to vector<512x1x192xf32>
    %squeeze3A_284 = vector.shape_cast %slice3A_283 : vector<512x1x192xf32> to vector<512x192xf32>
    %mul3A_285 = vector.broadcast %slice3A_282 : vector<512x1xf32> to vector<512x192xf32>
    %mul3A_286 = arith.mulf %mul3A_285, %squeeze3A_284 : vector<512x192xf32>
    %add3A_287 = arith.addf %mul3A_281, %mul3A_286 : vector<512x192xf32>
    %slice3A_288 = vector.extract_strided_slice %dot_general3A_52 {offsets = [0, 34], sizes = [512, 1], strides = [1, 1]} : vector<512x64xf32> to vector<512x1xf32>
    %slice3A_289 = vector.extract_strided_slice %concatenate3A {offsets = [0, 2, 0], sizes = [512, 1, 192], strides = [1, 1, 1]} : vector<512x8x192xf32> to vector<512x1x192xf32>
    %squeeze3A_290 = vector.shape_cast %slice3A_289 : vector<512x1x192xf32> to vector<512x192xf32>
    %mul3A_291 = vector.broadcast %slice3A_288 : vector<512x1xf32> to vector<512x192xf32>
    %mul3A_292 = arith.mulf %mul3A_291, %squeeze3A_290 : vector<512x192xf32>
    %add3A_293 = arith.addf %add3A_287, %mul3A_292 : vector<512x192xf32>
    %slice3A_294 = vector.extract_strided_slice %dot_general3A_52 {offsets = [0, 35], sizes = [512, 1], strides = [1, 1]} : vector<512x64xf32> to vector<512x1xf32>
    %slice3A_295 = vector.extract_strided_slice %concatenate3A {offsets = [0, 3, 0], sizes = [512, 1, 192], strides = [1, 1, 1]} : vector<512x8x192xf32> to vector<512x1x192xf32>
    %squeeze3A_296 = vector.shape_cast %slice3A_295 : vector<512x1x192xf32> to vector<512x192xf32>
    %mul3A_297 = vector.broadcast %slice3A_294 : vector<512x1xf32> to vector<512x192xf32>
    %mul3A_298 = arith.mulf %mul3A_297, %squeeze3A_296 : vector<512x192xf32>
    %add3A_299 = arith.addf %add3A_293, %mul3A_298 : vector<512x192xf32>
    %slice3A_300 = vector.extract_strided_slice %dot_general3A_52 {offsets = [0, 36], sizes = [512, 1], strides = [1, 1]} : vector<512x64xf32> to vector<512x1xf32>
    %slice3A_301 = vector.extract_strided_slice %concatenate3A {offsets = [0, 4, 0], sizes = [512, 1, 192], strides = [1, 1, 1]} : vector<512x8x192xf32> to vector<512x1x192xf32>
    %squeeze3A_302 = vector.shape_cast %slice3A_301 : vector<512x1x192xf32> to vector<512x192xf32>
    %mul3A_303 = vector.broadcast %slice3A_300 : vector<512x1xf32> to vector<512x192xf32>
    %mul3A_304 = arith.mulf %mul3A_303, %squeeze3A_302 : vector<512x192xf32>
    %add3A_305 = arith.addf %add3A_299, %mul3A_304 : vector<512x192xf32>
    %slice3A_306 = vector.extract_strided_slice %dot_general3A_52 {offsets = [0, 37], sizes = [512, 1], strides = [1, 1]} : vector<512x64xf32> to vector<512x1xf32>
    %slice3A_307 = vector.extract_strided_slice %concatenate3A {offsets = [0, 5, 0], sizes = [512, 1, 192], strides = [1, 1, 1]} : vector<512x8x192xf32> to vector<512x1x192xf32>
    %squeeze3A_308 = vector.shape_cast %slice3A_307 : vector<512x1x192xf32> to vector<512x192xf32>
    %mul3A_309 = vector.broadcast %slice3A_306 : vector<512x1xf32> to vector<512x192xf32>
    %mul3A_310 = arith.mulf %mul3A_309, %squeeze3A_308 : vector<512x192xf32>
    %add3A_311 = arith.addf %add3A_305, %mul3A_310 : vector<512x192xf32>
    %slice3A_312 = vector.extract_strided_slice %dot_general3A_52 {offsets = [0, 38], sizes = [512, 1], strides = [1, 1]} : vector<512x64xf32> to vector<512x1xf32>
    %slice3A_313 = vector.extract_strided_slice %concatenate3A {offsets = [0, 6, 0], sizes = [512, 1, 192], strides = [1, 1, 1]} : vector<512x8x192xf32> to vector<512x1x192xf32>
    %squeeze3A_314 = vector.shape_cast %slice3A_313 : vector<512x1x192xf32> to vector<512x192xf32>
    %mul3A_315 = vector.broadcast %slice3A_312 : vector<512x1xf32> to vector<512x192xf32>
    %mul3A_316 = arith.mulf %mul3A_315, %squeeze3A_314 : vector<512x192xf32>
    %add3A_317 = arith.addf %add3A_311, %mul3A_316 : vector<512x192xf32>
    %slice3A_318 = vector.extract_strided_slice %dot_general3A_52 {offsets = [0, 39], sizes = [512, 1], strides = [1, 1]} : vector<512x64xf32> to vector<512x1xf32>
    %slice3A_319 = vector.extract_strided_slice %concatenate3A {offsets = [0, 7, 0], sizes = [512, 1, 192], strides = [1, 1, 1]} : vector<512x8x192xf32> to vector<512x1x192xf32>
    %squeeze3A_320 = vector.shape_cast %slice3A_319 : vector<512x1x192xf32> to vector<512x192xf32>
    %mul3A_321 = vector.broadcast %slice3A_318 : vector<512x1xf32> to vector<512x192xf32>
    %mul3A_322 = arith.mulf %mul3A_321, %squeeze3A_320 : vector<512x192xf32>
    %add3A_323 = arith.addf %add3A_317, %mul3A_322 : vector<512x192xf32>
    %get3A_324 = arith.constant 4 : index
    %get3A_325 = arith.constant 0 : index
    %get3A_326 = arith.constant 0 : index
    %get3A_327 = vector.load %arg7[%get3A_324, %get3A_325, %get3A_326] : memref<8x192x256xf32, #tpu.memory_space<vmem>>, vector<1x192x256xf32>
    %get3A_328 = vector.shape_cast %get3A_327 : vector<1x192x256xf32> to vector<192x256xf32>
    %dot_general3A_329 = arith.constant dense<0.000000e+00> : vector<256x512xf32>
    %dot_general3A_330 = tpu.matmul %get3A_328, %add3A_323, %dot_general3A_329 {dimension_numbers = #tpu.dot_dimension_numbers<[0], [1], [1], [0], [0, 1, 1, 0], [], []>, transpose_lhs_hint = false} : vector<192x256xf32>, vector<512x192xf32>, vector<256x512xf32> -> vector<256x512xf32>
    %add3A_331 = arith.addf %add3A_276, %dot_general3A_330 : vector<256x512xf32>
    %slice3A_332 = vector.extract_strided_slice %dot_general3A_52 {offsets = [0, 40], sizes = [512, 1], strides = [1, 1]} : vector<512x64xf32> to vector<512x1xf32>
    %slice3A_333 = vector.extract_strided_slice %concatenate3A {offsets = [0, 0, 0], sizes = [512, 1, 192], strides = [1, 1, 1]} : vector<512x8x192xf32> to vector<512x1x192xf32>
    %squeeze3A_334 = vector.shape_cast %slice3A_333 : vector<512x1x192xf32> to vector<512x192xf32>
    %mul3A_335 = vector.broadcast %slice3A_332 : vector<512x1xf32> to vector<512x192xf32>
    %mul3A_336 = arith.mulf %mul3A_335, %squeeze3A_334 : vector<512x192xf32>
    %slice3A_337 = vector.extract_strided_slice %dot_general3A_52 {offsets = [0, 41], sizes = [512, 1], strides = [1, 1]} : vector<512x64xf32> to vector<512x1xf32>
    %slice3A_338 = vector.extract_strided_slice %concatenate3A {offsets = [0, 1, 0], sizes = [512, 1, 192], strides = [1, 1, 1]} : vector<512x8x192xf32> to vector<512x1x192xf32>
    %squeeze3A_339 = vector.shape_cast %slice3A_338 : vector<512x1x192xf32> to vector<512x192xf32>
    %mul3A_340 = vector.broadcast %slice3A_337 : vector<512x1xf32> to vector<512x192xf32>
    %mul3A_341 = arith.mulf %mul3A_340, %squeeze3A_339 : vector<512x192xf32>
    %add3A_342 = arith.addf %mul3A_336, %mul3A_341 : vector<512x192xf32>
    %slice3A_343 = vector.extract_strided_slice %dot_general3A_52 {offsets = [0, 42], sizes = [512, 1], strides = [1, 1]} : vector<512x64xf32> to vector<512x1xf32>
    %slice3A_344 = vector.extract_strided_slice %concatenate3A {offsets = [0, 2, 0], sizes = [512, 1, 192], strides = [1, 1, 1]} : vector<512x8x192xf32> to vector<512x1x192xf32>
    %squeeze3A_345 = vector.shape_cast %slice3A_344 : vector<512x1x192xf32> to vector<512x192xf32>
    %mul3A_346 = vector.broadcast %slice3A_343 : vector<512x1xf32> to vector<512x192xf32>
    %mul3A_347 = arith.mulf %mul3A_346, %squeeze3A_345 : vector<512x192xf32>
    %add3A_348 = arith.addf %add3A_342, %mul3A_347 : vector<512x192xf32>
    %slice3A_349 = vector.extract_strided_slice %dot_general3A_52 {offsets = [0, 43], sizes = [512, 1], strides = [1, 1]} : vector<512x64xf32> to vector<512x1xf32>
    %slice3A_350 = vector.extract_strided_slice %concatenate3A {offsets = [0, 3, 0], sizes = [512, 1, 192], strides = [1, 1, 1]} : vector<512x8x192xf32> to vector<512x1x192xf32>
    %squeeze3A_351 = vector.shape_cast %slice3A_350 : vector<512x1x192xf32> to vector<512x192xf32>
    %mul3A_352 = vector.broadcast %slice3A_349 : vector<512x1xf32> to vector<512x192xf32>
    %mul3A_353 = arith.mulf %mul3A_352, %squeeze3A_351 : vector<512x192xf32>
    %add3A_354 = arith.addf %add3A_348, %mul3A_353 : vector<512x192xf32>
    %slice3A_355 = vector.extract_strided_slice %dot_general3A_52 {offsets = [0, 44], sizes = [512, 1], strides = [1, 1]} : vector<512x64xf32> to vector<512x1xf32>
    %slice3A_356 = vector.extract_strided_slice %concatenate3A {offsets = [0, 4, 0], sizes = [512, 1, 192], strides = [1, 1, 1]} : vector<512x8x192xf32> to vector<512x1x192xf32>
    %squeeze3A_357 = vector.shape_cast %slice3A_356 : vector<512x1x192xf32> to vector<512x192xf32>
    %mul3A_358 = vector.broadcast %slice3A_355 : vector<512x1xf32> to vector<512x192xf32>
    %mul3A_359 = arith.mulf %mul3A_358, %squeeze3A_357 : vector<512x192xf32>
    %add3A_360 = arith.addf %add3A_354, %mul3A_359 : vector<512x192xf32>
    %slice3A_361 = vector.extract_strided_slice %dot_general3A_52 {offsets = [0, 45], sizes = [512, 1], strides = [1, 1]} : vector<512x64xf32> to vector<512x1xf32>
    %slice3A_362 = vector.extract_strided_slice %concatenate3A {offsets = [0, 5, 0], sizes = [512, 1, 192], strides = [1, 1, 1]} : vector<512x8x192xf32> to vector<512x1x192xf32>
    %squeeze3A_363 = vector.shape_cast %slice3A_362 : vector<512x1x192xf32> to vector<512x192xf32>
    %mul3A_364 = vector.broadcast %slice3A_361 : vector<512x1xf32> to vector<512x192xf32>
    %mul3A_365 = arith.mulf %mul3A_364, %squeeze3A_363 : vector<512x192xf32>
    %add3A_366 = arith.addf %add3A_360, %mul3A_365 : vector<512x192xf32>
    %slice3A_367 = vector.extract_strided_slice %dot_general3A_52 {offsets = [0, 46], sizes = [512, 1], strides = [1, 1]} : vector<512x64xf32> to vector<512x1xf32>
    %slice3A_368 = vector.extract_strided_slice %concatenate3A {offsets = [0, 6, 0], sizes = [512, 1, 192], strides = [1, 1, 1]} : vector<512x8x192xf32> to vector<512x1x192xf32>
    %squeeze3A_369 = vector.shape_cast %slice3A_368 : vector<512x1x192xf32> to vector<512x192xf32>
    %mul3A_370 = vector.broadcast %slice3A_367 : vector<512x1xf32> to vector<512x192xf32>
    %mul3A_371 = arith.mulf %mul3A_370, %squeeze3A_369 : vector<512x192xf32>
    %add3A_372 = arith.addf %add3A_366, %mul3A_371 : vector<512x192xf32>
    %slice3A_373 = vector.extract_strided_slice %dot_general3A_52 {offsets = [0, 47], sizes = [512, 1], strides = [1, 1]} : vector<512x64xf32> to vector<512x1xf32>
    %slice3A_374 = vector.extract_strided_slice %concatenate3A {offsets = [0, 7, 0], sizes = [512, 1, 192], strides = [1, 1, 1]} : vector<512x8x192xf32> to vector<512x1x192xf32>
    %squeeze3A_375 = vector.shape_cast %slice3A_374 : vector<512x1x192xf32> to vector<512x192xf32>
    %mul3A_376 = vector.broadcast %slice3A_373 : vector<512x1xf32> to vector<512x192xf32>
    %mul3A_377 = arith.mulf %mul3A_376, %squeeze3A_375 : vector<512x192xf32>
    %add3A_378 = arith.addf %add3A_372, %mul3A_377 : vector<512x192xf32>
    %get3A_379 = arith.constant 5 : index
    %get3A_380 = arith.constant 0 : index
    %get3A_381 = arith.constant 0 : index
    %get3A_382 = vector.load %arg7[%get3A_379, %get3A_380, %get3A_381] : memref<8x192x256xf32, #tpu.memory_space<vmem>>, vector<1x192x256xf32>
    %get3A_383 = vector.shape_cast %get3A_382 : vector<1x192x256xf32> to vector<192x256xf32>
    %dot_general3A_384 = arith.constant dense<0.000000e+00> : vector<256x512xf32>
    %dot_general3A_385 = tpu.matmul %get3A_383, %add3A_378, %dot_general3A_384 {dimension_numbers = #tpu.dot_dimension_numbers<[0], [1], [1], [0], [0, 1, 1, 0], [], []>, transpose_lhs_hint = false} : vector<192x256xf32>, vector<512x192xf32>, vector<256x512xf32> -> vector<256x512xf32>
    %add3A_386 = arith.addf %add3A_331, %dot_general3A_385 : vector<256x512xf32>
    %slice3A_387 = vector.extract_strided_slice %dot_general3A_52 {offsets = [0, 48], sizes = [512, 1], strides = [1, 1]} : vector<512x64xf32> to vector<512x1xf32>
    %slice3A_388 = vector.extract_strided_slice %concatenate3A {offsets = [0, 0, 0], sizes = [512, 1, 192], strides = [1, 1, 1]} : vector<512x8x192xf32> to vector<512x1x192xf32>
    %squeeze3A_389 = vector.shape_cast %slice3A_388 : vector<512x1x192xf32> to vector<512x192xf32>
    %mul3A_390 = vector.broadcast %slice3A_387 : vector<512x1xf32> to vector<512x192xf32>
    %mul3A_391 = arith.mulf %mul3A_390, %squeeze3A_389 : vector<512x192xf32>
    %slice3A_392 = vector.extract_strided_slice %dot_general3A_52 {offsets = [0, 49], sizes = [512, 1], strides = [1, 1]} : vector<512x64xf32> to vector<512x1xf32>
    %slice3A_393 = vector.extract_strided_slice %concatenate3A {offsets = [0, 1, 0], sizes = [512, 1, 192], strides = [1, 1, 1]} : vector<512x8x192xf32> to vector<512x1x192xf32>
    %squeeze3A_394 = vector.shape_cast %slice3A_393 : vector<512x1x192xf32> to vector<512x192xf32>
    %mul3A_395 = vector.broadcast %slice3A_392 : vector<512x1xf32> to vector<512x192xf32>
    %mul3A_396 = arith.mulf %mul3A_395, %squeeze3A_394 : vector<512x192xf32>
    %add3A_397 = arith.addf %mul3A_391, %mul3A_396 : vector<512x192xf32>
    %slice3A_398 = vector.extract_strided_slice %dot_general3A_52 {offsets = [0, 50], sizes = [512, 1], strides = [1, 1]} : vector<512x64xf32> to vector<512x1xf32>
    %slice3A_399 = vector.extract_strided_slice %concatenate3A {offsets = [0, 2, 0], sizes = [512, 1, 192], strides = [1, 1, 1]} : vector<512x8x192xf32> to vector<512x1x192xf32>
    %squeeze3A_400 = vector.shape_cast %slice3A_399 : vector<512x1x192xf32> to vector<512x192xf32>
    %mul3A_401 = vector.broadcast %slice3A_398 : vector<512x1xf32> to vector<512x192xf32>
    %mul3A_402 = arith.mulf %mul3A_401, %squeeze3A_400 : vector<512x192xf32>
    %add3A_403 = arith.addf %add3A_397, %mul3A_402 : vector<512x192xf32>
    %slice3A_404 = vector.extract_strided_slice %dot_general3A_52 {offsets = [0, 51], sizes = [512, 1], strides = [1, 1]} : vector<512x64xf32> to vector<512x1xf32>
    %slice3A_405 = vector.extract_strided_slice %concatenate3A {offsets = [0, 3, 0], sizes = [512, 1, 192], strides = [1, 1, 1]} : vector<512x8x192xf32> to vector<512x1x192xf32>
    %squeeze3A_406 = vector.shape_cast %slice3A_405 : vector<512x1x192xf32> to vector<512x192xf32>
    %mul3A_407 = vector.broadcast %slice3A_404 : vector<512x1xf32> to vector<512x192xf32>
    %mul3A_408 = arith.mulf %mul3A_407, %squeeze3A_406 : vector<512x192xf32>
    %add3A_409 = arith.addf %add3A_403, %mul3A_408 : vector<512x192xf32>
    %slice3A_410 = vector.extract_strided_slice %dot_general3A_52 {offsets = [0, 52], sizes = [512, 1], strides = [1, 1]} : vector<512x64xf32> to vector<512x1xf32>
    %slice3A_411 = vector.extract_strided_slice %concatenate3A {offsets = [0, 4, 0], sizes = [512, 1, 192], strides = [1, 1, 1]} : vector<512x8x192xf32> to vector<512x1x192xf32>
    %squeeze3A_412 = vector.shape_cast %slice3A_411 : vector<512x1x192xf32> to vector<512x192xf32>
    %mul3A_413 = vector.broadcast %slice3A_410 : vector<512x1xf32> to vector<512x192xf32>
    %mul3A_414 = arith.mulf %mul3A_413, %squeeze3A_412 : vector<512x192xf32>
    %add3A_415 = arith.addf %add3A_409, %mul3A_414 : vector<512x192xf32>
    %slice3A_416 = vector.extract_strided_slice %dot_general3A_52 {offsets = [0, 53], sizes = [512, 1], strides = [1, 1]} : vector<512x64xf32> to vector<512x1xf32>
    %slice3A_417 = vector.extract_strided_slice %concatenate3A {offsets = [0, 5, 0], sizes = [512, 1, 192], strides = [1, 1, 1]} : vector<512x8x192xf32> to vector<512x1x192xf32>
    %squeeze3A_418 = vector.shape_cast %slice3A_417 : vector<512x1x192xf32> to vector<512x192xf32>
    %mul3A_419 = vector.broadcast %slice3A_416 : vector<512x1xf32> to vector<512x192xf32>
    %mul3A_420 = arith.mulf %mul3A_419, %squeeze3A_418 : vector<512x192xf32>
    %add3A_421 = arith.addf %add3A_415, %mul3A_420 : vector<512x192xf32>
    %slice3A_422 = vector.extract_strided_slice %dot_general3A_52 {offsets = [0, 54], sizes = [512, 1], strides = [1, 1]} : vector<512x64xf32> to vector<512x1xf32>
    %slice3A_423 = vector.extract_strided_slice %concatenate3A {offsets = [0, 6, 0], sizes = [512, 1, 192], strides = [1, 1, 1]} : vector<512x8x192xf32> to vector<512x1x192xf32>
    %squeeze3A_424 = vector.shape_cast %slice3A_423 : vector<512x1x192xf32> to vector<512x192xf32>
    %mul3A_425 = vector.broadcast %slice3A_422 : vector<512x1xf32> to vector<512x192xf32>
    %mul3A_426 = arith.mulf %mul3A_425, %squeeze3A_424 : vector<512x192xf32>
    %add3A_427 = arith.addf %add3A_421, %mul3A_426 : vector<512x192xf32>
    %slice3A_428 = vector.extract_strided_slice %dot_general3A_52 {offsets = [0, 55], sizes = [512, 1], strides = [1, 1]} : vector<512x64xf32> to vector<512x1xf32>
    %slice3A_429 = vector.extract_strided_slice %concatenate3A {offsets = [0, 7, 0], sizes = [512, 1, 192], strides = [1, 1, 1]} : vector<512x8x192xf32> to vector<512x1x192xf32>
    %squeeze3A_430 = vector.shape_cast %slice3A_429 : vector<512x1x192xf32> to vector<512x192xf32>
    %mul3A_431 = vector.broadcast %slice3A_428 : vector<512x1xf32> to vector<512x192xf32>
    %mul3A_432 = arith.mulf %mul3A_431, %squeeze3A_430 : vector<512x192xf32>
    %add3A_433 = arith.addf %add3A_427, %mul3A_432 : vector<512x192xf32>
    %get3A_434 = arith.constant 6 : index
    %get3A_435 = arith.constant 0 : index
    %get3A_436 = arith.constant 0 : index
    %get3A_437 = vector.load %arg7[%get3A_434, %get3A_435, %get3A_436] : memref<8x192x256xf32, #tpu.memory_space<vmem>>, vector<1x192x256xf32>
    %get3A_438 = vector.shape_cast %get3A_437 : vector<1x192x256xf32> to vector<192x256xf32>
    %dot_general3A_439 = arith.constant dense<0.000000e+00> : vector<256x512xf32>
    %dot_general3A_440 = tpu.matmul %get3A_438, %add3A_433, %dot_general3A_439 {dimension_numbers = #tpu.dot_dimension_numbers<[0], [1], [1], [0], [0, 1, 1, 0], [], []>, transpose_lhs_hint = false} : vector<192x256xf32>, vector<512x192xf32>, vector<256x512xf32> -> vector<256x512xf32>
    %add3A_441 = arith.addf %add3A_386, %dot_general3A_440 : vector<256x512xf32>
    %slice3A_442 = vector.extract_strided_slice %dot_general3A_52 {offsets = [0, 56], sizes = [512, 1], strides = [1, 1]} : vector<512x64xf32> to vector<512x1xf32>
    %slice3A_443 = vector.extract_strided_slice %concatenate3A {offsets = [0, 0, 0], sizes = [512, 1, 192], strides = [1, 1, 1]} : vector<512x8x192xf32> to vector<512x1x192xf32>
    %squeeze3A_444 = vector.shape_cast %slice3A_443 : vector<512x1x192xf32> to vector<512x192xf32>
    %mul3A_445 = vector.broadcast %slice3A_442 : vector<512x1xf32> to vector<512x192xf32>
    %mul3A_446 = arith.mulf %mul3A_445, %squeeze3A_444 : vector<512x192xf32>
    %slice3A_447 = vector.extract_strided_slice %dot_general3A_52 {offsets = [0, 57], sizes = [512, 1], strides = [1, 1]} : vector<512x64xf32> to vector<512x1xf32>
    %slice3A_448 = vector.extract_strided_slice %concatenate3A {offsets = [0, 1, 0], sizes = [512, 1, 192], strides = [1, 1, 1]} : vector<512x8x192xf32> to vector<512x1x192xf32>
    %squeeze3A_449 = vector.shape_cast %slice3A_448 : vector<512x1x192xf32> to vector<512x192xf32>
    %mul3A_450 = vector.broadcast %slice3A_447 : vector<512x1xf32> to vector<512x192xf32>
    %mul3A_451 = arith.mulf %mul3A_450, %squeeze3A_449 : vector<512x192xf32>
    %add3A_452 = arith.addf %mul3A_446, %mul3A_451 : vector<512x192xf32>
    %slice3A_453 = vector.extract_strided_slice %dot_general3A_52 {offsets = [0, 58], sizes = [512, 1], strides = [1, 1]} : vector<512x64xf32> to vector<512x1xf32>
    %slice3A_454 = vector.extract_strided_slice %concatenate3A {offsets = [0, 2, 0], sizes = [512, 1, 192], strides = [1, 1, 1]} : vector<512x8x192xf32> to vector<512x1x192xf32>
    %squeeze3A_455 = vector.shape_cast %slice3A_454 : vector<512x1x192xf32> to vector<512x192xf32>
    %mul3A_456 = vector.broadcast %slice3A_453 : vector<512x1xf32> to vector<512x192xf32>
    %mul3A_457 = arith.mulf %mul3A_456, %squeeze3A_455 : vector<512x192xf32>
    %add3A_458 = arith.addf %add3A_452, %mul3A_457 : vector<512x192xf32>
    %slice3A_459 = vector.extract_strided_slice %dot_general3A_52 {offsets = [0, 59], sizes = [512, 1], strides = [1, 1]} : vector<512x64xf32> to vector<512x1xf32>
    %slice3A_460 = vector.extract_strided_slice %concatenate3A {offsets = [0, 3, 0], sizes = [512, 1, 192], strides = [1, 1, 1]} : vector<512x8x192xf32> to vector<512x1x192xf32>
    %squeeze3A_461 = vector.shape_cast %slice3A_460 : vector<512x1x192xf32> to vector<512x192xf32>
    %mul3A_462 = vector.broadcast %slice3A_459 : vector<512x1xf32> to vector<512x192xf32>
    %mul3A_463 = arith.mulf %mul3A_462, %squeeze3A_461 : vector<512x192xf32>
    %add3A_464 = arith.addf %add3A_458, %mul3A_463 : vector<512x192xf32>
    %slice3A_465 = vector.extract_strided_slice %dot_general3A_52 {offsets = [0, 60], sizes = [512, 1], strides = [1, 1]} : vector<512x64xf32> to vector<512x1xf32>
    %slice3A_466 = vector.extract_strided_slice %concatenate3A {offsets = [0, 4, 0], sizes = [512, 1, 192], strides = [1, 1, 1]} : vector<512x8x192xf32> to vector<512x1x192xf32>
    %squeeze3A_467 = vector.shape_cast %slice3A_466 : vector<512x1x192xf32> to vector<512x192xf32>
    %mul3A_468 = vector.broadcast %slice3A_465 : vector<512x1xf32> to vector<512x192xf32>
    %mul3A_469 = arith.mulf %mul3A_468, %squeeze3A_467 : vector<512x192xf32>
    %add3A_470 = arith.addf %add3A_464, %mul3A_469 : vector<512x192xf32>
    %slice3A_471 = vector.extract_strided_slice %dot_general3A_52 {offsets = [0, 61], sizes = [512, 1], strides = [1, 1]} : vector<512x64xf32> to vector<512x1xf32>
    %slice3A_472 = vector.extract_strided_slice %concatenate3A {offsets = [0, 5, 0], sizes = [512, 1, 192], strides = [1, 1, 1]} : vector<512x8x192xf32> to vector<512x1x192xf32>
    %squeeze3A_473 = vector.shape_cast %slice3A_472 : vector<512x1x192xf32> to vector<512x192xf32>
    %mul3A_474 = vector.broadcast %slice3A_471 : vector<512x1xf32> to vector<512x192xf32>
    %mul3A_475 = arith.mulf %mul3A_474, %squeeze3A_473 : vector<512x192xf32>
    %add3A_476 = arith.addf %add3A_470, %mul3A_475 : vector<512x192xf32>
    %slice3A_477 = vector.extract_strided_slice %dot_general3A_52 {offsets = [0, 62], sizes = [512, 1], strides = [1, 1]} : vector<512x64xf32> to vector<512x1xf32>
    %slice3A_478 = vector.extract_strided_slice %concatenate3A {offsets = [0, 6, 0], sizes = [512, 1, 192], strides = [1, 1, 1]} : vector<512x8x192xf32> to vector<512x1x192xf32>
    %squeeze3A_479 = vector.shape_cast %slice3A_478 : vector<512x1x192xf32> to vector<512x192xf32>
    %mul3A_480 = vector.broadcast %slice3A_477 : vector<512x1xf32> to vector<512x192xf32>
    %mul3A_481 = arith.mulf %mul3A_480, %squeeze3A_479 : vector<512x192xf32>
    %add3A_482 = arith.addf %add3A_476, %mul3A_481 : vector<512x192xf32>
    %slice3A_483 = vector.extract_strided_slice %dot_general3A_52 {offsets = [0, 63], sizes = [512, 1], strides = [1, 1]} : vector<512x64xf32> to vector<512x1xf32>
    %slice3A_484 = vector.extract_strided_slice %concatenate3A {offsets = [0, 7, 0], sizes = [512, 1, 192], strides = [1, 1, 1]} : vector<512x8x192xf32> to vector<512x1x192xf32>
    %squeeze3A_485 = vector.shape_cast %slice3A_484 : vector<512x1x192xf32> to vector<512x192xf32>
    %mul3A_486 = vector.broadcast %slice3A_483 : vector<512x1xf32> to vector<512x192xf32>
    %mul3A_487 = arith.mulf %mul3A_486, %squeeze3A_485 : vector<512x192xf32>
    %add3A_488 = arith.addf %add3A_482, %mul3A_487 : vector<512x192xf32>
    %get3A_489 = arith.constant 7 : index
    %get3A_490 = arith.constant 0 : index
    %get3A_491 = arith.constant 0 : index
    %get3A_492 = vector.load %arg7[%get3A_489, %get3A_490, %get3A_491] : memref<8x192x256xf32, #tpu.memory_space<vmem>>, vector<1x192x256xf32>
    %get3A_493 = vector.shape_cast %get3A_492 : vector<1x192x256xf32> to vector<192x256xf32>
    %dot_general3A_494 = arith.constant dense<0.000000e+00> : vector<256x512xf32>
    %dot_general3A_495 = tpu.matmul %get3A_493, %add3A_488, %dot_general3A_494 {dimension_numbers = #tpu.dot_dimension_numbers<[0], [1], [1], [0], [0, 1, 1, 0], [], []>, transpose_lhs_hint = false} : vector<192x256xf32>, vector<512x192xf32>, vector<256x512xf32> -> vector<256x512xf32>
    %add3A_496 = arith.addf %add3A_441, %dot_general3A_495 : vector<256x512xf32>
    %swap3A = arith.constant 0 : index
    %swap3A_497 = arith.constant 0 : index
    %swap3A_498 = arith.constant 0 : index
    %swap3A_499 = vector.load %arg8[%swap3A, %swap3A_497, %swap3A_498] : memref<1x256x512xf32, #tpu.memory_space<vmem>>, vector<1x256x512xf32>
    %swap3A_500 = vector.shape_cast %swap3A_499 : vector<1x256x512xf32> to vector<256x512xf32>
    %swap3A_501 = vector.shape_cast %add3A_496 : vector<256x512xf32> to vector<1x256x512xf32>
    tpu.vector_store %arg8[%swap3A, %swap3A_497, %swap3A_498], %swap3A_501 {strides = array<i32>} : memref<1x256x512xf32, #tpu.memory_space<vmem>>, vector<1x256x512xf32>,
    %reduce_sum3A = arith.constant dense<0.000000e+00> : vector<256xf32>
    %reduce_sum3A_502 = vector.multi_reduction <add>, %add3A_496, %reduce_sum3A [1] : vector<256x512xf32> to vector<256xf32>
    %broadcast_in_dim3A_503 = vector.shape_cast %reduce_sum3A_502 : vector<256xf32> to vector<256x1xf32>
    %mul3A_504 = arith.mulf %add3A_496, %add3A_496 : vector<256x512xf32>
    %reduce_sum3A_505 = arith.constant dense<0.000000e+00> : vector<256xf32>
    %reduce_sum3A_506 = vector.multi_reduction <add>, %mul3A_504, %reduce_sum3A_505 [1] : vector<256x512xf32> to vector<256xf32>
    %broadcast_in_dim3A_507 = vector.shape_cast %reduce_sum3A_506 : vector<256xf32> to vector<256x1xf32>
    %broadcast_in_dim3A_508 = arith.constant 0.000000e+00 : f32
    %broadcast_in_dim3A_509 = vector.broadcast %broadcast_in_dim3A_508 : f32 to vector<256x6xf32>
    %concatenate3A_510 = tpu.concatenate %broadcast_in_dim3A_503, %broadcast_in_dim3A_507, %broadcast_in_dim3A_509 in 1 : vector<256x1xf32>, vector<256x1xf32>, vector<256x6xf32> -> vector<256x8xf32>
    %eq3A = arith.constant 0 : i32
    %eq3A_511 = arith.cmpi eq, %arg0, %eq3A : i32
    %eq3A_512 = arith.constant 0 : i32
    %eq3A_513 = arith.cmpi eq, %arg1, %eq3A_512 : i32
    %and3A = arith.andi %eq3A_511, %eq3A_513 : i1
    %convert_element_type3A = arith.extui %and3A : i1 to i32
    %cond3A = arith.constant 0 : i32
    %cond3A_514 = arith.cmpi ne, %convert_element_type3A, %cond3A : i32
    scf.if %cond3A_514 {
      %swap3A_519 = arith.constant 0 : index
      %swap3A_520 = arith.constant 0 : index
      %swap3A_521 = vector.load %arg9[%swap3A_519, %swap3A_520] : memref<256x8xf32, #tpu.memory_space<vmem>>, vector<256x8xf32>
      tpu.vector_store %arg9[%swap3A_519, %swap3A_520], %concatenate3A_510 {strides = array<i32>} : memref<256x8xf32, #tpu.memory_space<vmem>>, vector<256x8xf32>,
    } else {
    }
    %not3A = arith.constant true
    %not3A_515 = arith.xori %and3A, %not3A : i1
    %convert_element_type3A_516 = arith.extui %not3A_515 : i1 to i32
    %cond3A_517 = arith.constant 0 : i32
    %cond3A_518 = arith.cmpi ne, %convert_element_type3A_516, %cond3A_517 : i32
    scf.if %cond3A_518 {
      %get3A_519 = arith.constant 0 : index
      %get3A_520 = arith.constant 0 : index
      %get3A_521 = vector.load %arg9[%get3A_519, %get3A_520] : memref<256x8xf32, #tpu.memory_space<vmem>>, vector<256x8xf32>
      %add3A_522 = arith.addf %get3A_521, %concatenate3A_510 : vector<256x8xf32>
      %swap3A_523 = arith.constant 0 : index
      %swap3A_524 = arith.constant 0 : index
      %swap3A_525 = vector.load %arg9[%swap3A_523, %swap3A_524] : memref<256x8xf32, #tpu.memory_space<vmem>>, vector<256x8xf32>
      tpu.vector_store %arg9[%swap3A_523, %swap3A_524], %add3A_522 {strides = array<i32>} : memref<256x8xf32, #tpu.memory_space<vmem>>, vector<256x8xf32>,
    } else {
    }
    return
  }
  func.func @transform_0(%arg0: i32, %arg1: i32) -> (i32, i32, i32) {
    %mul3A = arith.constant 2 : i32
    %mul3A_0 = arith.muli %arg0, %mul3A : i32
    %add3A = arith.addi %mul3A_0, %arg1 : i32
    %c0_i32 = arith.constant 0 : i32
    %c0_i32_1 = arith.constant 0 : i32
    %c0_i32_2 = arith.constant 0 : i32
    return %add3A, %c0_i32, %c0_i32_1 : i32, i32, i32
  }
  func.func @transform_1(%arg0: i32, %arg1: i32) -> (i32, i32) {
    %mul3A = arith.constant 2 : i32
    %mul3A_0 = arith.muli %arg0, %mul3A : i32
    %add3A = arith.addi %mul3A_0, %arg1 : i32
    %c0_i32 = arith.constant 0 : i32
    %c0_i32_1 = arith.constant 0 : i32
    return %add3A, %c0_i32 : i32, i32
  }
  func.func @transform_2(%arg0: i32, %arg1: i32) -> (i32, i32, i32) {
    %mul3A = arith.constant 2 : i32
    %mul3A_0 = arith.muli %arg0, %mul3A : i32
    %add3A = arith.addi %mul3A_0, %arg1 : i32
    %c0_i32 = arith.constant 0 : i32
    %c0_i32_1 = arith.constant 0 : i32
    %c0_i32_2 = arith.constant 0 : i32
    return %add3A, %c0_i32, %c0_i32_1 : i32, i32, i32
  }
  func.func @transform_3(%arg0: i32, %arg1: i32) -> (i32, i32) {
    %c0_i32 = arith.constant 0 : i32
    %c0_i32_0 = arith.constant 0 : i32
    %c0_i32_1 = arith.constant 0 : i32
    return %c0_i32, %c0_i32_0 : i32, i32
  }
  func.func @transform_4(%arg0: i32, %arg1: i32) -> (i32, i32) {
    %c0_i32 = arith.constant 0 : i32
    %c0_i32_0 = arith.constant 0 : i32
    %c0_i32_1 = arith.constant 0 : i32
    return %c0_i32, %c0_i32_0 : i32, i32
  }
  func.func @transform_5(%arg0: i32, %arg1: i32) -> (i32, i32, i32) {
    %c0_i32 = arith.constant 0 : i32
    %c0_i32_0 = arith.constant 0 : i32
    %c0_i32_1 = arith.constant 0 : i32
    %c0_i32_2 = arith.constant 0 : i32
    return %c0_i32, %c0_i32_0, %c0_i32_1 : i32, i32, i32
  }
  func.func @transform_6(%arg0: i32, %arg1: i32) -> (i32, i32, i32) {
    %c0_i32 = arith.constant 0 : i32
    %c0_i32_0 = arith.constant 0 : i32
    return %arg0, %c0_i32, %arg1 : i32, i32, i32
  }
  func.func @transform_7(%arg0: i32, %arg1: i32) -> (i32, i32) {
    %c0_i32 = arith.constant 0 : i32
    %c0_i32_0 = arith.constant 0 : i32
    %c0_i32_1 = arith.constant 0 : i32
    return %c0_i32, %c0_i32_0 : i32, i32
  }
}

module attributes {stable_mosaic.version = 14 : i64} {
  func.func @_bnout_kernel(%arg0: i32, %arg1: i32, %arg2: memref<1x256x1024xf32, #tpu.memory_space<vmem>>, %arg3: memref<256x8xf32, #tpu.memory_space<vmem>>, %arg4: memref<1x256x1024xf32, #tpu.memory_space<vmem>>) attributes {dimension_semantics = [#tpu.dimension_semantics<arbitrary>, #tpu.dimension_semantics<arbitrary>], iteration_bounds = array<i64: 4, 1>, scalar_prefetch = 0 : i64, scratch_operands = 0 : i64, tpu.core_type = #tpu.core_type<tc>, window_params = [{transform_indices = @transform_0, window_bounds = array<i64: 1, 256, 1024>}, {pipeline_mode = #tpu.pipeline_mode<synchronous>, transform_indices = @transform_1, window_bounds = array<i64: 256, 8>}, {transform_indices = @transform_2, window_bounds = array<i64: 1, 256, 1024>}]} {
    %get3A = arith.constant 0 : index
    %get3A_0 = arith.constant 0 : index
    %get3A_1 = vector.load %arg3[%get3A, %get3A_0] : memref<256x8xf32, #tpu.memory_space<vmem>>, vector<256x1xf32>
    %get3A_2 = arith.constant 0 : index
    %get3A_3 = arith.constant 1 : index
    %get3A_4 = vector.load %arg3[%get3A_2, %get3A_3] : memref<256x8xf32, #tpu.memory_space<vmem>>, vector<256x1xf32>
    %get3A_5 = arith.constant 0 : index
    %get3A_6 = arith.constant 0 : index
    %get3A_7 = arith.constant 0 : index
    %get3A_8 = vector.load %arg2[%get3A_5, %get3A_6, %get3A_7] : memref<1x256x1024xf32, #tpu.memory_space<vmem>>, vector<1x256x1024xf32>
    %get3A_9 = vector.shape_cast %get3A_8 : vector<1x256x1024xf32> to vector<256x1024xf32>
    %mul3A = vector.broadcast %get3A_1 : vector<256x1xf32> to vector<256x1024xf32>
    %mul3A_10 = arith.mulf %get3A_9, %mul3A : vector<256x1024xf32>
    %add3A = vector.broadcast %get3A_4 : vector<256x1xf32> to vector<256x1024xf32>
    %add3A_11 = arith.addf %mul3A_10, %add3A : vector<256x1024xf32>
    %gt3A = arith.constant 0.000000e+00 : f32
    %gt3A_12 = vector.broadcast %gt3A : f32 to vector<256x1024xf32>
    %gt3A_13 = arith.cmpf ogt, %add3A_11, %gt3A_12 : vector<256x1024xf32>
    %exp3A = math.exp %add3A_11 : vector<256x1024xf32>
    %sub3A = arith.constant 1.000000e+00 : f32
    %sub3A_14 = vector.broadcast %sub3A : f32 to vector<256x1024xf32>
    %sub3A_15 = arith.subf %exp3A, %sub3A_14 : vector<256x1024xf32>
    %mul3A_16 = arith.constant 1.67326319 : f32
    %mul3A_17 = vector.broadcast %mul3A_16 : f32 to vector<256x1024xf32>
    %mul3A_18 = arith.mulf %mul3A_17, %sub3A_15 : vector<256x1024xf32>
    %select_n3A = arith.select %gt3A_13, %add3A_11, %mul3A_18 : vector<256x1024xi1>, vector<256x1024xf32>
    %mul3A_19 = arith.constant 1.05070102 : f32
    %mul3A_20 = vector.broadcast %mul3A_19 : f32 to vector<256x1024xf32>
    %mul3A_21 = arith.mulf %mul3A_20, %select_n3A : vector<256x1024xf32>
    %swap3A = arith.constant 0 : index
    %swap3A_22 = arith.constant 0 : index
    %swap3A_23 = arith.constant 0 : index
    %swap3A_24 = vector.load %arg4[%swap3A, %swap3A_22, %swap3A_23] : memref<1x256x1024xf32, #tpu.memory_space<vmem>>, vector<1x256x1024xf32>
    %swap3A_25 = vector.shape_cast %swap3A_24 : vector<1x256x1024xf32> to vector<256x1024xf32>
    %swap3A_26 = vector.shape_cast %mul3A_21 : vector<256x1024xf32> to vector<1x256x1024xf32>
    tpu.vector_store %arg4[%swap3A, %swap3A_22, %swap3A_23], %swap3A_26 {strides = array<i32>} : memref<1x256x1024xf32, #tpu.memory_space<vmem>>, vector<1x256x1024xf32>,
    return
  }
  func.func @transform_0(%arg0: i32, %arg1: i32) -> (i32, i32, i32) {
    %c0_i32 = arith.constant 0 : i32
    %c0_i32_0 = arith.constant 0 : i32
    return %arg0, %c0_i32, %arg1 : i32, i32, i32
  }
  func.func @transform_1(%arg0: i32, %arg1: i32) -> (i32, i32) {
    %c0_i32 = arith.constant 0 : i32
    %c0_i32_0 = arith.constant 0 : i32
    %c0_i32_1 = arith.constant 0 : i32
    return %c0_i32, %c0_i32_0 : i32, i32
  }
  func.func @transform_2(%arg0: i32, %arg1: i32) -> (i32, i32, i32) {
    %c0_i32 = arith.constant 0 : i32
    %c0_i32_0 = arith.constant 0 : i32
    return %arg0, %c0_i32, %arg1 : i32, i32, i32
  }
}

</mosaic_0001>

<sc_bundles>
// kernel: kernel.12.cloned.1.call-start
scs
__scs_entry_jumppad:
0x0: {  	(pc) =	sbr.rel $0x88, $3  }
0x1: {  	(tag) =	ssettag $0x0;
	lr =	simm.s32 $0x1  }
0x2: {  	[smem:$0x3F8E] =	sst lr;
	_ =	strace $0xD0000000  }
0x3: {  	_ = 	snop  }
0x4: {  	_ = 	snop  }
0x5: {  	_ = 	snop  }
0x6: {  	_ = 	snop  }
0x7: {  	_ = 	snop  }
__scs_overlays_trampoline_lowered:
0x8: {  	[smem:$0x3F9D] =	sst s0  }
0x9: {  	[smem:$0x3F9E] =	sst s1  }
0xa: {  	[smem:$0x3F9F] =	sst s2  }
0xb: {  	[smem:$0x3FA0] =	sst s3  }
0xc: {  	[smem:$0x3FA1] =	sst s4  }
0xd: {  	[smem:$0x3FA2] =	sst s5  }
0xe: {  	[smem:$0x3FA3] =	sst s6  }
0xf: {  	[smem:$0x3FA4] =	sst s7  }
0x10: {  	[smem:$0x3FA5] =	sst s8  }
0x11: {  	[smem:$0x3FA6] =	sst s9;
	s0 =	simm.s32 @!p0 $0x0  }
0x12: {  	s1 =	sld [smem:$0x3F8C];
	s0 =	simm.s32 @p0 $0x1  }
0x13: {  	[smem:$0x3FA7] =	sst s0;
	s0 =	simm.s32 @!p1 $0x0  }
0x14: {  	s2 =	sld [smem:$0x3F8B];
	s0 =	simm.s32 @p1 $0x1  }
0x15: {  	[smem:$0x3FA8] =	sst s0;
	s0 =	simm.s32 @!p2 $0x0  }
0x16: {  	s3 =	sld [smem:$0x3FDB];
	s0 =	simm.s32 @p2 $0x1  }
0x17: {  	s4 =	simm.s32 $0x1BF5;
	[smem:$0x3FAA] =	sst s0  }
0x18: {  	s0 =	sld [smem:$0x3F8D];
	_ =	swait.ge [sflag:s4], $0x0  }
0x19: {  	s7 =	sld [smem:$0x3F8E]  }
0x1a: {  	s8 =	sadd.s32 $0xFFFFE003, lr  }
0x1b: {  	s9 =	sadd.s32 $0xFFFFFEF7, lr;
	s5 =	simm.s32 $0xFFFFFFFF;
	p2 =	slt.u32 s8, $0xFFFFF086  }
0x1c: {  	p1 =	slt.u32 s9, $0xF7A;
	s5 =	simm.s32 @!p2 $0x0  }
0x1d: {  	s5 =	simm.s32 @p1 $0x1;
	p0 =	seq.s32 s7, s2  }
0x1e: {  	s7 =	smul.u32 @!p0 $0xF7A, s2;
	p2 =	seq.s32 @!p0 s5, $0x0  }
0x1f: {  	s9 =	smul.u32 $0xF7A, s1;
	s8 =	simm.s32 @!p0 $0x1BF5;
	p2 =	por !p2, p0  }
0x20: {  	[sflag:s8] =	ssyncset.s32 @!p0 $0xFFFFF086;
	s6 =	sadd.s32 @!p0 s3, s7;
	s7 =	simm.s32 @!p0 $0x108  }
0x21: {  	s3 =	sadd.s32 s3, s9;
	s6 =	sadd.s32 @!p0 $0x88, s6;
	s7 =	simm.s32 @p2 $0x1082  }
0x22: {  	[simem:s7], [sflag:s8] =	dma.local @!p0 [hbm:s6], $0xF7A  }
0x23: {  	s9 =	sor.u32 $0xD0000000, s2;
	s6 =	simm.s32 $0x108;
	_ =	swait.ge @!p0 [sflag:s8], $0x0  }
0x24: {  	s3 =	sadd.s32 $0x88, s3;
	s6 =	simm.s32 @!p1 $0x1082;
	[sflag:s4] =	ssyncset.s32 $0xFFFFF086  }
0x25: {  	[simem:s6], [sflag:s4] =	dma.local [hbm:s3], $0xF7A  }
0x26: {  	[smem:$0x3F8E] =	sst s1;
	(tag) =	ssettag s2;
	_ =	strace s9  }
0x27: {  	s1 =	sld [smem:$0x3F9E]  }
0x28: {  	s2 =	sld [smem:$0x3F9F]  }
0x29: {  	s4 =	sld [smem:$0x3FA1]  }
0x2a: {  	p0 =	seq.s32 s5, $0x0;
	s5 =	sld [smem:$0x3FA2]  }
0x2b: {  	s6 =	sld [smem:$0x3FA3]  }
0x2c: {  	s7 =	sld [smem:$0x3FA4]  }
0x2d: {  	s3 =	simm.s32 $0x108;
	s8 =	sld [smem:$0x3FA5]  }
0x2e: {  	s3 =	simm.s32 @!p0 $0x1082;
	s9 =	sld [smem:$0x3FA6]  }
0x2f: {  	lr =	sadd.s32 s0, s3;
	s0 =	sld [smem:$0x3F9D]  }
0x30: {  	s3 =	sld [smem:$0x3FA0]  }
0x31: {  	[smem:$0x3FA9] =	sst s10  }
0x32: {  	s10 =	sld [smem:$0x3FA7];
	_ =	sdelay $0x3  }
0x33: {  	p0 =	seq.s32 s10, $0x1;
	s10 =	sld [smem:$0x3FA9];
	_ =	sdelay $0x3  }
0x34: {  	[smem:$0x3FA9] =	sst s10  }
0x35: {  	s10 =	sld [smem:$0x3FA8];
	_ =	sdelay $0x3  }
0x36: {  	p1 =	seq.s32 s10, $0x1;
	s10 =	sld [smem:$0x3FA9];
	_ =	sdelay $0x3  }
0x37: {  	[smem:$0x3FA9] =	sst s10  }
0x38: {  	s10 =	sld [smem:$0x3FAA]  }
0x39: {  	_ = 	snop;
	(pc) =	sbr.ind lr, $3  }
0x3a: {  	_ = 	snop  }
0x3b: {  	_ = 	snop  }
0x3c: {  	p2 =	seq.s32 s10, $0x1;
	s10 =	sld [smem:$0x3FA9]  }
0x3d: {  	_ =	shalt  }
0x3e: {  	_ =	shalt  }
0x3f: {  	_ =	shalt  }
0x40: {  	_ =	shalt  }
0x41: {  	_ =	shalt  }
0x42: {  	_ =	shalt  }
0x43: {  	_ =	shalt  }
0x44: {  	_ =	shalt  }
0x45: {  	_ =	shalt  }
0x46: {  	_ =	shalt  }
0x47: {  	_ =	shalt  }
0x48: {  	_ =	shalt  }
0x49: {  	_ =	shalt  }
0x4a: {  	_ =	shalt  }
0x4b: {  	_ =	shalt  }
0x4c: {  	_ =	shalt  }
0x4d: {  	_ =	shalt  }
0x4e: {  	_ =	shalt  }
0x4f: {  	_ =	shalt  }
0x50: {  	_ =	shalt  }
0x51: {  	_ =	shalt  }
0x52: {  	_ =	shalt  }
0x53: {  	_ =	shalt  }
0x54: {  	_ =	shalt  }
0x55: {  	_ =	shalt  }
0x56: {  	_ =	shalt  }
0x57: {  	_ =	shalt  }
0x58: {  	_ =	shalt  }
0x59: {  	_ =	shalt  }
0x5a: {  	_ =	shalt  }
0x5b: {  	_ =	shalt  }
0x5c: {  	_ =	shalt  }
0x5d: {  	_ =	shalt  }
0x5e: {  	_ =	shalt  }
0x5f: {  	_ =	shalt  }
0x60: {  	_ =	shalt  }
0x61: {  	_ =	shalt  }
0x62: {  	_ =	shalt  }
0x63: {  	_ =	shalt  }
0x64: {  	_ =	shalt  }
0x65: {  	_ =	shalt  }
0x66: {  	_ =	shalt  }
0x67: {  	_ =	shalt  }
0x68: {  	_ =	shalt  }
0x69: {  	_ =	shalt  }
0x6a: {  	_ =	shalt  }
0x6b: {  	_ =	shalt  }
0x6c: {  	_ =	shalt  }
0x6d: {  	_ =	shalt  }
0x6e: {  	_ =	shalt  }
0x6f: {  	_ =	shalt  }
0x70: {  	_ =	shalt  }
0x71: {  	_ =	shalt  }
0x72: {  	_ =	shalt  }
0x73: {  	_ =	shalt  }
0x74: {  	_ =	shalt  }
0x75: {  	_ =	shalt  }
0x76: {  	_ =	shalt  }
0x77: {  	_ =	shalt  }
0x78: {  	_ =	shalt  }
0x79: {  	_ =	shalt  }
0x7a: {  	_ =	shalt  }
0x7b: {  	_ =	shalt  }
0x7c: {  	_ =	shalt  }
0x7d: {  	_ =	shalt  }
0x7e: {  	_ =	shalt  }
0x7f: {  	_ =	shalt  }
0x80: {  	_ =	shalt  }
0x81: {  	_ =	shalt  }
0x82: {  	_ =	shalt  }
0x83: {  	_ =	shalt  }
0x84: {  	_ =	shalt  }
0x85: {  	_ =	shalt  }
0x86: {  	_ =	shalt  }
0x87: {  	_ =	shalt  }
.Lfunc_end0:
.L_simem_size_0:
called_computation.1_lowered:
.L_overlay_start_0:
0x88: {  	s2 =	sld [smem:$0x3FD9]  }
0x89: {  	s3 =	sld [smem:$0x3FFE];
	_ =	sdelay $0x1  }
0x8a: {  	s1 =	srdreg.scid  }
0x8b: {  	s0 =	sand.u32 $0x1, s1  }
0x8c: {  	s15 =	sshll.u32 s0, $0xA;
	s2 =	sadd.s32 s3, s2  }
0x8d: {  	s2 =	sadd.s32 s2, s15  }
0x8e: {  	[smem:$0x3FB5] =	sst s2  }
0x8f: {  	_ = 	snop  }
0x90: {  	s2 =	sld [smem:$0x3FD0];
	_ =	sdelay $0x2  }
0x91: {  	s16 =	simm.s32 $0xB;
	s4 =	simm.s32 $0x10  }
0x92: {  	[smem:s4], [sflag:s16] =	dma.local [hbm:s2], $0x1  }
0x93: {  	_ =	swait.eq [sflag:s16], $0x1  }
0x94: {  	[sflag:s16] =	ssyncset.done $0x0  }
0x95: {  	[sflag:s16] =	ssyncadd.s32 $0xFFFFFFFF  }
0x96: {  	s17 =	sld [smem:$0x11];
	(tm) =	ssettm $0x1  }
0x97: {  	s18 =	sld [smem:$0x3FFB];
	_ =	sdelay $0x3  }
0x98: {  	_ =	strace s18  }
0x99: {  	s2 =	sld [smem:$0x3FFC];
	_ =	sdelay $0x3  }
0x9a: {  	_ =	strace s2  }
0x9b: {  	s2 =	sld [smem:$0x3FFD];
	_ =	sdelay $0x3  }
0x9c: {  	_ =	strace s2  }
0x9d: {  	_ =	strace $0x8FFFFFFF  }
0x9e: {  	s19 =	sld [smem:$0x3FDB];
	_ =	sdelay $0x1  }
0x9f: {  	s20 =	simm.s32 $_scs_section_size  }
0xa0: {  	s5 =	simm.s32 $_size__tile_overlayer_lowered;
	s6 =	simm.s32 $_tile_overlayer_lowered  }
0xa1: {  	s7 =	simm.s32 $0x1BFF;
	s21 =	sshll.u32 s6, $0x1;
	s4 =	sadd.s32 s20, s19  }
0xa2: {  	s22 =	simm.s32 $0x0;
	s5 =	sshll.u32 s5, $0x1;
	s6 =	sadd.s32 s21, s4  }
0xa3: {  	[timem:s22], [sflag:s7] =	dma.local [hbm:s6], s5  }
0xa4: {  	_ =	swait.ge [sflag:s7], s5  }
0xa5: {  	s5 =	ssub.s32 $0x0, s5;
	[sflag:s7] =	ssyncset.done $0x0  }
0xa6: {  	[sflag:s7] =	ssyncadd.s32 s5;
	_ =	sdelay $0x1  }
0xa7: {  	s23 =	simm.s32 $0x1B8B  }
0xa8: {  	_ =	swait.ge [sflag:s23], $0x1  }
0xa9: {  	[sflag:s23] =	ssyncset.done $0x0  }
0xaa: {  	[sflag:s23] =	ssyncadd.s32 $0xFFFFFFFF  }
0xab: {  	s5 =	sld [smem:$0x0]  }
0xac: {  	s6 =	sand.u32 $0xFFFFFFFE, s1  }
0xad: {  	p0 =	sne.s32 s1, s6  }
0xae: {  	s6 =	sshll.u32 @p0 s6, $0xE  }
0xaf: {  	s6 =	sadd.s32 @p0 $0x11B8D, s6;
	s7 =	sshll.u32 @p0 s5, $0x11  }
0xb0: {  	s6 =	sor.u32 @p0 s7, s6  }
0xb1: {  	[sflag:s6] =	ssyncadd.remote.s32 @p0 $0x1;
	_ =	sdelay $0x1  }
0xb2: {  	s6 =	simm.s32 @p0 $0x1B8D  }
0xb3: {  	_ =	swait.eq @p0 [sflag:s6], $0x1  }
0xb4: {  	[sflag:s6] =	ssyncadd.s32 @p0 $0xFFFFFFFF  }
0xb5: {  	s7 =	sshll.u32 @!p0 s1, $0xE  }
0xb6: {  	s7 =	sor.u32 @!p0 $0x4000, s7;
	s6 =	simm.s32 @!p0 $0x1B8D  }
0xb7: {  	s5 =	sshll.u32 @!p0 s5, $0x11;
	s7 =	sadd.s32 @!p0 $0x11B8D, s7;
	_ =	swait.eq @!p0 [sflag:s6], $0x1  }
0xb8: {  	s5 =	sor.u32 @!p0 s5, s7;
	[sflag:s6] =	ssyncadd.s32 @!p0 $0xFFFFFFFF  }
0xb9: {  	s25 =	simm.s32 $0x1B8E;
	s24 =	sld [smem:$0x3FFE];
	[sflag:s5] =	ssyncadd.remote.s32 @!p0 $0x1  }
0xba: {  	s26 =	simm.s32 $execute0_lowered;
	[smem:$0x3FD2] =	sst s25  }
0xbb: {  	s6 =	sshll.u32 s26, $0x1;
	_ =	strace $0x80000050;
	[dreg:$0x1] =	wrdreg $0xFFFFFFFF  }
0xbc: {  	s28 =	simm.s32 $_size_execute0_lowered;
	s4 =	sadd.s32 s4, s6;
	[dreg:$0x0] =	wrdreg $0x0  }
0xbd: {  	s6 =	sshll.u32 s28, $0x1;
	[dreg:$0x2] =	wrdreg s4  }
0xbe: {  	[dreg:$0x3] =	wrdreg s6  }
0xbf: {  	[dreg:$0x4] =	wrdreg $0xC0  }
0xc0: {  	_ =	task [dreg:s22], $0x5FFFF  }
0xc1: {  	[dreg:$0x1] =	wrdreg $0xFFFFFFFF  }
0xc2: {  	[dreg:$0x0] =	wrdreg $0x60  }
0xc3: {  	[dreg:$0x2] =	wrdreg s24  }
0xc4: {  	[dreg:$0x3] =	wrdreg s17  }
0xc5: {  	[dreg:$0x4] =	wrdreg $0xA  }
0xc6: {  	_ =	task.clear_ibuf [dreg:s22], $0x5FFFF;
	_ =	strace $0x90000050  }
0xc7: {  	s29 =	simm.s32 $0xA;
	_ =	strace $0x80000059  }
0xc8: {  	_ =	swait.ge [sflag:s29], $0x1  }
0xc9: {  	[sflag:s29] =	ssyncadd.s32 $0xFFFFFFFF  }
0xca: {  	_ =	strace $0x90000059  }
0xcb: {  	_ =	sfence  }
0xcc: {  	s30 =	sld [smem:$0x0];
	_ =	sdelay $0x2  }
0xcd: {  	s31 =	sshll.u32 s1, $0xD;
	s1 =	sshrl.u32 s1, $0x2  }
0xce: {  	s4 =	sand.u32 $0x4000, s31;
	s1 =	sadd.s32 s1, s30  }
0xcf: {  	s0 =	sor.u32 s4, s0;
	s1 =	sshll.u32 s1, $0x11  }
0xd0: {  	s0 =	sor.u32 s1, s0  }
0xd1: {  	s0 =	sadd.s32 $0x8F2B, s0  }
0xd2: {  	[sflag:s0] =	ssyncadd.remote.s32 $0x1  }
0xd3: {  	_ =	sfence.sel $0xFFFF  }
0xd4: {  	[dreg:$0x0] =	wrdreg $0xFFFFFFFF;
	(pc) =	sbr.abs _section_cstart, $3  }
0xd5: {  	[dreg:$0x1] =	wrdreg $0xFFFFFFFF  }
0xd6: {  	_ =	task.clear_ibuf [dreg:s22], $0x2FFFF;
	_ =	strace $0x9FFFFFFF  }
0xd7: {  	(tm) =	ssettm $0x7FFFFFFF  }
tec
execute0_lowered:
.L_overlay_start_1:
0x0: {  	(tag) =	ssettag $0x1  }
0x1: {  	s4 =	rddreg [dreg:$0x0]  }
0x2: {  	s1 =	rddreg [dreg:$0x1]  }
0x3: {  	s0 =	rddreg [dreg:$0x2];
	s2 =	simm.s32 $0x0  }
0x4: {  	s5 =	srdreg.scid;
	s8 =	simm.s32 $0x80;
	s9 =	simm.s32 $0x4  }
0x5: {  	s10 =	simm.s32 $0x0;
	[smem:$0x7FF] =	sst s2;
	s3 =	sadd.s32 $0x102600, s4  }
0x6: {  	s4 =	sadd.s32 $0x182600, s4;
	_ =	strace $0x80000051;
	[dreg:$0x3] =	wrdreg s3  }
0x7: {  	s5 =	sand.u32 $0x1, s5;
	s3 =	stileid.u32;
	[dreg:$0x5] =	wrdreg s4  }
0x8: {  	s6 =	ssub.s32 $0x2, s5;
	s5 =	sshll.u32 s5, $0x4;
	[dreg:$0x4] =	wrdreg s8  }
0x9: {  	s8 =	simm.s32 $0x5;
	s7 =	sshrl.u32 s6, $0x1;
	s5 =	sor.u32 s3, s5  }
0xa: {  	s6 =	ssub.s32 s6, s7;
	s31 =	sshll.u32 s5, $0x7;
	s4 =	sshll.u32 s5, $0x3  }
0xb: {  	s7 =	simm.s32 $0x1;
	s5 =	sadd.s32 s1, s31;
	s6 =	smax.u32 s6, $0x1  }
.LBB2_1:
0xc: {  	_ =	strace $0x80000052;
	s11 =	simm.s32 $0x1;
	p0 =	por $0x0, $0x0  }
0xd: {  	[tilespmem:s2], [sflag:$0x1] =	stream.linear.gather [hbm4b:s5+s2], $0x80, $0x200038;
	[tilespmem:$0x8100] =	vst v63  }
0xe: {  	s11 =	simm.s32 @p0 $0x0  }
0xf: {  	p4 =	por $0x1, $0x1;
	s20 =	sand.u32 $0x1, s2;
	p1 =	sne.s32 s11, $0x0  }
0x10: {  	p2 =	por $0x1, $0x1;
	s18 =	simm.s32 $0x6;
	p0 =	por !p4, !p1  }
0x11: {  	s16 =	simm.s32 $0x0;
	p5 =	por $0x0, $0x0;
	p0 =	por !p0, !p0  }
0x12: {  	s23 =	sadd.s32 $0x0, s4;
	s30 =	sadd.s32 $0x1, s20;
	s12 =	sadd.s32 @p0 s4, s11  }
0x13: {  	_ =	strace $0x90000052;
	s13 =	sand.u32 @p0 $0x1, s7;
	s12 =	sshll.u32 @p0 s12, $0x4  }
0x14: {  	_ =	strace @p0 $0x80000053;
	s15 =	simm.s32 @p0 $0x0;
	s12 =	sand.u32 @p0 $0x1FFFFFF0, s12  }
0x15: {  	s14 =	sshll.u32 @p0 s13, $0x7;
	s13 =	sadd.s32 @p0 $0x1, s13;
	s12 =	sadd.s32 @p0 s1, s12  }
0x16: {  	[tilespmem:s14], [sflag:s13] =	stream.linear.gather @p0 [hbm4b:s12+s15], $0x80, $0x200038;
	[tilespmem:$0x8100] =	vst v63  }
0x17: {  	p3 =	por p2, p2;
	s21 =	sshll.u32 s20, $0xE;
	_ =	strace @p0 $0x90000053  }
0x18: {  	s16 =	sand.u32 $0x80, s16;
	p2 =	por p5, p5;
	_ =	strace $0x80000054  }
0x19: {  	s17 =	sadd.s32 $0x1, s11;
	s22 =	sor.u32 $0x100, s21;
	_ =	swait.ge [sflag:s30], $0x80  }
0x1a: {  	s21 =	simm.s32 $0x1;
	p6 =	por p1, p1;
	[sflag:s30] =	ssyncset.done $0x0  }
0x1b: {  	p1 =	por p3, p3;
	p4 =	por $0x1, $0x1;
	[sflag:s30] =	ssyncadd.s32 $0xFFFFFF80  }
0x1c: {  	s12 =	simm.s32 $0x7;
	s15 =	sand.u32 @!p3 $0x1, s2;
	_ =	strace $0x90000054  }
0x1d: {  	s13 =	simm.s32 $0x1;
	p3 =	seq.s32 s17, $0x8;
	_ =	strace $0x80000055  }
0x1e: {  	s13 =	simm.s32 @!p0 $0x0;
	s17 =	simm.s32 @p3 $0x0;
	s19 =	rddreg [dreg:$0x4]  }
0x1f: {  	p0 =	por $0x0, $0x0;
	s14 =	sadd.s32 $0x1, s13;
	s31 =	rddreg [dreg:$0x3]  }
0x20: {  	[tilespmem:s22], [sflag:$0x5] =	stream.indirect.gather [hbm4b:s31+s19], $0x80, s16, s19, $0x2000b8;
	[tilespmem:$0x8100] =	vst v63  }
0x21: {  	p3 =	sne.s32 s11, s17;
	s21 =	simm.s32 @!p0 $0x0;
	_ =	swait.ge [sflag:s8], $0x4000  }
0x22: {  	p5 =	por !p4, !p3;
	p4 =	por $0x0, $0x0;
	[sflag:s8] =	ssyncset.done $0x0  }
0x23: {  	s13 =	simm.s32 $0x0;
	p6 =	por p4, p6;
	[sflag:s8] =	ssyncadd.s32 $0xFFFFC000  }
0x24: {  	s16 =	simm.s32 $0x0;
	s19 =	simm.s32 $0x0;
	_ =	strace $0x90000055  }
.LBB2_2:
0x25: {  	_ =	strace @p6 $0x80000056;
	s13 =	sadd.s32 s21, s13;
	s21 =	smov.u32 s12  }
0x26: {  	s12 =	smov.u32 s18;
	s18 =	sadd.s32 $0xFFFFFFFF, s18;
	p0 =	por p3, p3  }
0x27: {  	s28 =	sshll.u32 @p6 s23, $0xB;
	s20 =	sadd.s32 @p6 $0x3, s20;
	s24 =	simm.s32 @!p0 $0x0  }
0x28: {  	s25 =	rddreg [dreg:$0x5];
	s28 =	sand.u32 @p6 $0x1FFFF800, s28;
	s24 =	simm.s32 @p0 $0x1  }
0x29: {  	s25 =	sadd.s32 @p6 s25, s28;
	s28 =	simm.s32 @p6 $0x0;
	p0 =	sne.s32 s18, $0x0  }
0x2a: {  	[hbm4b:s25+s28] =	stream.linear.scatter @p6 [tilespmem:s22], [sflag:s20], $0x4000, $0x200038;
	[tilespmem:$0x8100] =	vst v63  }
0x2b: {  	s20 =	sadd.s32 @!p1 $0x3, s15;
	s15 =	simm.s32 @!p0 $0x0  }
0x2c: {  	s26 =	simm.s32 $0x1;
	[smem:$0x7FC] =	sst s24;
	s15 =	simm.s32 @p0 $0x1  }
0x2d: {  	s26 =	simm.s32 @!p6 $0x0;
	_ =	strace @p6 $0x90000056;
	[smem:$0x7FD] =	sst s15  }
0x2e: {  	p5 =	por !p5, !p5;
	s19 =	sadd.s32 s26, s19;
	_ =	strace @!p1 $0x80000057  }
0x2f: {  	s24 =	sand.u32 @!p2 $0x1, s13;
	s22 =	sand.u32 @p5 $0x1, s14;
	_ =	swait.ge @!p1 [sflag:s20], $0x4000  }
0x30: {  	s15 =	smov.u32 s24;
	s24 =	sadd.s32 @p5 s4, s17;
	[sflag:s20] =	ssyncset.done @!p1 $0x0  }
0x31: {  	s25 =	sshll.u32 @p5 s22, $0x7;
	s24 =	sshll.u32 @p5 s24, $0x4;
	[sflag:s20] =	ssyncadd.s32 @!p1 $0xFFFFC000  }
0x32: {  	s20 =	sadd.s32 @p5 $0x1, s22;
	s22 =	sand.u32 @p5 $0x1FFFFFF0, s24;
	_ =	strace @!p1 $0x90000057  }
0x33: {  	s24 =	simm.s32 @p5 $0x0;
	s22 =	sadd.s32 @p5 s1, s22;
	_ =	strace @p5 $0x80000053  }
0x34: {  	[tilespmem:s25], [sflag:s20] =	stream.linear.gather @p5 [hbm4b:s22+s24], $0x80, $0x200038;
	[tilespmem:$0x8100] =	vst v63  }
0x35: {  	s16 =	sadd.s32 s26, s16;
	s26 =	sand.u32 $0x1, s19;
	_ =	strace @p5 $0x90000053  }
0x36: {  	s24 =	sadd.s32 $0x1, s26;
	_ =	strace $0x80000054  }
0x37: {  	_ =	swait.ge [sflag:s24], $0x80  }
0x38: {  	[sflag:s24] =	ssyncset.done $0x0  }
0x39: {  	s20 =	simm.s32 $0x1;
	[sflag:s24] =	ssyncadd.s32 $0xFFFFFF80  }
0x3a: {  	s20 =	simm.s32 @!p5 $0x0;
	_ =	strace $0x90000054  }
0x3b: {  	s14 =	sadd.s32 s20, s14;
	s20 =	sand.u32 $0x1, s16;
	_ =	strace $0x80000055  }
0x3c: {  	s29 =	sshll.u32 s19, $0x7;
	s25 =	sshll.u32 s20, $0xE;
	s26 =	rddreg [dreg:$0x4]  }
0x3d: {  	s29 =	sand.u32 $0x80, s29;
	s22 =	sor.u32 $0x100, s25;
	s30 =	rddreg [dreg:$0x3]  }
0x3e: {  	[tilespmem:s22], [sflag:$0x5] =	stream.indirect.gather [hbm4b:s30+s26], $0x80, s29, s26, $0x2000b8;
	[tilespmem:$0x8100] =	vst v63  }
0x3f: {  	_ =	swait.ge [sflag:s8], $0x4000  }
0x40: {  	s31 =	sadd.s32 $0x1, s17;
	[sflag:s8] =	ssyncset.done $0x0  }
0x41: {  	s23 =	sadd.s32 s4, s11;
	s11 =	smov.u32 s17;
	[sflag:s8] =	ssyncadd.s32 $0xFFFFC000  }
0x42: {  	p3 =	seq.s32 s31, $0x8;
	s17 =	smov.u32 s31;
	_ =	strace $0x90000055  }
0x43: {  	s17 =	simm.s32 @p3 $0x0;
	s31 =	sld [smem:$0x7FD]  }
0x44: {  	p6 =	sne.s32 s12, $0x1;
	p0 =	sne.s32 s21, $0x8;
	p3 =	sne.s32 s11, s17  }
0x45: {  	p5 =	por !p6, !p3;
	p6 =	seq.s32 s21, $0x1;
	s21 =	simm.s32 $0x1  }
0x46: {  	s21 =	simm.s32 @!p0 $0x0;
	p0 =	seq.s32 s31, $0x1  }
.Ltmp0:
0x47: {  	s30 =	sld [smem:$0x7FC];
	(pc) =	sbr.rel @p0 .LBB2_2-.Ltmp0, $4  }
0x48: {  	_ = 	snop  }
0x49: {  	p4 =	seq.s32 s12, $0x8  }
0x4a: {  	p1 =	por p2, p2;
	p2 =	por p4, p4;
	p4 =	seq.s32 s30, $0x1  }
0x4b: {  	p6 =	por p6, p4  }
0x4c: {  	_ =	strace @p6 $0x80000056;
	s23 =	sshll.u32 @p6 s23, $0xB  }
0x4d: {  	s18 =	rddreg [dreg:$0x5];
	s23 =	sand.u32 @p6 $0x1FFFF800, s23  }
0x4e: {  	s20 =	sadd.s32 @p6 $0x3, s20;
	s18 =	sadd.s32 @p6 s18, s23;
	s23 =	simm.s32 @p6 $0x0  }
0x4f: {  	[hbm4b:s18+s23] =	stream.linear.scatter @p6 [tilespmem:s22], [sflag:s20], $0x4000, $0x200038;
	[tilespmem:$0x8100] =	vst v63  }
0x50: {  	p0 =	por !p5, !p5;
	_ =	strace @p6 $0x90000056  }
0x51: {  	s15 =	sadd.s32 @!p1 $0x3, s15;
	s17 =	sadd.s32 @p0 s4, s17;
	_ =	strace @!p1 $0x80000057  }
0x52: {  	s14 =	sand.u32 @p0 $0x1, s14;
	s17 =	sshll.u32 @p0 s17, $0x4;
	_ =	swait.ge @!p1 [sflag:s15], $0x4000  }
0x53: {  	s18 =	simm.s32 $0x1;
	s20 =	sshll.u32 @p0 s14, $0x7;
	[sflag:s15] =	ssyncset.done @!p1 $0x0  }
0x54: {  	s14 =	sadd.s32 @p0 $0x1, s14;
	s18 =	simm.s32 @!p6 $0x0;
	[sflag:s15] =	ssyncadd.s32 @!p1 $0xFFFFC000  }
0x55: {  	s19 =	sadd.s32 s18, s19;
	s15 =	sand.u32 @p0 $0x1FFFFFF0, s17;
	_ =	strace @!p1 $0x90000057  }
0x56: {  	s17 =	simm.s32 @p0 $0x0;
	s15 =	sadd.s32 @p0 s1, s15;
	_ =	strace @p0 $0x80000053  }
0x57: {  	[tilespmem:s20], [sflag:s14] =	stream.linear.gather @p0 [hbm4b:s15+s17], $0x80, $0x200038;
	[tilespmem:$0x8100] =	vst v63  }
0x58: {  	s25 =	sand.u32 $0x1, s19;
	_ =	strace @p0 $0x90000053  }
0x59: {  	s14 =	sadd.s32 $0x1, s25;
	_ =	strace $0x80000054  }
0x5a: {  	_ =	swait.ge [sflag:s14], $0x80  }
0x5b: {  	[sflag:s14] =	ssyncset.done $0x0  }
0x5c: {  	[sflag:s14] =	ssyncadd.s32 $0xFFFFFF80  }
0x5d: {  	s26 =	sadd.s32 s18, s16;
	_ =	strace $0x90000054  }
0x5e: {  	s14 =	sand.u32 $0x1, s26;
	_ =	strace $0x80000055  }
0x5f: {  	s30 =	sshll.u32 s19, $0x7;
	s31 =	sshll.u32 s14, $0xE;
	s28 =	rddreg [dreg:$0x4]  }
0x60: {  	s17 =	sand.u32 $0x80, s30;
	s18 =	sor.u32 $0x100, s31;
	s29 =	rddreg [dreg:$0x3]  }
0x61: {  	[tilespmem:s18], [sflag:$0x5] =	stream.indirect.gather [hbm4b:s29+s28], $0x80, s17, s28, $0x2000b8;
	[tilespmem:$0x8100] =	vst v63  }
0x62: {  	_ =	swait.ge [sflag:s8], $0x4000  }
0x63: {  	[sflag:s8] =	ssyncset.done $0x0  }
0x64: {  	p5 =	por p3, p3;
	p6 =	seq.s32 s12, $0x1;
	[sflag:s8] =	ssyncadd.s32 $0xFFFFC000  }
0x65: {  	s11 =	sadd.s32 s4, s11;
	p0 =	por p6, p5;
	_ =	strace $0x90000055  }
0x66: {  	s11 =	sshll.u32 @p0 s11, $0xB;
	_ =	strace @p0 $0x80000056  }
0x67: {  	s13 =	sadd.s32 s21, s13;
	s11 =	sand.u32 @p0 $0x1FFFF800, s11;
	s12 =	rddreg [dreg:$0x5]  }
0x68: {  	s14 =	sadd.s32 @p0 $0x3, s14;
	s11 =	sadd.s32 @p0 s12, s11;
	s12 =	simm.s32 @p0 $0x0  }
0x69: {  	[hbm4b:s11+s12] =	stream.linear.scatter @p0 [tilespmem:s18], [sflag:s14], $0x4000, $0x200038;
	[tilespmem:$0x8100] =	vst v63  }
0x6a: {  	p1 =	por p2, p2;
	s11 =	sand.u32 @!p2 $0x1, s13;
	_ =	strace @p0 $0x90000056  }
0x6b: {  	s11 =	sadd.s32 @!p1 $0x3, s11;
	_ =	strace @!p1 $0x80000057  }
0x6c: {  	_ =	swait.ge @!p1 [sflag:s11], $0x4000  }
0x6d: {  	[sflag:s11] =	ssyncset.done @!p1 $0x0  }
0x6e: {  	s10 =	sadd.s32 $0x1, s10;
	[sflag:s11] =	ssyncadd.s32 @!p1 $0xFFFFC000  }
0x6f: {  	p0 =	sne.s32 s10, s6;
	_ =	strace @!p1 $0x90000057  }
.Ltmp1:
0x70: {  	_ =	strace $0x80000058;
	(pc) =	sbr.rel @p0 .LBB2_1-.Ltmp1, $4  }
0x71: {  	_ =	swait.ge [sflag:s9], $0x4000  }
0x72: {  	[sflag:s9] =	ssyncset.done $0x0  }
0x73: {  	[sflag:s9] =	ssyncadd.s32 $0xFFFFC000  }
0x74: {  	_ =	strace $0x90000058  }
0x75: {  	_ =	sfence.sel $0x180000  }
0x76: {  	[bflag:$0x0] =	sbarrier.arrive $0xFFFF  }
0x77: {  	p0 =	sne.s32 s3, $0x0;
	_ =	strace $0x90000051  }
0x78: {  	s0 =	sadd.s32 @!p0 $0x100000, s0;
	[bflag:$0x2] =	sbarrier.arrive $0xFFFF  }
0x79: {  	[sflag:s0] =	ssyncadd.tile.s32 @!p0 $0x1;
	_ =	shalt  }
.Lfunc_end2:
_tile_overlayer_lowered:
.L_overlay_start_2:
0x7a: {  	(tag) =	ssettag $0x2  }
0x7b: {  	s0 =	rddreg [dreg:$0x0];
	s2 =	stileid.u32  }
0x7c: {  	s1 =	rddreg [dreg:$0x1];
	p0 =	sne.s32 s2, $0x0  }
0x7d: {  	s3 =	rddreg [dreg:$0x2];
	[bflag:$0x3] =	sbarrier.arrive $0xFFFF;
	s2 =	simm.s32 @!p0 $0x1C01  }
0x7e: {  	[timem:s3], [sflag:s2] =	dma.local @!p0 [hbm:s0], s1  }
0x7f: {  	s0 =	simm.s32 @!p0 $0x1  }
0x80: {  	_ =	swait.ge @!p0 [sflag:s0], s1  }
0x81: {  	s1 =	ssub.s32 @!p0 $0x0, s1;
	[sflag:s0] =	ssyncset.done @!p0 $0x0  }
0x82: {  	[sflag:s0] =	ssyncadd.s32 @!p0 s1  }
0x83: {  	[bflag:$0x3] =	sbarrier.arrive $0xFFFF  }
0x84: {  	_ =	shalt  }

// kernel: kernel.9.cloned.1.call-start
scs
__scs_entry_jumppad:
0x0: {  	(pc) =	sbr.rel $0x88, $3  }
0x1: {  	(tag) =	ssettag $0x0;
	lr =	simm.s32 $0x1  }
0x2: {  	[smem:$0x3F8E] =	sst lr;
	_ =	strace $0xD0000000  }
0x3: {  	_ = 	snop  }
0x4: {  	_ = 	snop  }
0x5: {  	_ = 	snop  }
0x6: {  	_ = 	snop  }
0x7: {  	_ = 	snop  }
__scs_overlays_trampoline_lowered:
0x8: {  	[smem:$0x3F9D] =	sst s0  }
0x9: {  	[smem:$0x3F9E] =	sst s1  }
0xa: {  	[smem:$0x3F9F] =	sst s2  }
0xb: {  	[smem:$0x3FA0] =	sst s3  }
0xc: {  	[smem:$0x3FA1] =	sst s4  }
0xd: {  	[smem:$0x3FA2] =	sst s5  }
0xe: {  	[smem:$0x3FA3] =	sst s6  }
0xf: {  	[smem:$0x3FA4] =	sst s7  }
0x10: {  	[smem:$0x3FA5] =	sst s8  }
0x11: {  	[smem:$0x3FA6] =	sst s9;
	s0 =	simm.s32 @!p0 $0x0  }
0x12: {  	s1 =	sld [smem:$0x3F8C];
	s0 =	simm.s32 @p0 $0x1  }
0x13: {  	[smem:$0x3FA7] =	sst s0;
	s0 =	simm.s32 @!p1 $0x0  }
0x14: {  	s2 =	sld [smem:$0x3F8B];
	s0 =	simm.s32 @p1 $0x1  }
0x15: {  	[smem:$0x3FA8] =	sst s0;
	s0 =	simm.s32 @!p2 $0x0  }
0x16: {  	s3 =	sld [smem:$0x3FDB];
	s0 =	simm.s32 @p2 $0x1  }
0x17: {  	s4 =	simm.s32 $0x1BF5;
	[smem:$0x3FAA] =	sst s0  }
0x18: {  	s0 =	sld [smem:$0x3F8D];
	_ =	swait.ge [sflag:s4], $0x0  }
0x19: {  	s7 =	sld [smem:$0x3F8E]  }
0x1a: {  	s8 =	sadd.s32 $0xFFFFE003, lr  }
0x1b: {  	s9 =	sadd.s32 $0xFFFFFEF7, lr;
	s5 =	simm.s32 $0xFFFFFFFF;
	p2 =	slt.u32 s8, $0xFFFFF086  }
0x1c: {  	p1 =	slt.u32 s9, $0xF7A;
	s5 =	simm.s32 @!p2 $0x0  }
0x1d: {  	s5 =	simm.s32 @p1 $0x1;
	p0 =	seq.s32 s7, s2  }
0x1e: {  	s7 =	smul.u32 @!p0 $0xF7A, s2;
	p2 =	seq.s32 @!p0 s5, $0x0  }
0x1f: {  	s9 =	smul.u32 $0xF7A, s1;
	s8 =	simm.s32 @!p0 $0x1BF5;
	p2 =	por !p2, p0  }
0x20: {  	[sflag:s8] =	ssyncset.s32 @!p0 $0xFFFFF086;
	s6 =	sadd.s32 @!p0 s3, s7;
	s7 =	simm.s32 @!p0 $0x108  }
0x21: {  	s3 =	sadd.s32 s3, s9;
	s6 =	sadd.s32 @!p0 $0x88, s6;
	s7 =	simm.s32 @p2 $0x1082  }
0x22: {  	[simem:s7], [sflag:s8] =	dma.local @!p0 [hbm:s6], $0xF7A  }
0x23: {  	s9 =	sor.u32 $0xD0000000, s2;
	s6 =	simm.s32 $0x108;
	_ =	swait.ge @!p0 [sflag:s8], $0x0  }
0x24: {  	s3 =	sadd.s32 $0x88, s3;
	s6 =	simm.s32 @!p1 $0x1082;
	[sflag:s4] =	ssyncset.s32 $0xFFFFF086  }
0x25: {  	[simem:s6], [sflag:s4] =	dma.local [hbm:s3], $0xF7A  }
0x26: {  	[smem:$0x3F8E] =	sst s1;
	(tag) =	ssettag s2;
	_ =	strace s9  }
0x27: {  	s1 =	sld [smem:$0x3F9E]  }
0x28: {  	s2 =	sld [smem:$0x3F9F]  }
0x29: {  	s4 =	sld [smem:$0x3FA1]  }
0x2a: {  	p0 =	seq.s32 s5, $0x0;
	s5 =	sld [smem:$0x3FA2]  }
0x2b: {  	s6 =	sld [smem:$0x3FA3]  }
0x2c: {  	s7 =	sld [smem:$0x3FA4]  }
0x2d: {  	s3 =	simm.s32 $0x108;
	s8 =	sld [smem:$0x3FA5]  }
0x2e: {  	s3 =	simm.s32 @!p0 $0x1082;
	s9 =	sld [smem:$0x3FA6]  }
0x2f: {  	lr =	sadd.s32 s0, s3;
	s0 =	sld [smem:$0x3F9D]  }
0x30: {  	s3 =	sld [smem:$0x3FA0]  }
0x31: {  	[smem:$0x3FA9] =	sst s10  }
0x32: {  	s10 =	sld [smem:$0x3FA7];
	_ =	sdelay $0x3  }
0x33: {  	p0 =	seq.s32 s10, $0x1;
	s10 =	sld [smem:$0x3FA9];
	_ =	sdelay $0x3  }
0x34: {  	[smem:$0x3FA9] =	sst s10  }
0x35: {  	s10 =	sld [smem:$0x3FA8];
	_ =	sdelay $0x3  }
0x36: {  	p1 =	seq.s32 s10, $0x1;
	s10 =	sld [smem:$0x3FA9];
	_ =	sdelay $0x3  }
0x37: {  	[smem:$0x3FA9] =	sst s10  }
0x38: {  	s10 =	sld [smem:$0x3FAA]  }
0x39: {  	_ = 	snop;
	(pc) =	sbr.ind lr, $3  }
0x3a: {  	_ = 	snop  }
0x3b: {  	_ = 	snop  }
0x3c: {  	p2 =	seq.s32 s10, $0x1;
	s10 =	sld [smem:$0x3FA9]  }
0x3d: {  	_ =	shalt  }
0x3e: {  	_ =	shalt  }
0x3f: {  	_ =	shalt  }
0x40: {  	_ =	shalt  }
0x41: {  	_ =	shalt  }
0x42: {  	_ =	shalt  }
0x43: {  	_ =	shalt  }
0x44: {  	_ =	shalt  }
0x45: {  	_ =	shalt  }
0x46: {  	_ =	shalt  }
0x47: {  	_ =	shalt  }
0x48: {  	_ =	shalt  }
0x49: {  	_ =	shalt  }
0x4a: {  	_ =	shalt  }
0x4b: {  	_ =	shalt  }
0x4c: {  	_ =	shalt  }
0x4d: {  	_ =	shalt  }
0x4e: {  	_ =	shalt  }
0x4f: {  	_ =	shalt  }
0x50: {  	_ =	shalt  }
0x51: {  	_ =	shalt  }
0x52: {  	_ =	shalt  }
0x53: {  	_ =	shalt  }
0x54: {  	_ =	shalt  }
0x55: {  	_ =	shalt  }
0x56: {  	_ =	shalt  }
0x57: {  	_ =	shalt  }
0x58: {  	_ =	shalt  }
0x59: {  	_ =	shalt  }
0x5a: {  	_ =	shalt  }
0x5b: {  	_ =	shalt  }
0x5c: {  	_ =	shalt  }
0x5d: {  	_ =	shalt  }
0x5e: {  	_ =	shalt  }
0x5f: {  	_ =	shalt  }
0x60: {  	_ =	shalt  }
0x61: {  	_ =	shalt  }
0x62: {  	_ =	shalt  }
0x63: {  	_ =	shalt  }
0x64: {  	_ =	shalt  }
0x65: {  	_ =	shalt  }
0x66: {  	_ =	shalt  }
0x67: {  	_ =	shalt  }
0x68: {  	_ =	shalt  }
0x69: {  	_ =	shalt  }
0x6a: {  	_ =	shalt  }
0x6b: {  	_ =	shalt  }
0x6c: {  	_ =	shalt  }
0x6d: {  	_ =	shalt  }
0x6e: {  	_ =	shalt  }
0x6f: {  	_ =	shalt  }
0x70: {  	_ =	shalt  }
0x71: {  	_ =	shalt  }
0x72: {  	_ =	shalt  }
0x73: {  	_ =	shalt  }
0x74: {  	_ =	shalt  }
0x75: {  	_ =	shalt  }
0x76: {  	_ =	shalt  }
0x77: {  	_ =	shalt  }
0x78: {  	_ =	shalt  }
0x79: {  	_ =	shalt  }
0x7a: {  	_ =	shalt  }
0x7b: {  	_ =	shalt  }
0x7c: {  	_ =	shalt  }
0x7d: {  	_ =	shalt  }
0x7e: {  	_ =	shalt  }
0x7f: {  	_ =	shalt  }
0x80: {  	_ =	shalt  }
0x81: {  	_ =	shalt  }
0x82: {  	_ =	shalt  }
0x83: {  	_ =	shalt  }
0x84: {  	_ =	shalt  }
0x85: {  	_ =	shalt  }
0x86: {  	_ =	shalt  }
0x87: {  	_ =	shalt  }
.Lfunc_end0:
.L_simem_size_0:
called_computation_lowered:
.L_overlay_start_0:
0x88: {  	s2 =	sld [smem:$0x3FD9]  }
0x89: {  	s3 =	sld [smem:$0x3FFE];
	_ =	sdelay $0x1  }
0x8a: {  	s1 =	srdreg.scid  }
0x8b: {  	s0 =	sand.u32 $0x1, s1  }
0x8c: {  	s14 =	sshll.u32 s0, $0xA;
	s2 =	sadd.s32 s3, s2  }
0x8d: {  	s2 =	sadd.s32 s2, s14  }
0x8e: {  	[smem:$0x3FB5] =	sst s2  }
0x8f: {  	_ = 	snop  }
0x90: {  	s2 =	sld [smem:$0x3FD0];
	_ =	sdelay $0x2  }
0x91: {  	s15 =	simm.s32 $0xB;
	s4 =	simm.s32 $0x10  }
0x92: {  	[smem:s4], [sflag:s15] =	dma.local [hbm:s2], $0x1  }
0x93: {  	_ =	swait.eq [sflag:s15], $0x1  }
0x94: {  	[sflag:s15] =	ssyncset.done $0x0  }
0x95: {  	[sflag:s15] =	ssyncadd.s32 $0xFFFFFFFF  }
0x96: {  	s16 =	sld [smem:$0x11];
	(tm) =	ssettm $0x1  }
0x97: {  	s17 =	sld [smem:$0x3FFB];
	_ =	sdelay $0x3  }
0x98: {  	_ =	strace s17  }
0x99: {  	s3 =	sld [smem:$0x3FFC];
	_ =	sdelay $0x3  }
0x9a: {  	_ =	strace s3  }
0x9b: {  	s3 =	sld [smem:$0x3FFD];
	_ =	sdelay $0x3  }
0x9c: {  	_ =	strace s3  }
0x9d: {  	_ =	strace $0x8FFFFFFF  }
0x9e: {  	s18 =	sld [smem:$0x3FDB];
	_ =	sdelay $0x1  }
0x9f: {  	s19 =	simm.s32 $_scs_section_size  }
0xa0: {  	s5 =	simm.s32 $_size__tile_overlayer_lowered;
	s6 =	simm.s32 $_tile_overlayer_lowered  }
0xa1: {  	s22 =	simm.s32 $0x1BFF;
	s21 =	sshll.u32 s6, $0x1;
	s3 =	sadd.s32 s19, s18  }
0xa2: {  	s7 =	simm.s32 $0x0;
	s20 =	sshll.u32 s5, $0x1;
	s5 =	sadd.s32 s21, s3  }
0xa3: {  	[timem:s7], [sflag:s22] =	dma.local [hbm:s5], s20  }
0xa4: {  	_ =	swait.ge [sflag:s22], s20  }
0xa5: {  	s4 =	ssub.s32 $0x0, s20;
	[sflag:s22] =	ssyncset.done $0x0  }
0xa6: {  	[sflag:s22] =	ssyncadd.s32 s4;
	_ =	sdelay $0x1  }
0xa7: {  	s23 =	simm.s32 $0x1B8B  }
0xa8: {  	_ =	swait.ge [sflag:s23], $0x1  }
0xa9: {  	[sflag:s23] =	ssyncset.done $0x0  }
0xaa: {  	s25 =	simm.s32 $0x1B8E;
	s24 =	sld [smem:$0x3FFE];
	[sflag:s23] =	ssyncadd.s32 $0xFFFFFFFF  }
0xab: {  	s26 =	simm.s32 $execute0_lowered;
	[smem:$0x3FD2] =	sst s25  }
0xac: {  	s5 =	sshll.u32 s26, $0x1;
	_ =	strace $0x80000046;
	[dreg:$0x1] =	wrdreg $0xFFFFFFFF  }
0xad: {  	s28 =	simm.s32 $_size_execute0_lowered;
	s3 =	sadd.s32 s3, s5;
	[dreg:$0x0] =	wrdreg $0x0  }
0xae: {  	s5 =	sshll.u32 s28, $0x1;
	[dreg:$0x2] =	wrdreg s3  }
0xaf: {  	[dreg:$0x3] =	wrdreg s5  }
0xb0: {  	[dreg:$0x4] =	wrdreg $0xC0  }
0xb1: {  	_ =	task [dreg:s7], $0x5FFFF  }
0xb2: {  	[dreg:$0x1] =	wrdreg $0xFFFFFFFF  }
0xb3: {  	[dreg:$0x0] =	wrdreg $0x60  }
0xb4: {  	[dreg:$0x2] =	wrdreg s24  }
0xb5: {  	[dreg:$0x3] =	wrdreg s16  }
0xb6: {  	[dreg:$0x4] =	wrdreg $0x9  }
0xb7: {  	_ =	task.clear_ibuf [dreg:s7], $0x5FFFF;
	_ =	strace $0x90000046  }
0xb8: {  	s29 =	simm.s32 $0x9;
	_ =	strace $0x8000004F  }
0xb9: {  	_ =	swait.ge [sflag:s29], $0x1  }
0xba: {  	[sflag:s29] =	ssyncadd.s32 $0xFFFFFFFF  }
0xbb: {  	_ =	strace $0x9000004F  }
0xbc: {  	_ =	sfence  }
0xbd: {  	s30 =	sld [smem:$0x0];
	_ =	sdelay $0x2  }
0xbe: {  	s31 =	sshll.u32 s1, $0xD;
	s1 =	sshrl.u32 s1, $0x2  }
0xbf: {  	s3 =	sand.u32 $0x4000, s31;
	s1 =	sadd.s32 s1, s30  }
0xc0: {  	s0 =	sor.u32 s3, s0;
	s1 =	sshll.u32 s1, $0x11  }
0xc1: {  	s0 =	sor.u32 s1, s0  }
0xc2: {  	s0 =	sadd.s32 $0x8F2B, s0  }
0xc3: {  	[sflag:s0] =	ssyncadd.remote.s32 $0x1  }
0xc4: {  	_ =	sfence.sel $0xFFFF  }
0xc5: {  	[dreg:$0x0] =	wrdreg $0xFFFFFFFF;
	(pc) =	sbr.abs _section_cstart, $3  }
0xc6: {  	[dreg:$0x1] =	wrdreg $0xFFFFFFFF  }
0xc7: {  	_ =	task.clear_ibuf [dreg:s7], $0x2FFFF;
	_ =	strace $0x9FFFFFFF  }
0xc8: {  	(tm) =	ssettm $0x7FFFFFFF  }
0xc9: {  	_ =	shalt  }
tec
execute0_lowered:
.L_overlay_start_1:
0x0: {  	(tag) =	ssettag $0x1  }
0x1: {  	s4 =	rddreg [dreg:$0x0]  }
0x2: {  	s1 =	rddreg [dreg:$0x1]  }
0x3: {  	s0 =	rddreg [dreg:$0x2];
	s2 =	simm.s32 $0x0  }
0x4: {  	s5 =	srdreg.scid;
	s8 =	simm.s32 $0x80;
	s9 =	simm.s32 $0x4  }
0x5: {  	s10 =	simm.s32 $0x0;
	[smem:$0x7FF] =	sst s2;
	s3 =	sadd.s32 $0x2600, s4  }
0x6: {  	s4 =	sadd.s32 $0x82600, s4;
	_ =	strace $0x80000047;
	[dreg:$0x3] =	wrdreg s3  }
0x7: {  	s5 =	sand.u32 $0x1, s5;
	s3 =	stileid.u32;
	[dreg:$0x5] =	wrdreg s4  }
0x8: {  	s6 =	ssub.s32 $0x2, s5;
	s5 =	sshll.u32 s5, $0x4;
	[dreg:$0x4] =	wrdreg s8  }
0x9: {  	s8 =	simm.s32 $0x5;
	s7 =	sshrl.u32 s6, $0x1;
	s5 =	sor.u32 s3, s5  }
0xa: {  	s6 =	ssub.s32 s6, s7;
	s31 =	sshll.u32 s5, $0x7;
	s4 =	sshll.u32 s5, $0x3  }
0xb: {  	s7 =	simm.s32 $0x1;
	s5 =	sadd.s32 s1, s31;
	s6 =	smax.u32 s6, $0x1  }
.LBB2_1:
0xc: {  	_ =	strace $0x80000048;
	s11 =	simm.s32 $0x1;
	p0 =	por $0x0, $0x0  }
0xd: {  	[tilespmem:s2], [sflag:$0x1] =	stream.linear.gather [hbm4b:s5+s2], $0x80, $0x200038;
	[tilespmem:$0x8100] =	vst v63  }
0xe: {  	s11 =	simm.s32 @p0 $0x0  }
0xf: {  	p4 =	por $0x1, $0x1;
	s20 =	sand.u32 $0x1, s2;
	p1 =	sne.s32 s11, $0x0  }
0x10: {  	p2 =	por $0x1, $0x1;
	s18 =	simm.s32 $0x6;
	p0 =	por !p4, !p1  }
0x11: {  	s16 =	simm.s32 $0x0;
	p5 =	por $0x0, $0x0;
	p0 =	por !p0, !p0  }
0x12: {  	s23 =	sadd.s32 $0x0, s4;
	s30 =	sadd.s32 $0x1, s20;
	s12 =	sadd.s32 @p0 s4, s11  }
0x13: {  	_ =	strace $0x90000048;
	s13 =	sand.u32 @p0 $0x1, s7;
	s12 =	sshll.u32 @p0 s12, $0x4  }
0x14: {  	_ =	strace @p0 $0x80000049;
	s15 =	simm.s32 @p0 $0x0;
	s12 =	sand.u32 @p0 $0x1FFFFFF0, s12  }
0x15: {  	s14 =	sshll.u32 @p0 s13, $0x7;
	s13 =	sadd.s32 @p0 $0x1, s13;
	s12 =	sadd.s32 @p0 s1, s12  }
0x16: {  	[tilespmem:s14], [sflag:s13] =	stream.linear.gather @p0 [hbm4b:s12+s15], $0x80, $0x200038;
	[tilespmem:$0x8100] =	vst v63  }
0x17: {  	p3 =	por p2, p2;
	s21 =	sshll.u32 s20, $0xE;
	_ =	strace @p0 $0x90000049  }
0x18: {  	s16 =	sand.u32 $0x80, s16;
	p2 =	por p5, p5;
	_ =	strace $0x8000004A  }
0x19: {  	s17 =	sadd.s32 $0x1, s11;
	s22 =	sor.u32 $0x100, s21;
	_ =	swait.ge [sflag:s30], $0x80  }
0x1a: {  	s21 =	simm.s32 $0x1;
	p6 =	por p1, p1;
	[sflag:s30] =	ssyncset.done $0x0  }
0x1b: {  	p1 =	por p3, p3;
	p4 =	por $0x1, $0x1;
	[sflag:s30] =	ssyncadd.s32 $0xFFFFFF80  }
0x1c: {  	s12 =	simm.s32 $0x7;
	s15 =	sand.u32 @!p3 $0x1, s2;
	_ =	strace $0x9000004A  }
0x1d: {  	s13 =	simm.s32 $0x1;
	p3 =	seq.s32 s17, $0x8;
	_ =	strace $0x8000004B  }
0x1e: {  	s13 =	simm.s32 @!p0 $0x0;
	s17 =	simm.s32 @p3 $0x0;
	s19 =	rddreg [dreg:$0x4]  }
0x1f: {  	p0 =	por $0x0, $0x0;
	s14 =	sadd.s32 $0x1, s13;
	s31 =	rddreg [dreg:$0x3]  }
0x20: {  	[tilespmem:s22], [sflag:$0x5] =	stream.indirect.gather [hbm4b:s31+s19], $0x80, s16, s19, $0x2000b8;
	[tilespmem:$0x8100] =	vst v63  }
0x21: {  	p3 =	sne.s32 s11, s17;
	s21 =	simm.s32 @!p0 $0x0;
	_ =	swait.ge [sflag:s8], $0x4000  }
0x22: {  	p5 =	por !p4, !p3;
	p4 =	por $0x0, $0x0;
	[sflag:s8] =	ssyncset.done $0x0  }
0x23: {  	s13 =	simm.s32 $0x0;
	p6 =	por p4, p6;
	[sflag:s8] =	ssyncadd.s32 $0xFFFFC000  }
0x24: {  	s16 =	simm.s32 $0x0;
	s19 =	simm.s32 $0x0;
	_ =	strace $0x9000004B  }
.LBB2_2:
0x25: {  	_ =	strace @p6 $0x8000004C;
	s13 =	sadd.s32 s21, s13;
	s21 =	smov.u32 s12  }
0x26: {  	s12 =	smov.u32 s18;
	s18 =	sadd.s32 $0xFFFFFFFF, s18;
	p0 =	por p3, p3  }
0x27: {  	s28 =	sshll.u32 @p6 s23, $0xB;
	s20 =	sadd.s32 @p6 $0x3, s20;
	s24 =	simm.s32 @!p0 $0x0  }
0x28: {  	s25 =	rddreg [dreg:$0x5];
	s28 =	sand.u32 @p6 $0x1FFFF800, s28;
	s24 =	simm.s32 @p0 $0x1  }
0x29: {  	s25 =	sadd.s32 @p6 s25, s28;
	s28 =	simm.s32 @p6 $0x0;
	p0 =	sne.s32 s18, $0x0  }
0x2a: {  	[hbm4b:s25+s28] =	stream.linear.scatter @p6 [tilespmem:s22], [sflag:s20], $0x4000, $0x200038;
	[tilespmem:$0x8100] =	vst v63  }
0x2b: {  	s20 =	sadd.s32 @!p1 $0x3, s15;
	s15 =	simm.s32 @!p0 $0x0  }
0x2c: {  	s26 =	simm.s32 $0x1;
	[smem:$0x7FC] =	sst s24;
	s15 =	simm.s32 @p0 $0x1  }
0x2d: {  	s26 =	simm.s32 @!p6 $0x0;
	_ =	strace @p6 $0x9000004C;
	[smem:$0x7FD] =	sst s15  }
0x2e: {  	p5 =	por !p5, !p5;
	s19 =	sadd.s32 s26, s19;
	_ =	strace @!p1 $0x8000004D  }
0x2f: {  	s24 =	sand.u32 @!p2 $0x1, s13;
	s22 =	sand.u32 @p5 $0x1, s14;
	_ =	swait.ge @!p1 [sflag:s20], $0x4000  }
0x30: {  	s15 =	smov.u32 s24;
	s24 =	sadd.s32 @p5 s4, s17;
	[sflag:s20] =	ssyncset.done @!p1 $0x0  }
0x31: {  	s25 =	sshll.u32 @p5 s22, $0x7;
	s24 =	sshll.u32 @p5 s24, $0x4;
	[sflag:s20] =	ssyncadd.s32 @!p1 $0xFFFFC000  }
0x32: {  	s20 =	sadd.s32 @p5 $0x1, s22;
	s22 =	sand.u32 @p5 $0x1FFFFFF0, s24;
	_ =	strace @!p1 $0x9000004D  }
0x33: {  	s24 =	simm.s32 @p5 $0x0;
	s22 =	sadd.s32 @p5 s1, s22;
	_ =	strace @p5 $0x80000049  }
0x34: {  	[tilespmem:s25], [sflag:s20] =	stream.linear.gather @p5 [hbm4b:s22+s24], $0x80, $0x200038;
	[tilespmem:$0x8100] =	vst v63  }
0x35: {  	s16 =	sadd.s32 s26, s16;
	s26 =	sand.u32 $0x1, s19;
	_ =	strace @p5 $0x90000049  }
0x36: {  	s24 =	sadd.s32 $0x1, s26;
	_ =	strace $0x8000004A  }
0x37: {  	_ =	swait.ge [sflag:s24], $0x80  }
0x38: {  	[sflag:s24] =	ssyncset.done $0x0  }
0x39: {  	s20 =	simm.s32 $0x1;
	[sflag:s24] =	ssyncadd.s32 $0xFFFFFF80  }
0x3a: {  	s20 =	simm.s32 @!p5 $0x0;
	_ =	strace $0x9000004A  }
0x3b: {  	s14 =	sadd.s32 s20, s14;
	s20 =	sand.u32 $0x1, s16;
	_ =	strace $0x8000004B  }
0x3c: {  	s29 =	sshll.u32 s19, $0x7;
	s25 =	sshll.u32 s20, $0xE;
	s26 =	rddreg [dreg:$0x4]  }
0x3d: {  	s29 =	sand.u32 $0x80, s29;
	s22 =	sor.u32 $0x100, s25;
	s30 =	rddreg [dreg:$0x3]  }
0x3e: {  	[tilespmem:s22], [sflag:$0x5] =	stream.indirect.gather [hbm4b:s30+s26], $0x80, s29, s26, $0x2000b8;
	[tilespmem:$0x8100] =	vst v63  }
0x3f: {  	_ =	swait.ge [sflag:s8], $0x4000  }
0x40: {  	s31 =	sadd.s32 $0x1, s17;
	[sflag:s8] =	ssyncset.done $0x0  }
0x41: {  	s23 =	sadd.s32 s4, s11;
	s11 =	smov.u32 s17;
	[sflag:s8] =	ssyncadd.s32 $0xFFFFC000  }
0x42: {  	p3 =	seq.s32 s31, $0x8;
	s17 =	smov.u32 s31;
	_ =	strace $0x9000004B  }
0x43: {  	s17 =	simm.s32 @p3 $0x0;
	s31 =	sld [smem:$0x7FD]  }
0x44: {  	p6 =	sne.s32 s12, $0x1;
	p0 =	sne.s32 s21, $0x8;
	p3 =	sne.s32 s11, s17  }
0x45: {  	p5 =	por !p6, !p3;
	p6 =	seq.s32 s21, $0x1;
	s21 =	simm.s32 $0x1  }
0x46: {  	s21 =	simm.s32 @!p0 $0x0;
	p0 =	seq.s32 s31, $0x1  }
.Ltmp0:
0x47: {  	s30 =	sld [smem:$0x7FC];
	(pc) =	sbr.rel @p0 .LBB2_2-.Ltmp0, $4  }
0x48: {  	_ = 	snop  }
0x49: {  	p4 =	seq.s32 s12, $0x8  }
0x4a: {  	p1 =	por p2, p2;
	p2 =	por p4, p4;
	p4 =	seq.s32 s30, $0x1  }
0x4b: {  	p6 =	por p6, p4  }
0x4c: {  	_ =	strace @p6 $0x8000004C;
	s23 =	sshll.u32 @p6 s23, $0xB  }
0x4d: {  	s18 =	rddreg [dreg:$0x5];
	s23 =	sand.u32 @p6 $0x1FFFF800, s23  }
0x4e: {  	s20 =	sadd.s32 @p6 $0x3, s20;
	s18 =	sadd.s32 @p6 s18, s23;
	s23 =	simm.s32 @p6 $0x0  }
0x4f: {  	[hbm4b:s18+s23] =	stream.linear.scatter @p6 [tilespmem:s22], [sflag:s20], $0x4000, $0x200038;
	[tilespmem:$0x8100] =	vst v63  }
0x50: {  	p0 =	por !p5, !p5;
	_ =	strace @p6 $0x9000004C  }
0x51: {  	s15 =	sadd.s32 @!p1 $0x3, s15;
	s17 =	sadd.s32 @p0 s4, s17;
	_ =	strace @!p1 $0x8000004D  }
0x52: {  	s14 =	sand.u32 @p0 $0x1, s14;
	s17 =	sshll.u32 @p0 s17, $0x4;
	_ =	swait.ge @!p1 [sflag:s15], $0x4000  }
0x53: {  	s18 =	simm.s32 $0x1;
	s20 =	sshll.u32 @p0 s14, $0x7;
	[sflag:s15] =	ssyncset.done @!p1 $0x0  }
0x54: {  	s14 =	sadd.s32 @p0 $0x1, s14;
	s18 =	simm.s32 @!p6 $0x0;
	[sflag:s15] =	ssyncadd.s32 @!p1 $0xFFFFC000  }
0x55: {  	s19 =	sadd.s32 s18, s19;
	s15 =	sand.u32 @p0 $0x1FFFFFF0, s17;
	_ =	strace @!p1 $0x9000004D  }
0x56: {  	s17 =	simm.s32 @p0 $0x0;
	s15 =	sadd.s32 @p0 s1, s15;
	_ =	strace @p0 $0x80000049  }
0x57: {  	[tilespmem:s20], [sflag:s14] =	stream.linear.gather @p0 [hbm4b:s15+s17], $0x80, $0x200038;
	[tilespmem:$0x8100] =	vst v63  }
0x58: {  	s25 =	sand.u32 $0x1, s19;
	_ =	strace @p0 $0x90000049  }
0x59: {  	s14 =	sadd.s32 $0x1, s25;
	_ =	strace $0x8000004A  }
0x5a: {  	_ =	swait.ge [sflag:s14], $0x80  }
0x5b: {  	[sflag:s14] =	ssyncset.done $0x0  }
0x5c: {  	[sflag:s14] =	ssyncadd.s32 $0xFFFFFF80  }
0x5d: {  	s26 =	sadd.s32 s18, s16;
	_ =	strace $0x9000004A  }
0x5e: {  	s14 =	sand.u32 $0x1, s26;
	_ =	strace $0x8000004B  }
0x5f: {  	s30 =	sshll.u32 s19, $0x7;
	s31 =	sshll.u32 s14, $0xE;
	s28 =	rddreg [dreg:$0x4]  }
0x60: {  	s17 =	sand.u32 $0x80, s30;
	s18 =	sor.u32 $0x100, s31;
	s29 =	rddreg [dreg:$0x3]  }
0x61: {  	[tilespmem:s18], [sflag:$0x5] =	stream.indirect.gather [hbm4b:s29+s28], $0x80, s17, s28, $0x2000b8;
	[tilespmem:$0x8100] =	vst v63  }
0x62: {  	_ =	swait.ge [sflag:s8], $0x4000  }
0x63: {  	[sflag:s8] =	ssyncset.done $0x0  }
0x64: {  	p5 =	por p3, p3;
	p6 =	seq.s32 s12, $0x1;
	[sflag:s8] =	ssyncadd.s32 $0xFFFFC000  }
0x65: {  	s11 =	sadd.s32 s4, s11;
	p0 =	por p6, p5;
	_ =	strace $0x9000004B  }
0x66: {  	s11 =	sshll.u32 @p0 s11, $0xB;
	_ =	strace @p0 $0x8000004C  }
0x67: {  	s13 =	sadd.s32 s21, s13;
	s11 =	sand.u32 @p0 $0x1FFFF800, s11;
	s12 =	rddreg [dreg:$0x5]  }
0x68: {  	s14 =	sadd.s32 @p0 $0x3, s14;
	s11 =	sadd.s32 @p0 s12, s11;
	s12 =	simm.s32 @p0 $0x0  }
0x69: {  	[hbm4b:s11+s12] =	stream.linear.scatter @p0 [tilespmem:s18], [sflag:s14], $0x4000, $0x200038;
	[tilespmem:$0x8100] =	vst v63  }
0x6a: {  	p1 =	por p2, p2;
	s11 =	sand.u32 @!p2 $0x1, s13;
	_ =	strace @p0 $0x9000004C  }
0x6b: {  	s11 =	sadd.s32 @!p1 $0x3, s11;
	_ =	strace @!p1 $0x8000004D  }
0x6c: {  	_ =	swait.ge @!p1 [sflag:s11], $0x4000  }
0x6d: {  	[sflag:s11] =	ssyncset.done @!p1 $0x0  }
0x6e: {  	s10 =	sadd.s32 $0x1, s10;
	[sflag:s11] =	ssyncadd.s32 @!p1 $0xFFFFC000  }
0x6f: {  	p0 =	sne.s32 s10, s6;
	_ =	strace @!p1 $0x9000004D  }
.Ltmp1:
0x70: {  	_ =	strace $0x8000004E;
	(pc) =	sbr.rel @p0 .LBB2_1-.Ltmp1, $4  }
0x71: {  	_ =	swait.ge [sflag:s9], $0x4000  }
0x72: {  	[sflag:s9] =	ssyncset.done $0x0  }
0x73: {  	[sflag:s9] =	ssyncadd.s32 $0xFFFFC000  }
0x74: {  	_ =	strace $0x9000004E  }
0x75: {  	_ =	sfence.sel $0x180000  }
0x76: {  	[bflag:$0x0] =	sbarrier.arrive $0xFFFF  }
0x77: {  	p0 =	sne.s32 s3, $0x0;
	_ =	strace $0x90000047  }
0x78: {  	s0 =	sadd.s32 @!p0 $0x100000, s0;
	[bflag:$0x2] =	sbarrier.arrive $0xFFFF  }
0x79: {  	[sflag:s0] =	ssyncadd.tile.s32 @!p0 $0x1;
	_ =	shalt  }
.Lfunc_end2:
_tile_overlayer_lowered:
.L_overlay_start_2:
0x7a: {  	(tag) =	ssettag $0x2  }
0x7b: {  	s0 =	rddreg [dreg:$0x0];
	s2 =	stileid.u32  }
0x7c: {  	s1 =	rddreg [dreg:$0x1];
	p0 =	sne.s32 s2, $0x0  }
0x7d: {  	s3 =	rddreg [dreg:$0x2];
	[bflag:$0x3] =	sbarrier.arrive $0xFFFF;
	s2 =	simm.s32 @!p0 $0x1C01  }
0x7e: {  	[timem:s3], [sflag:s2] =	dma.local @!p0 [hbm:s0], s1  }
0x7f: {  	s0 =	simm.s32 @!p0 $0x1  }
0x80: {  	_ =	swait.ge @!p0 [sflag:s0], s1  }
0x81: {  	s1 =	ssub.s32 @!p0 $0x0, s1;
	[sflag:s0] =	ssyncset.done @!p0 $0x0  }
0x82: {  	[sflag:s0] =	ssyncadd.s32 @!p0 s1  }
0x83: {  	[bflag:$0x3] =	sbarrier.arrive $0xFFFF  }
0x84: {  	_ =	shalt  }

</sc_bundles>
